<compile_context>
chip_gen: v7x
topology: tpu7x:2x2x1
jax: 0.10.2.dev20260603
libtpu: 0.0.44.dev20260713+nightly
codegen_flags: <defaults>
</compile_context>

<pallas_src>
import functools

import jax
import jax.numpy as jnp
from jax import lax
from jax.experimental import pallas as pl
from jax.experimental.pallas import tpu as pltpu
from jax.experimental.pallas import tpu_sc as plsc

_N = 10000
_E = 320000
_D = 64
_NC = 2
_NS = 16
_CW = 128
_CH1 = 160
_CH2 = 80
_EP = _NS * _CH1 * _CW
_NP = 10240
_RPT = _NP // _NS
_ZB = 128

_MESH = plsc.VectorSubcoreMesh(core_axis_name="c", subcore_axis_name="s")


def _zero_acc(zbuf, acc, s):
    @pl.loop(0, _ZB)
    def _(i):
        @pl.loop(0, _D // 16)
        def _(kk):
            zbuf[i, pl.ds(kk * 16, 16)] = jnp.zeros((16,), jnp.float32)

    @pl.loop(0, _RPT // _ZB)
    def _(kk):
        pltpu.sync_copy(zbuf, acc.at[pl.ds(s * _RPT + kk * _ZB, _ZB)])


_NB = 4


def _segsum_loop(table, sidx_v, didx_v, msgs, acc, sems, n_ch, bump):

    def xform(jj):
        @pl.when(bump)
        def _():
            for kk in range(_CW // 16):
                v = sidx_v[jj, pl.ds(kk * 16, 16)]
                sidx_v[jj, pl.ds(kk * 16, 16)] = v + 1

    for b in range(_NB):
        xform(b)
        pltpu.make_async_copy(table.at[sidx_v.at[b]], msgs[b],
                              sems[b]).start()

    @pl.loop(0, n_ch, step=_NB)
    def _(j):
        for b in range(_NB):
            pltpu.make_async_copy(table.at[sidx_v.at[j + b]], msgs[b],
                                  sems[b]).wait()
            pltpu.sync_copy(msgs[b], acc.at[didx_v.at[j + b]], add=True)

            @pl.when(j + _NB + b < n_ch)
            def _():
                xform(j + _NB + b)
                pltpu.make_async_copy(table.at[sidx_v.at[j + _NB + b]],
                                      msgs[b], sems[b]).start()


@functools.partial(
    pl.kernel,
    mesh=_MESH,
    out_type=jax.ShapeDtypeStruct((_NP, _NC * _D), jnp.float32),
    scratch_types=[
        pltpu.VMEM((_CH1, _CW), jnp.int32),
        pltpu.VMEM((_CH1, _CW), jnp.int32),
        pltpu.VMEM((_CW, _D), jnp.float32),
        pltpu.VMEM((_CW, _D), jnp.float32),
        pltpu.VMEM((_CW, _D), jnp.float32),
        pltpu.VMEM((_CW, _D), jnp.float32),
        pltpu.VMEM((_ZB, _D), jnp.float32),
        pltpu.VMEM_SHARED((_NP, _D), jnp.float32),
        pltpu.SemaphoreType.DMA,
        pltpu.SemaphoreType.DMA,
        pltpu.SemaphoreType.DMA,
        pltpu.SemaphoreType.DMA,
        pltpu.SemaphoreType.DMA,
    ],
    compiler_params=pltpu.CompilerParams(use_tc_tiling_on_sc=False),
)
def _sc_layer1(table_h, sidx_h, didx_h, out_h, sidx_v, didx_v, msg0, msg1,
               msg2, msg3, zbuf, acc, sem0, sem1, sem2, sem3, semi):
    c = lax.axis_index("c")
    s = lax.axis_index("s")

    pltpu.make_async_copy(sidx_h.at[s], sidx_v, semi).start()
    pltpu.make_async_copy(didx_h.at[s], didx_v, semi).start()
    _zero_acc(zbuf, acc, s)
    pltpu.make_async_copy(sidx_h.at[s], sidx_v, semi).wait()
    pltpu.make_async_copy(didx_h.at[s], didx_v, semi).wait()
    plsc.subcore_barrier()

    _segsum_loop(table_h, sidx_v, didx_v, (msg0, msg1, msg2, msg3), acc,
                 (sem0, sem1, sem2, sem3), _CH1, c == 1)

    plsc.subcore_barrier()
    pltpu.sync_copy(acc.at[pl.ds(s * _RPT, _RPT)],
                    out_h.at[pl.ds(s * _RPT, _RPT), pl.ds(c * _D, _D)])


@functools.partial(
    pl.kernel,
    mesh=_MESH,
    out_type=jax.ShapeDtypeStruct((_NP, _NC * _D), jnp.float32),
    scratch_types=[
        pltpu.VMEM((_CH2, _CW), jnp.int32),
        pltpu.VMEM((_CH2, _CW), jnp.int32),
        pltpu.VMEM((_CW, _D), jnp.float32),
        pltpu.VMEM((_CW, _D), jnp.float32),
        pltpu.VMEM((_CW, _D), jnp.float32),
        pltpu.VMEM((_CW, _D), jnp.float32),
        pltpu.VMEM((_ZB, _D), jnp.float32),
        pltpu.VMEM_SHARED((_NP, _D), jnp.float32),
        pltpu.SemaphoreType.DMA,
        pltpu.SemaphoreType.DMA,
        pltpu.SemaphoreType.DMA,
        pltpu.SemaphoreType.DMA,
        pltpu.SemaphoreType.DMA,
    ],
    compiler_params=pltpu.CompilerParams(use_tc_tiling_on_sc=False),
)
def _sc_layer2(table_h, sidx_h, didx_h, out_h, sidx_v, didx_v, msg0, msg1,
               msg2, msg3, zbuf, acc, sem0, sem1, sem2, sem3, semi):
    c = lax.axis_index("c")
    s = lax.axis_index("s")
    wid = c * _NS + s

    pltpu.make_async_copy(
        sidx_h.at[wid // 2, pl.ds((wid % 2) * _CH2, _CH2)], sidx_v,
        semi).start()
    pltpu.make_async_copy(
        didx_h.at[wid // 2, pl.ds((wid % 2) * _CH2, _CH2)], didx_v,
        semi).start()
    _zero_acc(zbuf, acc, s)
    pltpu.make_async_copy(
        sidx_h.at[wid // 2, pl.ds((wid % 2) * _CH2, _CH2)], sidx_v,
        semi).wait()
    pltpu.make_async_copy(
        didx_h.at[wid // 2, pl.ds((wid % 2) * _CH2, _CH2)], didx_v,
        semi).wait()
    plsc.subcore_barrier()

    _segsum_loop(table_h, sidx_v, didx_v, (msg0, msg1, msg2, msg3), acc,
                 (sem0, sem1, sem2, sem3), _CH2, False)

    plsc.subcore_barrier()
    pltpu.sync_copy(acc.at[pl.ds(s * _RPT, _RPT)],
                    out_h.at[pl.ds(s * _RPT, _RPT), pl.ds(c * _D, _D)])


def _dense1(agg_ref, norm_ref, w1_ref, b1_ref, w2_ref, o_ref):
    hs = agg_ref[...] * norm_ref[...]
    dn = (((1,), (0,)), ((), ()))
    h = lax.dot_general(hs, w1_ref[...], dn,
                        preferred_element_type=jnp.float32) + b1_ref[...]
    hr = jnp.maximum(h, 0.0)
    p = (lax.dot_general(h, w2_ref[0:128], dn,
                         preferred_element_type=jnp.float32)
         + lax.dot_general(hr, w2_ref[128:256], dn,
                           preferred_element_type=jnp.float32))
    o_ref[:, 0:64] = p
    o_ref[:, 64:128] = p


def _dense2(q_ref, norm_ref, b2_ref, o_ref):
    q = q_ref[:, 0:64] + q_ref[:, 64:128]
    o_ref[...] = q * norm_ref[...] + b2_ref[...]


def kernel(x, edge_index, norm, W1, b1, W2, b2):
    npad = _EP - _E
    src_p = (2 * jnp.concatenate(
        [edge_index[0], (jnp.arange(npad, dtype=jnp.int32) % _N)]
    )).reshape(_NS, _CH1, _CW)
    dst_p = jnp.concatenate(
        [edge_index[1],
         _N + 112 + (jnp.arange(npad, dtype=jnp.int32) % 128)]
    ).reshape(_NS, _CH1, _CW)
    x2 = x.reshape(_NC * _N, _D)
    b1r = b1.reshape(1, -1)
    b2r = b2.reshape(1, -1)

    agg = _sc_layer1(x2, src_p, dst_p)

    B1 = 2000
    p2 = pl.pallas_call(
        _dense1,
        grid=(_N // B1,),
        in_specs=[
            pl.BlockSpec((B1, 128), lambda i: (i, 0)),
            pl.BlockSpec((B1, 1), lambda i: (i, 0)),
            pl.BlockSpec((128, 128), lambda i: (0, 0)),
            pl.BlockSpec((1, 128), lambda i: (0, 0)),
            pl.BlockSpec((256, 64), lambda i: (0, 0)),
        ],
        out_specs=pl.BlockSpec((B1, 128), lambda i: (i, 0)),
        out_shape=jax.ShapeDtypeStruct((_N, 128), jnp.float32),
    )(agg, norm, W1, b1r, W2)

    part2 = _sc_layer2(p2.reshape(_NC * _N, _D), src_p, dst_p)

    B2 = 2000
    out = pl.pallas_call(
        _dense2,
        grid=(_N // B2,),
        in_specs=[
            pl.BlockSpec((B2, 128), lambda i: (i, 0)),
            pl.BlockSpec((B2, 1), lambda i: (i, 0)),
            pl.BlockSpec((1, 64), lambda i: (0, 0)),
        ],
        out_specs=pl.BlockSpec((B2, 64), lambda i: (i, 0)),
        out_shape=jax.ShapeDtypeStruct((_N, 64), jnp.float32),
    )(part2, norm, b2r)

    return out

# --- scband reference (transcript-rebuilt; emitter-appended) ---
"""Pipeline reference for scband-gcnsampling-37967510896973 (READ-ONLY COPY).

The authoritative reference and input builder live on the scoring server;
editing this copy changes nothing except your own understanding.
"""

import jax, jax.numpy as jnp
import numpy as np

N = 10000
E = 320000
D_IN = 128
D_HID = 128
N_CLASSES = 64


def setup_inputs(seed: int = 0) -> dict:
    key = jax.random.key(seed)
    ks = jax.random.split(key, 8)
    x = jax.random.normal(ks[0], (N, D_IN), dtype=jnp.float32)
    edge_index = jax.random.randint(ks[1], (2, E), 0, N, dtype=jnp.int32)
    norm = jax.random.uniform(ks[2], (N, 1), dtype=jnp.float32)
    # layer 1: NodeUpdate(in_feats=128 -> n_hidden=128), concat=True (n_layers==2)
    W1 = jax.random.normal(ks[3], (D_IN, D_HID), dtype=jnp.float32) * (1.0 / np.sqrt(D_IN))
    b1 = jnp.zeros((D_HID,), dtype=jnp.float32)
    # layer 2: NodeUpdate(2*n_hidden=256 -> n_classes=64), no activation
    W2 = jax.random.normal(ks[4], (2 * D_HID, N_CLASSES), dtype=jnp.float32) * (1.0 / np.sqrt(2 * D_HID))
    b2 = jnp.zeros((N_CLASSES,), dtype=jnp.float32)
    return {"x": x, "edge_index": edge_index, "norm": norm, "W1": W1, "b1": b1, "W2": W2, "b2": b2}


def reference(x, edge_index, norm, W1, b1, W2, b2):
    # Inference path of GCNSampling (n_layers=2): per layer,
    # block_compute(copy_src, sum) -> scatter-add of src features onto dst nodes,
    # then NodeUpdate: h = agg * norm; h = Linear(h); concat([h, relu(h)]) on layer 1.
    src = edge_index[0]
    dst = edge_index[1]
    # ---- layer 1 ----
    msgs = jnp.take(x, src, axis=0)                      # gather src features [E, D_IN]
    agg = jax.ops.segment_sum(msgs, dst, num_segments=N)  # scatter-add to dst [N, D_IN]
    h = agg * norm
    h = h @ W1 + b1
    h = jnp.concatenate([h, jax.nn.relu(h)], axis=1)      # concat=True -> [N, 2*D_HID]
    # ---- layer 2 ----
    msgs2 = jnp.take(h, src, axis=0)                      # [E, 2*D_HID]
    agg2 = jax.ops.segment_sum(msgs2, dst, num_segments=N)
    h2 = agg2 * norm
    out = h2 @ W2 + b2                                    # [N, N_CLASSES]
    return out

if __name__ == "__main__":
    import jax
    _d = setup_inputs()
    print(jax.jit(kernel)(*tuple(_d.values())))

</pallas_src>

<mosaic_0001>
#map = affine_map<(d0, d1) -> (0, 0)>
#map1 = affine_map<(d0, d1) -> (0, 0, 0)>
module attributes {stable_mosaic.version = 14 : i64} {
  func.func @_sc_layer1(%arg0: i32, %arg1: i32, %arg2: memref<20000x64xf32, #tpu.memory_space<hbm>>, %arg3: memref<16x160x128xi32, #tpu.memory_space<hbm>>, %arg4: memref<16x160x128xi32, #tpu.memory_space<hbm>>, %arg5: memref<10240x128xf32, #tpu.memory_space<hbm>>, %arg6: memref<160x128xi32, #tpu.memory_space<vmem>>, %arg7: memref<160x128xi32, #tpu.memory_space<vmem>>, %arg8: memref<128x64xf32, #tpu.memory_space<vmem>>, %arg9: memref<128x64xf32, #tpu.memory_space<vmem>>, %arg10: memref<128x64xf32, #tpu.memory_space<vmem>>, %arg11: memref<128x64xf32, #tpu.memory_space<vmem>>, %arg12: memref<128x64xf32, #tpu.memory_space<vmem>>, %arg13: memref<10240x64xf32, #tpu.memory_space<vmem_shared>>, %arg14: memref<!tpu.dma_semaphore, #tpu.memory_space<semaphore_mem>>, %arg15: memref<!tpu.dma_semaphore, #tpu.memory_space<semaphore_mem>>, %arg16: memref<!tpu.dma_semaphore, #tpu.memory_space<semaphore_mem>>, %arg17: memref<!tpu.dma_semaphore, #tpu.memory_space<semaphore_mem>>, %arg18: memref<!tpu.dma_semaphore, #tpu.memory_space<semaphore_mem>>) attributes {dimension_semantics = [#tpu.dimension_semantics<core_parallel>, #tpu.dimension_semantics<subcore_parallel>], iteration_bounds = array<i64: 2, 16>, scalar_prefetch = 0 : i64, scratch_operands = 13 : i64, tpu.core_type = #tpu.core_type<sc_vector_subcore>, window_params = [{transform_indices = #map}, {transform_indices = #map1}, {transform_indices = #map1}, {transform_indices = #map}]} {
    %dma_start3A = arith.constant 0 : i32
    %dma_start3A_0 = arith.constant 0 : i32
    %dma_start3A_1 = tpu.memref_slice %arg3[%arg1, %dma_start3A, %dma_start3A_0] : memref<16x160x128xi32, #tpu.memory_space<hbm>> -> memref<1x160x128xi32, #tpu.memory_space<hbm>>
    %dma_start3A_2 = tpu.memref_squeeze %dma_start3A_1 : memref<1x160x128xi32, #tpu.memory_space<hbm>> -> memref<160x128xi32, #tpu.memory_space<hbm>>
    %dma_start3A_3 = arith.constant 0 : i32
    %dma_start3A_4 = arith.constant 0 : i32
    %dma_start3A_5 = tpu.memref_slice %arg3[%arg1, %dma_start3A_3, %dma_start3A_4] : memref<16x160x128xi32, #tpu.memory_space<hbm>> -> memref<1x160x128xi32, #tpu.memory_space<hbm>>
    %dma_start3A_6 = tpu.memref_squeeze %dma_start3A_5 : memref<1x160x128xi32, #tpu.memory_space<hbm>> -> memref<160x128xi32, #tpu.memory_space<hbm>>
    tpu.enqueue_dma source(%dma_start3A_6 : memref<160x128xi32, #tpu.memory_space<hbm>>) target(%arg6 : memref<160x128xi32, #tpu.memory_space<vmem>>) target_semaphore(%arg18 : memref<!tpu.dma_semaphore, #tpu.memory_space<semaphore_mem>>)
    %dma_start3A_7 = arith.constant 0 : i32
    %dma_start3A_8 = arith.constant 0 : i32
    %dma_start3A_9 = tpu.memref_slice %arg4[%arg1, %dma_start3A_7, %dma_start3A_8] : memref<16x160x128xi32, #tpu.memory_space<hbm>> -> memref<1x160x128xi32, #tpu.memory_space<hbm>>
    %dma_start3A_10 = tpu.memref_squeeze %dma_start3A_9 : memref<1x160x128xi32, #tpu.memory_space<hbm>> -> memref<160x128xi32, #tpu.memory_space<hbm>>
    %dma_start3A_11 = arith.constant 0 : i32
    %dma_start3A_12 = arith.constant 0 : i32
    %dma_start3A_13 = tpu.memref_slice %arg4[%arg1, %dma_start3A_11, %dma_start3A_12] : memref<16x160x128xi32, #tpu.memory_space<hbm>> -> memref<1x160x128xi32, #tpu.memory_space<hbm>>
    %dma_start3A_14 = tpu.memref_squeeze %dma_start3A_13 : memref<1x160x128xi32, #tpu.memory_space<hbm>> -> memref<160x128xi32, #tpu.memory_space<hbm>>
    tpu.enqueue_dma source(%dma_start3A_14 : memref<160x128xi32, #tpu.memory_space<hbm>>) target(%arg7 : memref<160x128xi32, #tpu.memory_space<vmem>>) target_semaphore(%arg18 : memref<!tpu.dma_semaphore, #tpu.memory_space<semaphore_mem>>)
    %scan3A = arith.constant 0 : i32
    %scan3A_15 = arith.constant 128 : i32
    %scan3A_16 = arith.addi %scan3A, %scan3A_15 : i32
    %scan3A_17 = arith.constant 1 : i32
    scf.for %scan3A_89 = %scan3A to %scan3A_16 step %scan3A_17  : i32 {
      %mul3A_90 = arith.constant 1 : i32
      %mul3A_91 = arith.muli %scan3A_89, %mul3A_90 : i32
      %add3A = arith.constant 0 : i32
      %add3A_92 = arith.addi %add3A, %mul3A_91 : i32
      %scan3A_93 = arith.constant 0 : i32
      %scan3A_94 = arith.constant 4 : i32
      %scan3A_95 = arith.addi %scan3A_93, %scan3A_94 : i32
      %scan3A_96 = arith.constant 1 : i32
      scf.for %scan3A_98 = %scan3A_93 to %scan3A_95 step %scan3A_96  : i32 {
        %mul3A_99 = arith.constant 1 : i32
        %mul3A_100 = arith.muli %scan3A_98, %mul3A_99 : i32
        %add3A_101 = arith.constant 0 : i32
        %add3A_102 = arith.addi %add3A_101, %mul3A_100 : i32
        %broadcast_in_dim3A = arith.constant 0.000000e+00 : f32
        %broadcast_in_dim3A_103 = vector.broadcast %broadcast_in_dim3A : f32 to vector<16xf32>
        %mul3A_104 = arith.constant 16 : i32
        %mul3A_105 = arith.muli %add3A_102, %mul3A_104 : i32
        %swap3A = arith.index_cast %add3A_92 : i32 to index
        %swap3A_106 = arith.index_cast %mul3A_105 : i32 to index
        %swap3A_107 = tpu.vector_load %arg12[%swap3A, %swap3A_106] {strides = array<i32>} : memref<128x64xf32, #tpu.memory_space<vmem>>, vector<1x16xf32>,
        %swap3A_108 = vector.shape_cast %swap3A_107 : vector<1x16xf32> to vector<16xf32>
        %swap3A_109 = vector.shape_cast %broadcast_in_dim3A_103 : vector<16xf32> to vector<1x16xf32>
        tpu.vector_store %arg12[%swap3A, %swap3A_106], %swap3A_109 {strides = array<i32>} : memref<128x64xf32, #tpu.memory_space<vmem>>, vector<1x16xf32>,
      }
      %scan3A_97 = arith.constant 4 : i32
    }
    %scan3A_18 = arith.constant 128 : i32
    %scan3A_19 = arith.constant 0 : i32
    %scan3A_20 = arith.constant 5 : i32
    %scan3A_21 = arith.addi %scan3A_19, %scan3A_20 : i32
    %scan3A_22 = arith.constant 1 : i32
    scf.for %scan3A_89 = %scan3A_19 to %scan3A_21 step %scan3A_22  : i32 {
      %mul3A_90 = arith.constant 1 : i32
      %mul3A_91 = arith.muli %scan3A_89, %mul3A_90 : i32
      %add3A = arith.constant 0 : i32
      %add3A_92 = arith.addi %add3A, %mul3A_91 : i32
      %mul3A_93 = arith.constant 640 : i32
      %mul3A_94 = arith.muli %arg1, %mul3A_93 : i32
      %mul3A_95 = arith.constant 128 : i32
      %mul3A_96 = arith.muli %add3A_92, %mul3A_95 : i32
      %add3A_97 = arith.addi %mul3A_94, %mul3A_96 : i32
      "tpu.region"() ({
        %run_scoped3A = tpu.sem_alloc : memref<!tpu.dma_semaphore, #tpu.memory_space<semaphore_mem>>
        %dma_start3A_98 = arith.constant 0 : i32
        %dma_start3A_99 = tpu.memref_slice %arg13[%add3A_97, %dma_start3A_98] : memref<10240x64xf32, #tpu.memory_space<vmem_shared>> -> memref<128x64xf32, #tpu.memory_space<vmem_shared>>
        %dma_start3A_100 = arith.constant 0 : i32
        %dma_start3A_101 = tpu.memref_slice %arg13[%add3A_97, %dma_start3A_100] : memref<10240x64xf32, #tpu.memory_space<vmem_shared>> -> memref<128x64xf32, #tpu.memory_space<vmem_shared>>
        tpu.enqueue_dma source(%arg12 : memref<128x64xf32, #tpu.memory_space<vmem>>) target(%dma_start3A_101 : memref<128x64xf32, #tpu.memory_space<vmem_shared>>) target_semaphore(%run_scoped3A : memref<!tpu.dma_semaphore, #tpu.memory_space<semaphore_mem>>)
        %dma_wait3A_102 = arith.constant 0 : i32
        %dma_wait3A_103 = tpu.memref_slice %arg13[%add3A_97, %dma_wait3A_102] : memref<10240x64xf32, #tpu.memory_space<vmem_shared>> -> memref<128x64xf32, #tpu.memory_space<vmem_shared>>
        %dma_wait3A_104 = arith.constant 0 : i32
        %dma_wait3A_105 = tpu.memref_slice %arg13[%add3A_97, %dma_wait3A_104] : memref<10240x64xf32, #tpu.memory_space<vmem_shared>> -> memref<128x64xf32, #tpu.memory_space<vmem_shared>>
        tpu.wait_dma2 semaphore(%run_scoped3A : memref<!tpu.dma_semaphore, #tpu.memory_space<semaphore_mem>>) src(%arg12 : memref<128x64xf32, #tpu.memory_space<vmem>>) dst(%dma_wait3A_105 : memref<128x64xf32, #tpu.memory_space<vmem_shared>>)
        tpu.yield
      }) : () -> ()
    }
    %scan3A_23 = arith.constant 5 : i32
    %dma_wait3A = arith.constant 0 : i32
    %dma_wait3A_24 = arith.constant 0 : i32
    %dma_wait3A_25 = tpu.memref_slice %arg3[%arg1, %dma_wait3A, %dma_wait3A_24] : memref<16x160x128xi32, #tpu.memory_space<hbm>> -> memref<1x160x128xi32, #tpu.memory_space<hbm>>
    %dma_wait3A_26 = tpu.memref_squeeze %dma_wait3A_25 : memref<1x160x128xi32, #tpu.memory_space<hbm>> -> memref<160x128xi32, #tpu.memory_space<hbm>>
    %dma_wait3A_27 = arith.constant 0 : i32
    %dma_wait3A_28 = arith.constant 0 : i32
    %dma_wait3A_29 = tpu.memref_slice %arg3[%arg1, %dma_wait3A_27, %dma_wait3A_28] : memref<16x160x128xi32, #tpu.memory_space<hbm>> -> memref<1x160x128xi32, #tpu.memory_space<hbm>>
    %dma_wait3A_30 = tpu.memref_squeeze %dma_wait3A_29 : memref<1x160x128xi32, #tpu.memory_space<hbm>> -> memref<160x128xi32, #tpu.memory_space<hbm>>
    tpu.wait_dma2 semaphore(%arg18 : memref<!tpu.dma_semaphore, #tpu.memory_space<semaphore_mem>>) src(%dma_wait3A_30 : memref<160x128xi32, #tpu.memory_space<hbm>>) dst(%arg6 : memref<160x128xi32, #tpu.memory_space<vmem>>)
    %dma_wait3A_31 = arith.constant 0 : i32
    %dma_wait3A_32 = arith.constant 0 : i32
    %dma_wait3A_33 = tpu.memref_slice %arg4[%arg1, %dma_wait3A_31, %dma_wait3A_32] : memref<16x160x128xi32, #tpu.memory_space<hbm>> -> memref<1x160x128xi32, #tpu.memory_space<hbm>>
    %dma_wait3A_34 = tpu.memref_squeeze %dma_wait3A_33 : memref<1x160x128xi32, #tpu.memory_space<hbm>> -> memref<160x128xi32, #tpu.memory_space<hbm>>
    %dma_wait3A_35 = arith.constant 0 : i32
    %dma_wait3A_36 = arith.constant 0 : i32
    %dma_wait3A_37 = tpu.memref_slice %arg4[%arg1, %dma_wait3A_35, %dma_wait3A_36] : memref<16x160x128xi32, #tpu.memory_space<hbm>> -> memref<1x160x128xi32, #tpu.memory_space<hbm>>
    %dma_wait3A_38 = tpu.memref_squeeze %dma_wait3A_37 : memref<1x160x128xi32, #tpu.memory_space<hbm>> -> memref<160x128xi32, #tpu.memory_space<hbm>>
    tpu.wait_dma2 semaphore(%arg18 : memref<!tpu.dma_semaphore, #tpu.memory_space<semaphore_mem>>) src(%dma_wait3A_38 : memref<160x128xi32, #tpu.memory_space<hbm>>) dst(%arg7 : memref<160x128xi32, #tpu.memory_space<vmem>>)
    %barrier3A = arith.constant 0 : index
    tpu.barrier barrier_id(%barrier3A)
    %eq3A = arith.constant 1 : i32
    %eq3A_39 = arith.cmpi eq, %arg0, %eq3A : i32
    %convert_element_type3A = arith.extui %eq3A_39 : i1 to i32
    %cond3A = arith.constant 0 : i32
    %cond3A_40 = arith.cmpi ne, %convert_element_type3A, %cond3A : i32
    scf.if %cond3A_40 {
      %get3A = arith.constant 0 : i32
      %get3A_89 = arith.index_cast %get3A : i32 to index
      %get3A_90 = arith.constant 0 : index
      %get3A_91 = tpu.vector_load %arg6[%get3A_89, %get3A_90] {strides = array<i32>} : memref<160x128xi32, #tpu.memory_space<vmem>>, vector<1x16xi32>,
      %get3A_92 = vector.shape_cast %get3A_91 : vector<1x16xi32> to vector<16xi32>
      %add3A = arith.constant 1 : i32
      %add3A_93 = vector.broadcast %add3A : i32 to vector<16xi32>
      %add3A_94 = arith.addi %get3A_92, %add3A_93 : vector<16xi32>
      %swap3A = arith.constant 0 : i32
      %swap3A_95 = arith.index_cast %swap3A : i32 to index
      %swap3A_96 = arith.constant 0 : index
      %swap3A_97 = tpu.vector_load %arg6[%swap3A_95, %swap3A_96] {strides = array<i32>} : memref<160x128xi32, #tpu.memory_space<vmem>>, vector<1x16xi32>,
      %swap3A_98 = vector.shape_cast %swap3A_97 : vector<1x16xi32> to vector<16xi32>
      %swap3A_99 = vector.shape_cast %add3A_94 : vector<16xi32> to vector<1x16xi32>
      tpu.vector_store %arg6[%swap3A_95, %swap3A_96], %swap3A_99 {strides = array<i32>} : memref<160x128xi32, #tpu.memory_space<vmem>>, vector<1x16xi32>,
      %get3A_100 = arith.constant 0 : i32
      %get3A_101 = arith.index_cast %get3A_100 : i32 to index
      %get3A_102 = arith.constant 16 : index
      %get3A_103 = tpu.vector_load %arg6[%get3A_101, %get3A_102] {strides = array<i32>} : memref<160x128xi32, #tpu.memory_space<vmem>>, vector<1x16xi32>,
      %get3A_104 = vector.shape_cast %get3A_103 : vector<1x16xi32> to vector<16xi32>
      %add3A_105 = arith.constant 1 : i32
      %add3A_106 = vector.broadcast %add3A_105 : i32 to vector<16xi32>
      %add3A_107 = arith.addi %get3A_104, %add3A_106 : vector<16xi32>
      %swap3A_108 = arith.constant 0 : i32
      %swap3A_109 = arith.index_cast %swap3A_108 : i32 to index
      %swap3A_110 = arith.constant 16 : index
      %swap3A_111 = tpu.vector_load %arg6[%swap3A_109, %swap3A_110] {strides = array<i32>} : memref<160x128xi32, #tpu.memory_space<vmem>>, vector<1x16xi32>,
      %swap3A_112 = vector.shape_cast %swap3A_111 : vector<1x16xi32> to vector<16xi32>
      %swap3A_113 = vector.shape_cast %add3A_107 : vector<16xi32> to vector<1x16xi32>
      tpu.vector_store %arg6[%swap3A_109, %swap3A_110], %swap3A_113 {strides = array<i32>} : memref<160x128xi32, #tpu.memory_space<vmem>>, vector<1x16xi32>,
      %get3A_114 = arith.constant 0 : i32
      %get3A_115 = arith.index_cast %get3A_114 : i32 to index
      %get3A_116 = arith.constant 32 : index
      %get3A_117 = tpu.vector_load %arg6[%get3A_115, %get3A_116] {strides = array<i32>} : memref<160x128xi32, #tpu.memory_space<vmem>>, vector<1x16xi32>,
      %get3A_118 = vector.shape_cast %get3A_117 : vector<1x16xi32> to vector<16xi32>
      %add3A_119 = arith.constant 1 : i32
      %add3A_120 = vector.broadcast %add3A_119 : i32 to vector<16xi32>
      %add3A_121 = arith.addi %get3A_118, %add3A_120 : vector<16xi32>
      %swap3A_122 = arith.constant 0 : i32
      %swap3A_123 = arith.index_cast %swap3A_122 : i32 to index
      %swap3A_124 = arith.constant 32 : index
      %swap3A_125 = tpu.vector_load %arg6[%swap3A_123, %swap3A_124] {strides = array<i32>} : memref<160x128xi32, #tpu.memory_space<vmem>>, vector<1x16xi32>,
      %swap3A_126 = vector.shape_cast %swap3A_125 : vector<1x16xi32> to vector<16xi32>
      %swap3A_127 = vector.shape_cast %add3A_121 : vector<16xi32> to vector<1x16xi32>
      tpu.vector_store %arg6[%swap3A_123, %swap3A_124], %swap3A_127 {strides = array<i32>} : memref<160x128xi32, #tpu.memory_space<vmem>>, vector<1x16xi32>,
      %get3A_128 = arith.constant 0 : i32
      %get3A_129 = arith.index_cast %get3A_128 : i32 to index
      %get3A_130 = arith.constant 48 : index
      %get3A_131 = tpu.vector_load %arg6[%get3A_129, %get3A_130] {strides = array<i32>} : memref<160x128xi32, #tpu.memory_space<vmem>>, vector<1x16xi32>,
      %get3A_132 = vector.shape_cast %get3A_131 : vector<1x16xi32> to vector<16xi32>
      %add3A_133 = arith.constant 1 : i32
      %add3A_134 = vector.broadcast %add3A_133 : i32 to vector<16xi32>
      %add3A_135 = arith.addi %get3A_132, %add3A_134 : vector<16xi32>
      %swap3A_136 = arith.constant 0 : i32
      %swap3A_137 = arith.index_cast %swap3A_136 : i32 to index
      %swap3A_138 = arith.constant 48 : index
      %swap3A_139 = tpu.vector_load %arg6[%swap3A_137, %swap3A_138] {strides = array<i32>} : memref<160x128xi32, #tpu.memory_space<vmem>>, vector<1x16xi32>,
      %swap3A_140 = vector.shape_cast %swap3A_139 : vector<1x16xi32> to vector<16xi32>
      %swap3A_141 = vector.shape_cast %add3A_135 : vector<16xi32> to vector<1x16xi32>
      tpu.vector_store %arg6[%swap3A_137, %swap3A_138], %swap3A_141 {strides = array<i32>} : memref<160x128xi32, #tpu.memory_space<vmem>>, vector<1x16xi32>,
      %get3A_142 = arith.constant 0 : i32
      %get3A_143 = arith.index_cast %get3A_142 : i32 to index
      %get3A_144 = arith.constant 64 : index
      %get3A_145 = tpu.vector_load %arg6[%get3A_143, %get3A_144] {strides = array<i32>} : memref<160x128xi32, #tpu.memory_space<vmem>>, vector<1x16xi32>,
      %get3A_146 = vector.shape_cast %get3A_145 : vector<1x16xi32> to vector<16xi32>
      %add3A_147 = arith.constant 1 : i32
      %add3A_148 = vector.broadcast %add3A_147 : i32 to vector<16xi32>
      %add3A_149 = arith.addi %get3A_146, %add3A_148 : vector<16xi32>
      %swap3A_150 = arith.constant 0 : i32
      %swap3A_151 = arith.index_cast %swap3A_150 : i32 to index
      %swap3A_152 = arith.constant 64 : index
      %swap3A_153 = tpu.vector_load %arg6[%swap3A_151, %swap3A_152] {strides = array<i32>} : memref<160x128xi32, #tpu.memory_space<vmem>>, vector<1x16xi32>,
      %swap3A_154 = vector.shape_cast %swap3A_153 : vector<1x16xi32> to vector<16xi32>
      %swap3A_155 = vector.shape_cast %add3A_149 : vector<16xi32> to vector<1x16xi32>
      tpu.vector_store %arg6[%swap3A_151, %swap3A_152], %swap3A_155 {strides = array<i32>} : memref<160x128xi32, #tpu.memory_space<vmem>>, vector<1x16xi32>,
      %get3A_156 = arith.constant 0 : i32
      %get3A_157 = arith.index_cast %get3A_156 : i32 to index
      %get3A_158 = arith.constant 80 : index
      %get3A_159 = tpu.vector_load %arg6[%get3A_157, %get3A_158] {strides = array<i32>} : memref<160x128xi32, #tpu.memory_space<vmem>>, vector<1x16xi32>,
      %get3A_160 = vector.shape_cast %get3A_159 : vector<1x16xi32> to vector<16xi32>
      %add3A_161 = arith.constant 1 : i32
      %add3A_162 = vector.broadcast %add3A_161 : i32 to vector<16xi32>
      %add3A_163 = arith.addi %get3A_160, %add3A_162 : vector<16xi32>
      %swap3A_164 = arith.constant 0 : i32
      %swap3A_165 = arith.index_cast %swap3A_164 : i32 to index
      %swap3A_166 = arith.constant 80 : index
      %swap3A_167 = tpu.vector_load %arg6[%swap3A_165, %swap3A_166] {strides = array<i32>} : memref<160x128xi32, #tpu.memory_space<vmem>>, vector<1x16xi32>,
      %swap3A_168 = vector.shape_cast %swap3A_167 : vector<1x16xi32> to vector<16xi32>
      %swap3A_169 = vector.shape_cast %add3A_163 : vector<16xi32> to vector<1x16xi32>
      tpu.vector_store %arg6[%swap3A_165, %swap3A_166], %swap3A_169 {strides = array<i32>} : memref<160x128xi32, #tpu.memory_space<vmem>>, vector<1x16xi32>,
      %get3A_170 = arith.constant 0 : i32
      %get3A_171 = arith.index_cast %get3A_170 : i32 to index
      %get3A_172 = arith.constant 96 : index
      %get3A_173 = tpu.vector_load %arg6[%get3A_171, %get3A_172] {strides = array<i32>} : memref<160x128xi32, #tpu.memory_space<vmem>>, vector<1x16xi32>,
      %get3A_174 = vector.shape_cast %get3A_173 : vector<1x16xi32> to vector<16xi32>
      %add3A_175 = arith.constant 1 : i32
      %add3A_176 = vector.broadcast %add3A_175 : i32 to vector<16xi32>
      %add3A_177 = arith.addi %get3A_174, %add3A_176 : vector<16xi32>
      %swap3A_178 = arith.constant 0 : i32
      %swap3A_179 = arith.index_cast %swap3A_178 : i32 to index
      %swap3A_180 = arith.constant 96 : index
      %swap3A_181 = tpu.vector_load %arg6[%swap3A_179, %swap3A_180] {strides = array<i32>} : memref<160x128xi32, #tpu.memory_space<vmem>>, vector<1x16xi32>,
      %swap3A_182 = vector.shape_cast %swap3A_181 : vector<1x16xi32> to vector<16xi32>
      %swap3A_183 = vector.shape_cast %add3A_177 : vector<16xi32> to vector<1x16xi32>
      tpu.vector_store %arg6[%swap3A_179, %swap3A_180], %swap3A_183 {strides = array<i32>} : memref<160x128xi32, #tpu.memory_space<vmem>>, vector<1x16xi32>,
      %get3A_184 = arith.constant 0 : i32
      %get3A_185 = arith.index_cast %get3A_184 : i32 to index
      %get3A_186 = arith.constant 112 : index
      %get3A_187 = tpu.vector_load %arg6[%get3A_185, %get3A_186] {strides = array<i32>} : memref<160x128xi32, #tpu.memory_space<vmem>>, vector<1x16xi32>,
      %get3A_188 = vector.shape_cast %get3A_187 : vector<1x16xi32> to vector<16xi32>
      %add3A_189 = arith.constant 1 : i32
      %add3A_190 = vector.broadcast %add3A_189 : i32 to vector<16xi32>
      %add3A_191 = arith.addi %get3A_188, %add3A_190 : vector<16xi32>
      %swap3A_192 = arith.constant 0 : i32
      %swap3A_193 = arith.index_cast %swap3A_192 : i32 to index
      %swap3A_194 = arith.constant 112 : index
      %swap3A_195 = tpu.vector_load %arg6[%swap3A_193, %swap3A_194] {strides = array<i32>} : memref<160x128xi32, #tpu.memory_space<vmem>>, vector<1x16xi32>,
      %swap3A_196 = vector.shape_cast %swap3A_195 : vector<1x16xi32> to vector<16xi32>
      %swap3A_197 = vector.shape_cast %add3A_191 : vector<16xi32> to vector<1x16xi32>
      tpu.vector_store %arg6[%swap3A_193, %swap3A_194], %swap3A_197 {strides = array<i32>} : memref<160x128xi32, #tpu.memory_space<vmem>>, vector<1x16xi32>,
    } else {
    }
    %dma_start3A_41 = arith.constant 0 : i32
    %dma_start3A_42 = arith.constant 0 : i32
    %dma_start3A_43 = tpu.memref_slice %arg6[%dma_start3A_41, %dma_start3A_42] : memref<160x128xi32, #tpu.memory_space<vmem>> -> memref<1x128xi32, #tpu.memory_space<vmem>>
    %dma_start3A_44 = tpu.memref_squeeze %dma_start3A_43 : memref<1x128xi32, #tpu.memory_space<vmem>> -> memref<128xi32, #tpu.memory_space<vmem>>
    %dma_start3A_45 = arith.constant 0 : i32
    %dma_start3A_46 = arith.constant 0 : i32
    %dma_start3A_47 = tpu.memref_slice %arg2[%dma_start3A_45, %dma_start3A_46] : memref<20000x64xf32, #tpu.memory_space<hbm>> -> memref<20000x64xf32, #tpu.memory_space<hbm>>
    tpu.enqueue_indirect_dma source(%dma_start3A_47 : memref<20000x64xf32, #tpu.memory_space<hbm>>) target(%arg8 : memref<128x64xf32, #tpu.memory_space<vmem>>) offsets(%dma_start3A_44 : memref<128xi32, #tpu.memory_space<vmem>>) semaphore(%arg14 : memref<!tpu.dma_semaphore, #tpu.memory_space<semaphore_mem>>)
    %convert_element_type3A_48 = arith.extui %eq3A_39 : i1 to i32
    %cond3A_49 = arith.constant 0 : i32
    %cond3A_50 = arith.cmpi ne, %convert_element_type3A_48, %cond3A_49 : i32
    scf.if %cond3A_50 {
      %get3A = arith.constant 1 : i32
      %get3A_89 = arith.index_cast %get3A : i32 to index
      %get3A_90 = arith.constant 0 : index
      %get3A_91 = tpu.vector_load %arg6[%get3A_89, %get3A_90] {strides = array<i32>} : memref<160x128xi32, #tpu.memory_space<vmem>>, vector<1x16xi32>,
      %get3A_92 = vector.shape_cast %get3A_91 : vector<1x16xi32> to vector<16xi32>
      %add3A = arith.constant 1 : i32
      %add3A_93 = vector.broadcast %add3A : i32 to vector<16xi32>
      %add3A_94 = arith.addi %get3A_92, %add3A_93 : vector<16xi32>
      %swap3A = arith.constant 1 : i32
      %swap3A_95 = arith.index_cast %swap3A : i32 to index
      %swap3A_96 = arith.constant 0 : index
      %swap3A_97 = tpu.vector_load %arg6[%swap3A_95, %swap3A_96] {strides = array<i32>} : memref<160x128xi32, #tpu.memory_space<vmem>>, vector<1x16xi32>,
      %swap3A_98 = vector.shape_cast %swap3A_97 : vector<1x16xi32> to vector<16xi32>
      %swap3A_99 = vector.shape_cast %add3A_94 : vector<16xi32> to vector<1x16xi32>
      tpu.vector_store %arg6[%swap3A_95, %swap3A_96], %swap3A_99 {strides = array<i32>} : memref<160x128xi32, #tpu.memory_space<vmem>>, vector<1x16xi32>,
      %get3A_100 = arith.constant 1 : i32
      %get3A_101 = arith.index_cast %get3A_100 : i32 to index
      %get3A_102 = arith.constant 16 : index
      %get3A_103 = tpu.vector_load %arg6[%get3A_101, %get3A_102] {strides = array<i32>} : memref<160x128xi32, #tpu.memory_space<vmem>>, vector<1x16xi32>,
      %get3A_104 = vector.shape_cast %get3A_103 : vector<1x16xi32> to vector<16xi32>
      %add3A_105 = arith.constant 1 : i32
      %add3A_106 = vector.broadcast %add3A_105 : i32 to vector<16xi32>
      %add3A_107 = arith.addi %get3A_104, %add3A_106 : vector<16xi32>
      %swap3A_108 = arith.constant 1 : i32
      %swap3A_109 = arith.index_cast %swap3A_108 : i32 to index
      %swap3A_110 = arith.constant 16 : index
      %swap3A_111 = tpu.vector_load %arg6[%swap3A_109, %swap3A_110] {strides = array<i32>} : memref<160x128xi32, #tpu.memory_space<vmem>>, vector<1x16xi32>,
      %swap3A_112 = vector.shape_cast %swap3A_111 : vector<1x16xi32> to vector<16xi32>
      %swap3A_113 = vector.shape_cast %add3A_107 : vector<16xi32> to vector<1x16xi32>
      tpu.vector_store %arg6[%swap3A_109, %swap3A_110], %swap3A_113 {strides = array<i32>} : memref<160x128xi32, #tpu.memory_space<vmem>>, vector<1x16xi32>,
      %get3A_114 = arith.constant 1 : i32
      %get3A_115 = arith.index_cast %get3A_114 : i32 to index
      %get3A_116 = arith.constant 32 : index
      %get3A_117 = tpu.vector_load %arg6[%get3A_115, %get3A_116] {strides = array<i32>} : memref<160x128xi32, #tpu.memory_space<vmem>>, vector<1x16xi32>,
      %get3A_118 = vector.shape_cast %get3A_117 : vector<1x16xi32> to vector<16xi32>
      %add3A_119 = arith.constant 1 : i32
      %add3A_120 = vector.broadcast %add3A_119 : i32 to vector<16xi32>
      %add3A_121 = arith.addi %get3A_118, %add3A_120 : vector<16xi32>
      %swap3A_122 = arith.constant 1 : i32
      %swap3A_123 = arith.index_cast %swap3A_122 : i32 to index
      %swap3A_124 = arith.constant 32 : index
      %swap3A_125 = tpu.vector_load %arg6[%swap3A_123, %swap3A_124] {strides = array<i32>} : memref<160x128xi32, #tpu.memory_space<vmem>>, vector<1x16xi32>,
      %swap3A_126 = vector.shape_cast %swap3A_125 : vector<1x16xi32> to vector<16xi32>
      %swap3A_127 = vector.shape_cast %add3A_121 : vector<16xi32> to vector<1x16xi32>
      tpu.vector_store %arg6[%swap3A_123, %swap3A_124], %swap3A_127 {strides = array<i32>} : memref<160x128xi32, #tpu.memory_space<vmem>>, vector<1x16xi32>,
      %get3A_128 = arith.constant 1 : i32
      %get3A_129 = arith.index_cast %get3A_128 : i32 to index
      %get3A_130 = arith.constant 48 : index
      %get3A_131 = tpu.vector_load %arg6[%get3A_129, %get3A_130] {strides = array<i32>} : memref<160x128xi32, #tpu.memory_space<vmem>>, vector<1x16xi32>,
      %get3A_132 = vector.shape_cast %get3A_131 : vector<1x16xi32> to vector<16xi32>
      %add3A_133 = arith.constant 1 : i32
      %add3A_134 = vector.broadcast %add3A_133 : i32 to vector<16xi32>
      %add3A_135 = arith.addi %get3A_132, %add3A_134 : vector<16xi32>
      %swap3A_136 = arith.constant 1 : i32
      %swap3A_137 = arith.index_cast %swap3A_136 : i32 to index
      %swap3A_138 = arith.constant 48 : index
      %swap3A_139 = tpu.vector_load %arg6[%swap3A_137, %swap3A_138] {strides = array<i32>} : memref<160x128xi32, #tpu.memory_space<vmem>>, vector<1x16xi32>,
      %swap3A_140 = vector.shape_cast %swap3A_139 : vector<1x16xi32> to vector<16xi32>
      %swap3A_141 = vector.shape_cast %add3A_135 : vector<16xi32> to vector<1x16xi32>
      tpu.vector_store %arg6[%swap3A_137, %swap3A_138], %swap3A_141 {strides = array<i32>} : memref<160x128xi32, #tpu.memory_space<vmem>>, vector<1x16xi32>,
      %get3A_142 = arith.constant 1 : i32
      %get3A_143 = arith.index_cast %get3A_142 : i32 to index
      %get3A_144 = arith.constant 64 : index
      %get3A_145 = tpu.vector_load %arg6[%get3A_143, %get3A_144] {strides = array<i32>} : memref<160x128xi32, #tpu.memory_space<vmem>>, vector<1x16xi32>,
      %get3A_146 = vector.shape_cast %get3A_145 : vector<1x16xi32> to vector<16xi32>
      %add3A_147 = arith.constant 1 : i32
      %add3A_148 = vector.broadcast %add3A_147 : i32 to vector<16xi32>
      %add3A_149 = arith.addi %get3A_146, %add3A_148 : vector<16xi32>
      %swap3A_150 = arith.constant 1 : i32
      %swap3A_151 = arith.index_cast %swap3A_150 : i32 to index
      %swap3A_152 = arith.constant 64 : index
      %swap3A_153 = tpu.vector_load %arg6[%swap3A_151, %swap3A_152] {strides = array<i32>} : memref<160x128xi32, #tpu.memory_space<vmem>>, vector<1x16xi32>,
      %swap3A_154 = vector.shape_cast %swap3A_153 : vector<1x16xi32> to vector<16xi32>
      %swap3A_155 = vector.shape_cast %add3A_149 : vector<16xi32> to vector<1x16xi32>
      tpu.vector_store %arg6[%swap3A_151, %swap3A_152], %swap3A_155 {strides = array<i32>} : memref<160x128xi32, #tpu.memory_space<vmem>>, vector<1x16xi32>,
      %get3A_156 = arith.constant 1 : i32
      %get3A_157 = arith.index_cast %get3A_156 : i32 to index
      %get3A_158 = arith.constant 80 : index
      %get3A_159 = tpu.vector_load %arg6[%get3A_157, %get3A_158] {strides = array<i32>} : memref<160x128xi32, #tpu.memory_space<vmem>>, vector<1x16xi32>,
      %get3A_160 = vector.shape_cast %get3A_159 : vector<1x16xi32> to vector<16xi32>
      %add3A_161 = arith.constant 1 : i32
      %add3A_162 = vector.broadcast %add3A_161 : i32 to vector<16xi32>
      %add3A_163 = arith.addi %get3A_160, %add3A_162 : vector<16xi32>
      %swap3A_164 = arith.constant 1 : i32
      %swap3A_165 = arith.index_cast %swap3A_164 : i32 to index
      %swap3A_166 = arith.constant 80 : index
      %swap3A_167 = tpu.vector_load %arg6[%swap3A_165, %swap3A_166] {strides = array<i32>} : memref<160x128xi32, #tpu.memory_space<vmem>>, vector<1x16xi32>,
      %swap3A_168 = vector.shape_cast %swap3A_167 : vector<1x16xi32> to vector<16xi32>
      %swap3A_169 = vector.shape_cast %add3A_163 : vector<16xi32> to vector<1x16xi32>
      tpu.vector_store %arg6[%swap3A_165, %swap3A_166], %swap3A_169 {strides = array<i32>} : memref<160x128xi32, #tpu.memory_space<vmem>>, vector<1x16xi32>,
      %get3A_170 = arith.constant 1 : i32
      %get3A_171 = arith.index_cast %get3A_170 : i32 to index
      %get3A_172 = arith.constant 96 : index
      %get3A_173 = tpu.vector_load %arg6[%get3A_171, %get3A_172] {strides = array<i32>} : memref<160x128xi32, #tpu.memory_space<vmem>>, vector<1x16xi32>,
      %get3A_174 = vector.shape_cast %get3A_173 : vector<1x16xi32> to vector<16xi32>
      %add3A_175 = arith.constant 1 : i32
      %add3A_176 = vector.broadcast %add3A_175 : i32 to vector<16xi32>
      %add3A_177 = arith.addi %get3A_174, %add3A_176 : vector<16xi32>
      %swap3A_178 = arith.constant 1 : i32
      %swap3A_179 = arith.index_cast %swap3A_178 : i32 to index
      %swap3A_180 = arith.constant 96 : index
      %swap3A_181 = tpu.vector_load %arg6[%swap3A_179, %swap3A_180] {strides = array<i32>} : memref<160x128xi32, #tpu.memory_space<vmem>>, vector<1x16xi32>,
      %swap3A_182 = vector.shape_cast %swap3A_181 : vector<1x16xi32> to vector<16xi32>
      %swap3A_183 = vector.shape_cast %add3A_177 : vector<16xi32> to vector<1x16xi32>
      tpu.vector_store %arg6[%swap3A_179, %swap3A_180], %swap3A_183 {strides = array<i32>} : memref<160x128xi32, #tpu.memory_space<vmem>>, vector<1x16xi32>,
      %get3A_184 = arith.constant 1 : i32
      %get3A_185 = arith.index_cast %get3A_184 : i32 to index
      %get3A_186 = arith.constant 112 : index
      %get3A_187 = tpu.vector_load %arg6[%get3A_185, %get3A_186] {strides = array<i32>} : memref<160x128xi32, #tpu.memory_space<vmem>>, vector<1x16xi32>,
      %get3A_188 = vector.shape_cast %get3A_187 : vector<1x16xi32> to vector<16xi32>
      %add3A_189 = arith.constant 1 : i32
      %add3A_190 = vector.broadcast %add3A_189 : i32 to vector<16xi32>
      %add3A_191 = arith.addi %get3A_188, %add3A_190 : vector<16xi32>
      %swap3A_192 = arith.constant 1 : i32
      %swap3A_193 = arith.index_cast %swap3A_192 : i32 to index
      %swap3A_194 = arith.constant 112 : index
      %swap3A_195 = tpu.vector_load %arg6[%swap3A_193, %swap3A_194] {strides = array<i32>} : memref<160x128xi32, #tpu.memory_space<vmem>>, vector<1x16xi32>,
      %swap3A_196 = vector.shape_cast %swap3A_195 : vector<1x16xi32> to vector<16xi32>
      %swap3A_197 = vector.shape_cast %add3A_191 : vector<16xi32> to vector<1x16xi32>
      tpu.vector_store %arg6[%swap3A_193, %swap3A_194], %swap3A_197 {strides = array<i32>} : memref<160x128xi32, #tpu.memory_space<vmem>>, vector<1x16xi32>,
    } else {
    }
    %dma_start3A_51 = arith.constant 1 : i32
    %dma_start3A_52 = arith.constant 0 : i32
    %dma_start3A_53 = tpu.memref_slice %arg6[%dma_start3A_51, %dma_start3A_52] : memref<160x128xi32, #tpu.memory_space<vmem>> -> memref<1x128xi32, #tpu.memory_space<vmem>>
    %dma_start3A_54 = tpu.memref_squeeze %dma_start3A_53 : memref<1x128xi32, #tpu.memory_space<vmem>> -> memref<128xi32, #tpu.memory_space<vmem>>
    %dma_start3A_55 = arith.constant 0 : i32
    %dma_start3A_56 = arith.constant 0 : i32
    %dma_start3A_57 = tpu.memref_slice %arg2[%dma_start3A_55, %dma_start3A_56] : memref<20000x64xf32, #tpu.memory_space<hbm>> -> memref<20000x64xf32, #tpu.memory_space<hbm>>
    tpu.enqueue_indirect_dma source(%dma_start3A_57 : memref<20000x64xf32, #tpu.memory_space<hbm>>) target(%arg9 : memref<128x64xf32, #tpu.memory_space<vmem>>) offsets(%dma_start3A_54 : memref<128xi32, #tpu.memory_space<vmem>>) semaphore(%arg15 : memref<!tpu.dma_semaphore, #tpu.memory_space<semaphore_mem>>)
    %convert_element_type3A_58 = arith.extui %eq3A_39 : i1 to i32
    %cond3A_59 = arith.constant 0 : i32
    %cond3A_60 = arith.cmpi ne, %convert_element_type3A_58, %cond3A_59 : i32
    scf.if %cond3A_60 {
      %get3A = arith.constant 2 : i32
      %get3A_89 = arith.index_cast %get3A : i32 to index
      %get3A_90 = arith.constant 0 : index
      %get3A_91 = tpu.vector_load %arg6[%get3A_89, %get3A_90] {strides = array<i32>} : memref<160x128xi32, #tpu.memory_space<vmem>>, vector<1x16xi32>,
      %get3A_92 = vector.shape_cast %get3A_91 : vector<1x16xi32> to vector<16xi32>
      %add3A = arith.constant 1 : i32
      %add3A_93 = vector.broadcast %add3A : i32 to vector<16xi32>
      %add3A_94 = arith.addi %get3A_92, %add3A_93 : vector<16xi32>
      %swap3A = arith.constant 2 : i32
      %swap3A_95 = arith.index_cast %swap3A : i32 to index
      %swap3A_96 = arith.constant 0 : index
      %swap3A_97 = tpu.vector_load %arg6[%swap3A_95, %swap3A_96] {strides = array<i32>} : memref<160x128xi32, #tpu.memory_space<vmem>>, vector<1x16xi32>,
      %swap3A_98 = vector.shape_cast %swap3A_97 : vector<1x16xi32> to vector<16xi32>
      %swap3A_99 = vector.shape_cast %add3A_94 : vector<16xi32> to vector<1x16xi32>
      tpu.vector_store %arg6[%swap3A_95, %swap3A_96], %swap3A_99 {strides = array<i32>} : memref<160x128xi32, #tpu.memory_space<vmem>>, vector<1x16xi32>,
      %get3A_100 = arith.constant 2 : i32
      %get3A_101 = arith.index_cast %get3A_100 : i32 to index
      %get3A_102 = arith.constant 16 : index
      %get3A_103 = tpu.vector_load %arg6[%get3A_101, %get3A_102] {strides = array<i32>} : memref<160x128xi32, #tpu.memory_space<vmem>>, vector<1x16xi32>,
      %get3A_104 = vector.shape_cast %get3A_103 : vector<1x16xi32> to vector<16xi32>
      %add3A_105 = arith.constant 1 : i32
      %add3A_106 = vector.broadcast %add3A_105 : i32 to vector<16xi32>
      %add3A_107 = arith.addi %get3A_104, %add3A_106 : vector<16xi32>
      %swap3A_108 = arith.constant 2 : i32
      %swap3A_109 = arith.index_cast %swap3A_108 : i32 to index
      %swap3A_110 = arith.constant 16 : index
      %swap3A_111 = tpu.vector_load %arg6[%swap3A_109, %swap3A_110] {strides = array<i32>} : memref<160x128xi32, #tpu.memory_space<vmem>>, vector<1x16xi32>,
      %swap3A_112 = vector.shape_cast %swap3A_111 : vector<1x16xi32> to vector<16xi32>
      %swap3A_113 = vector.shape_cast %add3A_107 : vector<16xi32> to vector<1x16xi32>
      tpu.vector_store %arg6[%swap3A_109, %swap3A_110], %swap3A_113 {strides = array<i32>} : memref<160x128xi32, #tpu.memory_space<vmem>>, vector<1x16xi32>,
      %get3A_114 = arith.constant 2 : i32
      %get3A_115 = arith.index_cast %get3A_114 : i32 to index
      %get3A_116 = arith.constant 32 : index
      %get3A_117 = tpu.vector_load %arg6[%get3A_115, %get3A_116] {strides = array<i32>} : memref<160x128xi32, #tpu.memory_space<vmem>>, vector<1x16xi32>,
      %get3A_118 = vector.shape_cast %get3A_117 : vector<1x16xi32> to vector<16xi32>
      %add3A_119 = arith.constant 1 : i32
      %add3A_120 = vector.broadcast %add3A_119 : i32 to vector<16xi32>
      %add3A_121 = arith.addi %get3A_118, %add3A_120 : vector<16xi32>
      %swap3A_122 = arith.constant 2 : i32
      %swap3A_123 = arith.index_cast %swap3A_122 : i32 to index
      %swap3A_124 = arith.constant 32 : index
      %swap3A_125 = tpu.vector_load %arg6[%swap3A_123, %swap3A_124] {strides = array<i32>} : memref<160x128xi32, #tpu.memory_space<vmem>>, vector<1x16xi32>,
      %swap3A_126 = vector.shape_cast %swap3A_125 : vector<1x16xi32> to vector<16xi32>
      %swap3A_127 = vector.shape_cast %add3A_121 : vector<16xi32> to vector<1x16xi32>
      tpu.vector_store %arg6[%swap3A_123, %swap3A_124], %swap3A_127 {strides = array<i32>} : memref<160x128xi32, #tpu.memory_space<vmem>>, vector<1x16xi32>,
      %get3A_128 = arith.constant 2 : i32
      %get3A_129 = arith.index_cast %get3A_128 : i32 to index
      %get3A_130 = arith.constant 48 : index
      %get3A_131 = tpu.vector_load %arg6[%get3A_129, %get3A_130] {strides = array<i32>} : memref<160x128xi32, #tpu.memory_space<vmem>>, vector<1x16xi32>,
      %get3A_132 = vector.shape_cast %get3A_131 : vector<1x16xi32> to vector<16xi32>
      %add3A_133 = arith.constant 1 : i32
      %add3A_134 = vector.broadcast %add3A_133 : i32 to vector<16xi32>
      %add3A_135 = arith.addi %get3A_132, %add3A_134 : vector<16xi32>
      %swap3A_136 = arith.constant 2 : i32
      %swap3A_137 = arith.index_cast %swap3A_136 : i32 to index
      %swap3A_138 = arith.constant 48 : index
      %swap3A_139 = tpu.vector_load %arg6[%swap3A_137, %swap3A_138] {strides = array<i32>} : memref<160x128xi32, #tpu.memory_space<vmem>>, vector<1x16xi32>,
      %swap3A_140 = vector.shape_cast %swap3A_139 : vector<1x16xi32> to vector<16xi32>
      %swap3A_141 = vector.shape_cast %add3A_135 : vector<16xi32> to vector<1x16xi32>
      tpu.vector_store %arg6[%swap3A_137, %swap3A_138], %swap3A_141 {strides = array<i32>} : memref<160x128xi32, #tpu.memory_space<vmem>>, vector<1x16xi32>,
      %get3A_142 = arith.constant 2 : i32
      %get3A_143 = arith.index_cast %get3A_142 : i32 to index
      %get3A_144 = arith.constant 64 : index
      %get3A_145 = tpu.vector_load %arg6[%get3A_143, %get3A_144] {strides = array<i32>} : memref<160x128xi32, #tpu.memory_space<vmem>>, vector<1x16xi32>,
      %get3A_146 = vector.shape_cast %get3A_145 : vector<1x16xi32> to vector<16xi32>
      %add3A_147 = arith.constant 1 : i32
      %add3A_148 = vector.broadcast %add3A_147 : i32 to vector<16xi32>
      %add3A_149 = arith.addi %get3A_146, %add3A_148 : vector<16xi32>
      %swap3A_150 = arith.constant 2 : i32
      %swap3A_151 = arith.index_cast %swap3A_150 : i32 to index
      %swap3A_152 = arith.constant 64 : index
      %swap3A_153 = tpu.vector_load %arg6[%swap3A_151, %swap3A_152] {strides = array<i32>} : memref<160x128xi32, #tpu.memory_space<vmem>>, vector<1x16xi32>,
      %swap3A_154 = vector.shape_cast %swap3A_153 : vector<1x16xi32> to vector<16xi32>
      %swap3A_155 = vector.shape_cast %add3A_149 : vector<16xi32> to vector<1x16xi32>
      tpu.vector_store %arg6[%swap3A_151, %swap3A_152], %swap3A_155 {strides = array<i32>} : memref<160x128xi32, #tpu.memory_space<vmem>>, vector<1x16xi32>,
      %get3A_156 = arith.constant 2 : i32
      %get3A_157 = arith.index_cast %get3A_156 : i32 to index
      %get3A_158 = arith.constant 80 : index
      %get3A_159 = tpu.vector_load %arg6[%get3A_157, %get3A_158] {strides = array<i32>} : memref<160x128xi32, #tpu.memory_space<vmem>>, vector<1x16xi32>,
      %get3A_160 = vector.shape_cast %get3A_159 : vector<1x16xi32> to vector<16xi32>
      %add3A_161 = arith.constant 1 : i32
      %add3A_162 = vector.broadcast %add3A_161 : i32 to vector<16xi32>
      %add3A_163 = arith.addi %get3A_160, %add3A_162 : vector<16xi32>
      %swap3A_164 = arith.constant 2 : i32
      %swap3A_165 = arith.index_cast %swap3A_164 : i32 to index
      %swap3A_166 = arith.constant 80 : index
      %swap3A_167 = tpu.vector_load %arg6[%swap3A_165, %swap3A_166] {strides = array<i32>} : memref<160x128xi32, #tpu.memory_space<vmem>>, vector<1x16xi32>,
      %swap3A_168 = vector.shape_cast %swap3A_167 : vector<1x16xi32> to vector<16xi32>
      %swap3A_169 = vector.shape_cast %add3A_163 : vector<16xi32> to vector<1x16xi32>
      tpu.vector_store %arg6[%swap3A_165, %swap3A_166], %swap3A_169 {strides = array<i32>} : memref<160x128xi32, #tpu.memory_space<vmem>>, vector<1x16xi32>,
      %get3A_170 = arith.constant 2 : i32
      %get3A_171 = arith.index_cast %get3A_170 : i32 to index
      %get3A_172 = arith.constant 96 : index
      %get3A_173 = tpu.vector_load %arg6[%get3A_171, %get3A_172] {strides = array<i32>} : memref<160x128xi32, #tpu.memory_space<vmem>>, vector<1x16xi32>,
      %get3A_174 = vector.shape_cast %get3A_173 : vector<1x16xi32> to vector<16xi32>
      %add3A_175 = arith.constant 1 : i32
      %add3A_176 = vector.broadcast %add3A_175 : i32 to vector<16xi32>
      %add3A_177 = arith.addi %get3A_174, %add3A_176 : vector<16xi32>
      %swap3A_178 = arith.constant 2 : i32
      %swap3A_179 = arith.index_cast %swap3A_178 : i32 to index
      %swap3A_180 = arith.constant 96 : index
      %swap3A_181 = tpu.vector_load %arg6[%swap3A_179, %swap3A_180] {strides = array<i32>} : memref<160x128xi32, #tpu.memory_space<vmem>>, vector<1x16xi32>,
      %swap3A_182 = vector.shape_cast %swap3A_181 : vector<1x16xi32> to vector<16xi32>
      %swap3A_183 = vector.shape_cast %add3A_177 : vector<16xi32> to vector<1x16xi32>
      tpu.vector_store %arg6[%swap3A_179, %swap3A_180], %swap3A_183 {strides = array<i32>} : memref<160x128xi32, #tpu.memory_space<vmem>>, vector<1x16xi32>,
      %get3A_184 = arith.constant 2 : i32
      %get3A_185 = arith.index_cast %get3A_184 : i32 to index
      %get3A_186 = arith.constant 112 : index
      %get3A_187 = tpu.vector_load %arg6[%get3A_185, %get3A_186] {strides = array<i32>} : memref<160x128xi32, #tpu.memory_space<vmem>>, vector<1x16xi32>,
      %get3A_188 = vector.shape_cast %get3A_187 : vector<1x16xi32> to vector<16xi32>
      %add3A_189 = arith.constant 1 : i32
      %add3A_190 = vector.broadcast %add3A_189 : i32 to vector<16xi32>
      %add3A_191 = arith.addi %get3A_188, %add3A_190 : vector<16xi32>
      %swap3A_192 = arith.constant 2 : i32
      %swap3A_193 = arith.index_cast %swap3A_192 : i32 to index
      %swap3A_194 = arith.constant 112 : index
      %swap3A_195 = tpu.vector_load %arg6[%swap3A_193, %swap3A_194] {strides = array<i32>} : memref<160x128xi32, #tpu.memory_space<vmem>>, vector<1x16xi32>,
      %swap3A_196 = vector.shape_cast %swap3A_195 : vector<1x16xi32> to vector<16xi32>
      %swap3A_197 = vector.shape_cast %add3A_191 : vector<16xi32> to vector<1x16xi32>
      tpu.vector_store %arg6[%swap3A_193, %swap3A_194], %swap3A_197 {strides = array<i32>} : memref<160x128xi32, #tpu.memory_space<vmem>>, vector<1x16xi32>,
    } else {
    }
    %dma_start3A_61 = arith.constant 2 : i32
    %dma_start3A_62 = arith.constant 0 : i32
    %dma_start3A_63 = tpu.memref_slice %arg6[%dma_start3A_61, %dma_start3A_62] : memref<160x128xi32, #tpu.memory_space<vmem>> -> memref<1x128xi32, #tpu.memory_space<vmem>>
    %dma_start3A_64 = tpu.memref_squeeze %dma_start3A_63 : memref<1x128xi32, #tpu.memory_space<vmem>> -> memref<128xi32, #tpu.memory_space<vmem>>
    %dma_start3A_65 = arith.constant 0 : i32
    %dma_start3A_66 = arith.constant 0 : i32
    %dma_start3A_67 = tpu.memref_slice %arg2[%dma_start3A_65, %dma_start3A_66] : memref<20000x64xf32, #tpu.memory_space<hbm>> -> memref<20000x64xf32, #tpu.memory_space<hbm>>
    tpu.enqueue_indirect_dma source(%dma_start3A_67 : memref<20000x64xf32, #tpu.memory_space<hbm>>) target(%arg10 : memref<128x64xf32, #tpu.memory_space<vmem>>) offsets(%dma_start3A_64 : memref<128xi32, #tpu.memory_space<vmem>>) semaphore(%arg16 : memref<!tpu.dma_semaphore, #tpu.memory_space<semaphore_mem>>)
    %convert_element_type3A_68 = arith.extui %eq3A_39 : i1 to i32
    %cond3A_69 = arith.constant 0 : i32
    %cond3A_70 = arith.cmpi ne, %convert_element_type3A_68, %cond3A_69 : i32
    scf.if %cond3A_70 {
      %get3A = arith.constant 3 : i32
      %get3A_89 = arith.index_cast %get3A : i32 to index
      %get3A_90 = arith.constant 0 : index
      %get3A_91 = tpu.vector_load %arg6[%get3A_89, %get3A_90] {strides = array<i32>} : memref<160x128xi32, #tpu.memory_space<vmem>>, vector<1x16xi32>,
      %get3A_92 = vector.shape_cast %get3A_91 : vector<1x16xi32> to vector<16xi32>
      %add3A = arith.constant 1 : i32
      %add3A_93 = vector.broadcast %add3A : i32 to vector<16xi32>
      %add3A_94 = arith.addi %get3A_92, %add3A_93 : vector<16xi32>
      %swap3A = arith.constant 3 : i32
      %swap3A_95 = arith.index_cast %swap3A : i32 to index
      %swap3A_96 = arith.constant 0 : index
      %swap3A_97 = tpu.vector_load %arg6[%swap3A_95, %swap3A_96] {strides = array<i32>} : memref<160x128xi32, #tpu.memory_space<vmem>>, vector<1x16xi32>,
      %swap3A_98 = vector.shape_cast %swap3A_97 : vector<1x16xi32> to vector<16xi32>
      %swap3A_99 = vector.shape_cast %add3A_94 : vector<16xi32> to vector<1x16xi32>
      tpu.vector_store %arg6[%swap3A_95, %swap3A_96], %swap3A_99 {strides = array<i32>} : memref<160x128xi32, #tpu.memory_space<vmem>>, vector<1x16xi32>,
      %get3A_100 = arith.constant 3 : i32
      %get3A_101 = arith.index_cast %get3A_100 : i32 to index
      %get3A_102 = arith.constant 16 : index
      %get3A_103 = tpu.vector_load %arg6[%get3A_101, %get3A_102] {strides = array<i32>} : memref<160x128xi32, #tpu.memory_space<vmem>>, vector<1x16xi32>,
      %get3A_104 = vector.shape_cast %get3A_103 : vector<1x16xi32> to vector<16xi32>
      %add3A_105 = arith.constant 1 : i32
      %add3A_106 = vector.broadcast %add3A_105 : i32 to vector<16xi32>
      %add3A_107 = arith.addi %get3A_104, %add3A_106 : vector<16xi32>
      %swap3A_108 = arith.constant 3 : i32
      %swap3A_109 = arith.index_cast %swap3A_108 : i32 to index
      %swap3A_110 = arith.constant 16 : index
      %swap3A_111 = tpu.vector_load %arg6[%swap3A_109, %swap3A_110] {strides = array<i32>} : memref<160x128xi32, #tpu.memory_space<vmem>>, vector<1x16xi32>,
      %swap3A_112 = vector.shape_cast %swap3A_111 : vector<1x16xi32> to vector<16xi32>
      %swap3A_113 = vector.shape_cast %add3A_107 : vector<16xi32> to vector<1x16xi32>
      tpu.vector_store %arg6[%swap3A_109, %swap3A_110], %swap3A_113 {strides = array<i32>} : memref<160x128xi32, #tpu.memory_space<vmem>>, vector<1x16xi32>,
      %get3A_114 = arith.constant 3 : i32
      %get3A_115 = arith.index_cast %get3A_114 : i32 to index
      %get3A_116 = arith.constant 32 : index
      %get3A_117 = tpu.vector_load %arg6[%get3A_115, %get3A_116] {strides = array<i32>} : memref<160x128xi32, #tpu.memory_space<vmem>>, vector<1x16xi32>,
      %get3A_118 = vector.shape_cast %get3A_117 : vector<1x16xi32> to vector<16xi32>
      %add3A_119 = arith.constant 1 : i32
      %add3A_120 = vector.broadcast %add3A_119 : i32 to vector<16xi32>
      %add3A_121 = arith.addi %get3A_118, %add3A_120 : vector<16xi32>
      %swap3A_122 = arith.constant 3 : i32
      %swap3A_123 = arith.index_cast %swap3A_122 : i32 to index
      %swap3A_124 = arith.constant 32 : index
      %swap3A_125 = tpu.vector_load %arg6[%swap3A_123, %swap3A_124] {strides = array<i32>} : memref<160x128xi32, #tpu.memory_space<vmem>>, vector<1x16xi32>,
      %swap3A_126 = vector.shape_cast %swap3A_125 : vector<1x16xi32> to vector<16xi32>
      %swap3A_127 = vector.shape_cast %add3A_121 : vector<16xi32> to vector<1x16xi32>
      tpu.vector_store %arg6[%swap3A_123, %swap3A_124], %swap3A_127 {strides = array<i32>} : memref<160x128xi32, #tpu.memory_space<vmem>>, vector<1x16xi32>,
      %get3A_128 = arith.constant 3 : i32
      %get3A_129 = arith.index_cast %get3A_128 : i32 to index
      %get3A_130 = arith.constant 48 : index
      %get3A_131 = tpu.vector_load %arg6[%get3A_129, %get3A_130] {strides = array<i32>} : memref<160x128xi32, #tpu.memory_space<vmem>>, vector<1x16xi32>,
      %get3A_132 = vector.shape_cast %get3A_131 : vector<1x16xi32> to vector<16xi32>
      %add3A_133 = arith.constant 1 : i32
      %add3A_134 = vector.broadcast %add3A_133 : i32 to vector<16xi32>
      %add3A_135 = arith.addi %get3A_132, %add3A_134 : vector<16xi32>
      %swap3A_136 = arith.constant 3 : i32
      %swap3A_137 = arith.index_cast %swap3A_136 : i32 to index
      %swap3A_138 = arith.constant 48 : index
      %swap3A_139 = tpu.vector_load %arg6[%swap3A_137, %swap3A_138] {strides = array<i32>} : memref<160x128xi32, #tpu.memory_space<vmem>>, vector<1x16xi32>,
      %swap3A_140 = vector.shape_cast %swap3A_139 : vector<1x16xi32> to vector<16xi32>
      %swap3A_141 = vector.shape_cast %add3A_135 : vector<16xi32> to vector<1x16xi32>
      tpu.vector_store %arg6[%swap3A_137, %swap3A_138], %swap3A_141 {strides = array<i32>} : memref<160x128xi32, #tpu.memory_space<vmem>>, vector<1x16xi32>,
      %get3A_142 = arith.constant 3 : i32
      %get3A_143 = arith.index_cast %get3A_142 : i32 to index
      %get3A_144 = arith.constant 64 : index
      %get3A_145 = tpu.vector_load %arg6[%get3A_143, %get3A_144] {strides = array<i32>} : memref<160x128xi32, #tpu.memory_space<vmem>>, vector<1x16xi32>,
      %get3A_146 = vector.shape_cast %get3A_145 : vector<1x16xi32> to vector<16xi32>
      %add3A_147 = arith.constant 1 : i32
      %add3A_148 = vector.broadcast %add3A_147 : i32 to vector<16xi32>
      %add3A_149 = arith.addi %get3A_146, %add3A_148 : vector<16xi32>
      %swap3A_150 = arith.constant 3 : i32
      %swap3A_151 = arith.index_cast %swap3A_150 : i32 to index
      %swap3A_152 = arith.constant 64 : index
      %swap3A_153 = tpu.vector_load %arg6[%swap3A_151, %swap3A_152] {strides = array<i32>} : memref<160x128xi32, #tpu.memory_space<vmem>>, vector<1x16xi32>,
      %swap3A_154 = vector.shape_cast %swap3A_153 : vector<1x16xi32> to vector<16xi32>
      %swap3A_155 = vector.shape_cast %add3A_149 : vector<16xi32> to vector<1x16xi32>
      tpu.vector_store %arg6[%swap3A_151, %swap3A_152], %swap3A_155 {strides = array<i32>} : memref<160x128xi32, #tpu.memory_space<vmem>>, vector<1x16xi32>,
      %get3A_156 = arith.constant 3 : i32
      %get3A_157 = arith.index_cast %get3A_156 : i32 to index
      %get3A_158 = arith.constant 80 : index
      %get3A_159 = tpu.vector_load %arg6[%get3A_157, %get3A_158] {strides = array<i32>} : memref<160x128xi32, #tpu.memory_space<vmem>>, vector<1x16xi32>,
      %get3A_160 = vector.shape_cast %get3A_159 : vector<1x16xi32> to vector<16xi32>
      %add3A_161 = arith.constant 1 : i32
      %add3A_162 = vector.broadcast %add3A_161 : i32 to vector<16xi32>
      %add3A_163 = arith.addi %get3A_160, %add3A_162 : vector<16xi32>
      %swap3A_164 = arith.constant 3 : i32
      %swap3A_165 = arith.index_cast %swap3A_164 : i32 to index
      %swap3A_166 = arith.constant 80 : index
      %swap3A_167 = tpu.vector_load %arg6[%swap3A_165, %swap3A_166] {strides = array<i32>} : memref<160x128xi32, #tpu.memory_space<vmem>>, vector<1x16xi32>,
      %swap3A_168 = vector.shape_cast %swap3A_167 : vector<1x16xi32> to vector<16xi32>
      %swap3A_169 = vector.shape_cast %add3A_163 : vector<16xi32> to vector<1x16xi32>
      tpu.vector_store %arg6[%swap3A_165, %swap3A_166], %swap3A_169 {strides = array<i32>} : memref<160x128xi32, #tpu.memory_space<vmem>>, vector<1x16xi32>,
      %get3A_170 = arith.constant 3 : i32
      %get3A_171 = arith.index_cast %get3A_170 : i32 to index
      %get3A_172 = arith.constant 96 : index
      %get3A_173 = tpu.vector_load %arg6[%get3A_171, %get3A_172] {strides = array<i32>} : memref<160x128xi32, #tpu.memory_space<vmem>>, vector<1x16xi32>,
      %get3A_174 = vector.shape_cast %get3A_173 : vector<1x16xi32> to vector<16xi32>
      %add3A_175 = arith.constant 1 : i32
      %add3A_176 = vector.broadcast %add3A_175 : i32 to vector<16xi32>
      %add3A_177 = arith.addi %get3A_174, %add3A_176 : vector<16xi32>
      %swap3A_178 = arith.constant 3 : i32
      %swap3A_179 = arith.index_cast %swap3A_178 : i32 to index
      %swap3A_180 = arith.constant 96 : index
      %swap3A_181 = tpu.vector_load %arg6[%swap3A_179, %swap3A_180] {strides = array<i32>} : memref<160x128xi32, #tpu.memory_space<vmem>>, vector<1x16xi32>,
      %swap3A_182 = vector.shape_cast %swap3A_181 : vector<1x16xi32> to vector<16xi32>
      %swap3A_183 = vector.shape_cast %add3A_177 : vector<16xi32> to vector<1x16xi32>
      tpu.vector_store %arg6[%swap3A_179, %swap3A_180], %swap3A_183 {strides = array<i32>} : memref<160x128xi32, #tpu.memory_space<vmem>>, vector<1x16xi32>,
      %get3A_184 = arith.constant 3 : i32
      %get3A_185 = arith.index_cast %get3A_184 : i32 to index
      %get3A_186 = arith.constant 112 : index
      %get3A_187 = tpu.vector_load %arg6[%get3A_185, %get3A_186] {strides = array<i32>} : memref<160x128xi32, #tpu.memory_space<vmem>>, vector<1x16xi32>,
      %get3A_188 = vector.shape_cast %get3A_187 : vector<1x16xi32> to vector<16xi32>
      %add3A_189 = arith.constant 1 : i32
      %add3A_190 = vector.broadcast %add3A_189 : i32 to vector<16xi32>
      %add3A_191 = arith.addi %get3A_188, %add3A_190 : vector<16xi32>
      %swap3A_192 = arith.constant 3 : i32
      %swap3A_193 = arith.index_cast %swap3A_192 : i32 to index
      %swap3A_194 = arith.constant 112 : index
      %swap3A_195 = tpu.vector_load %arg6[%swap3A_193, %swap3A_194] {strides = array<i32>} : memref<160x128xi32, #tpu.memory_space<vmem>>, vector<1x16xi32>,
      %swap3A_196 = vector.shape_cast %swap3A_195 : vector<1x16xi32> to vector<16xi32>
      %swap3A_197 = vector.shape_cast %add3A_191 : vector<16xi32> to vector<1x16xi32>
      tpu.vector_store %arg6[%swap3A_193, %swap3A_194], %swap3A_197 {strides = array<i32>} : memref<160x128xi32, #tpu.memory_space<vmem>>, vector<1x16xi32>,
    } else {
    }
    %dma_start3A_71 = arith.constant 3 : i32
    %dma_start3A_72 = arith.constant 0 : i32
    %dma_start3A_73 = tpu.memref_slice %arg6[%dma_start3A_71, %dma_start3A_72] : memref<160x128xi32, #tpu.memory_space<vmem>> -> memref<1x128xi32, #tpu.memory_space<vmem>>
    %dma_start3A_74 = tpu.memref_squeeze %dma_start3A_73 : memref<1x128xi32, #tpu.memory_space<vmem>> -> memref<128xi32, #tpu.memory_space<vmem>>
    %dma_start3A_75 = arith.constant 0 : i32
    %dma_start3A_76 = arith.constant 0 : i32
    %dma_start3A_77 = tpu.memref_slice %arg2[%dma_start3A_75, %dma_start3A_76] : memref<20000x64xf32, #tpu.memory_space<hbm>> -> memref<20000x64xf32, #tpu.memory_space<hbm>>
    tpu.enqueue_indirect_dma source(%dma_start3A_77 : memref<20000x64xf32, #tpu.memory_space<hbm>>) target(%arg11 : memref<128x64xf32, #tpu.memory_space<vmem>>) offsets(%dma_start3A_74 : memref<128xi32, #tpu.memory_space<vmem>>) semaphore(%arg17 : memref<!tpu.dma_semaphore, #tpu.memory_space<semaphore_mem>>)
    %scan3A_78 = arith.constant 0 : i32
    %scan3A_79 = arith.constant 40 : i32
    %scan3A_80 = arith.addi %scan3A_78, %scan3A_79 : i32
    %scan3A_81 = arith.constant 1 : i32
    scf.for %scan3A_89 = %scan3A_78 to %scan3A_80 step %scan3A_81  : i32 {
      %mul3A_90 = arith.constant 4 : i32
      %mul3A_91 = arith.muli %scan3A_89, %mul3A_90 : i32
      %add3A = arith.constant 0 : i32
      %add3A_92 = arith.addi %add3A, %mul3A_91 : i32
      %add3A_93 = arith.constant 0 : i32
      %add3A_94 = arith.addi %add3A_92, %add3A_93 : i32
      %dma_wait3A_95 = arith.constant 0 : i32
      %dma_wait3A_96 = tpu.memref_slice %arg6[%add3A_94, %dma_wait3A_95] : memref<160x128xi32, #tpu.memory_space<vmem>> -> memref<1x128xi32, #tpu.memory_space<vmem>>
      %dma_wait3A_97 = tpu.memref_squeeze %dma_wait3A_96 : memref<1x128xi32, #tpu.memory_space<vmem>> -> memref<128xi32, #tpu.memory_space<vmem>>
      %dma_wait3A_98 = arith.constant 0 : i32
      %dma_wait3A_99 = arith.constant 0 : i32
      %dma_wait3A_100 = tpu.memref_slice %arg2[%dma_wait3A_98, %dma_wait3A_99] : memref<20000x64xf32, #tpu.memory_space<hbm>> -> memref<20000x64xf32, #tpu.memory_space<hbm>>
      tpu.wait_indirect_dma semaphore(%arg14 : memref<!tpu.dma_semaphore, #tpu.memory_space<semaphore_mem>>) src(%dma_wait3A_100 : memref<20000x64xf32, #tpu.memory_space<hbm>>) dst(%arg8 : memref<128x64xf32, #tpu.memory_space<vmem>>)
      %add3A_101 = arith.constant 0 : i32
      %add3A_102 = arith.addi %add3A_92, %add3A_101 : i32
      "tpu.region"() ({
        %run_scoped3A = tpu.sem_alloc : memref<!tpu.dma_semaphore, #tpu.memory_space<semaphore_mem>>
        %dma_start3A_168 = arith.constant 0 : i32
        %dma_start3A_169 = tpu.memref_slice %arg7[%add3A_102, %dma_start3A_168] : memref<160x128xi32, #tpu.memory_space<vmem>> -> memref<1x128xi32, #tpu.memory_space<vmem>>
        %dma_start3A_170 = tpu.memref_squeeze %dma_start3A_169 : memref<1x128xi32, #tpu.memory_space<vmem>> -> memref<128xi32, #tpu.memory_space<vmem>>
        %dma_start3A_171 = arith.constant 0 : i32
        %dma_start3A_172 = arith.constant 0 : i32
        %dma_start3A_173 = tpu.memref_slice %arg13[%dma_start3A_171, %dma_start3A_172] : memref<10240x64xf32, #tpu.memory_space<vmem_shared>> -> memref<10240x64xf32, #tpu.memory_space<vmem_shared>>
        tpu.enqueue_indirect_dma source(%arg8 : memref<128x64xf32, #tpu.memory_space<vmem>>) target(%dma_start3A_173 : memref<10240x64xf32, #tpu.memory_space<vmem_shared>>) offsets(%dma_start3A_170 : memref<128xi32, #tpu.memory_space<vmem>>) semaphore(%run_scoped3A : memref<!tpu.dma_semaphore, #tpu.memory_space<semaphore_mem>>) {add = true}
        %dma_wait3A_174 = arith.constant 0 : i32
        %dma_wait3A_175 = tpu.memref_slice %arg7[%add3A_102, %dma_wait3A_174] : memref<160x128xi32, #tpu.memory_space<vmem>> -> memref<1x128xi32, #tpu.memory_space<vmem>>
        %dma_wait3A_176 = tpu.memref_squeeze %dma_wait3A_175 : memref<1x128xi32, #tpu.memory_space<vmem>> -> memref<128xi32, #tpu.memory_space<vmem>>
        %dma_wait3A_177 = arith.constant 0 : i32
        %dma_wait3A_178 = arith.constant 0 : i32
        %dma_wait3A_179 = tpu.memref_slice %arg13[%dma_wait3A_177, %dma_wait3A_178] : memref<10240x64xf32, #tpu.memory_space<vmem_shared>> -> memref<10240x64xf32, #tpu.memory_space<vmem_shared>>
        tpu.wait_indirect_dma semaphore(%run_scoped3A : memref<!tpu.dma_semaphore, #tpu.memory_space<semaphore_mem>>) src(%arg8 : memref<128x64xf32, #tpu.memory_space<vmem>>) dst(%dma_wait3A_179 : memref<10240x64xf32, #tpu.memory_space<vmem_shared>>)
        tpu.yield
      }) : () -> ()
      %add3A_103 = arith.constant 4 : i32
      %add3A_104 = arith.addi %add3A_92, %add3A_103 : i32
      %add3A_105 = arith.constant 0 : i32
      %add3A_106 = arith.addi %add3A_104, %add3A_105 : i32
      %lt3A = arith.constant 160 : i32
      %lt3A_107 = arith.cmpi slt, %add3A_106, %lt3A : i32
      %convert_element_type3A_108 = arith.extui %lt3A_107 : i1 to i32
      %cond3A_109 = arith.constant 0 : i32
      %cond3A_110 = arith.cmpi ne, %convert_element_type3A_108, %cond3A_109 : i32
      scf.if %cond3A_110 {
        %add3A_168 = arith.constant 4 : i32
        %add3A_169 = arith.addi %add3A_92, %add3A_168 : i32
        %add3A_170 = arith.constant 0 : i32
        %add3A_171 = arith.addi %add3A_169, %add3A_170 : i32
        %convert_element_type3A_172 = arith.extui %eq3A_39 : i1 to i32
        %cond3A_173 = arith.constant 0 : i32
        %cond3A_174 = arith.cmpi ne, %convert_element_type3A_172, %cond3A_173 : i32
        scf.if %cond3A_174 {
          %get3A = arith.index_cast %add3A_171 : i32 to index
          %get3A_185 = arith.constant 0 : index
          %get3A_186 = tpu.vector_load %arg6[%get3A, %get3A_185] {strides = array<i32>} : memref<160x128xi32, #tpu.memory_space<vmem>>, vector<1x16xi32>,
          %get3A_187 = vector.shape_cast %get3A_186 : vector<1x16xi32> to vector<16xi32>
          %add3A_188 = arith.constant 1 : i32
          %add3A_189 = vector.broadcast %add3A_188 : i32 to vector<16xi32>
          %add3A_190 = arith.addi %get3A_187, %add3A_189 : vector<16xi32>
          %swap3A = arith.index_cast %add3A_171 : i32 to index
          %swap3A_191 = arith.constant 0 : index
          %swap3A_192 = tpu.vector_load %arg6[%swap3A, %swap3A_191] {strides = array<i32>} : memref<160x128xi32, #tpu.memory_space<vmem>>, vector<1x16xi32>,
          %swap3A_193 = vector.shape_cast %swap3A_192 : vector<1x16xi32> to vector<16xi32>
          %swap3A_194 = vector.shape_cast %add3A_190 : vector<16xi32> to vector<1x16xi32>
          tpu.vector_store %arg6[%swap3A, %swap3A_191], %swap3A_194 {strides = array<i32>} : memref<160x128xi32, #tpu.memory_space<vmem>>, vector<1x16xi32>,
          %get3A_195 = arith.index_cast %add3A_171 : i32 to index
          %get3A_196 = arith.constant 16 : index
          %get3A_197 = tpu.vector_load %arg6[%get3A_195, %get3A_196] {strides = array<i32>} : memref<160x128xi32, #tpu.memory_space<vmem>>, vector<1x16xi32>,
          %get3A_198 = vector.shape_cast %get3A_197 : vector<1x16xi32> to vector<16xi32>
          %add3A_199 = arith.constant 1 : i32
          %add3A_200 = vector.broadcast %add3A_199 : i32 to vector<16xi32>
          %add3A_201 = arith.addi %get3A_198, %add3A_200 : vector<16xi32>
          %swap3A_202 = arith.index_cast %add3A_171 : i32 to index
          %swap3A_203 = arith.constant 16 : index
          %swap3A_204 = tpu.vector_load %arg6[%swap3A_202, %swap3A_203] {strides = array<i32>} : memref<160x128xi32, #tpu.memory_space<vmem>>, vector<1x16xi32>,
          %swap3A_205 = vector.shape_cast %swap3A_204 : vector<1x16xi32> to vector<16xi32>
          %swap3A_206 = vector.shape_cast %add3A_201 : vector<16xi32> to vector<1x16xi32>
          tpu.vector_store %arg6[%swap3A_202, %swap3A_203], %swap3A_206 {strides = array<i32>} : memref<160x128xi32, #tpu.memory_space<vmem>>, vector<1x16xi32>,
          %get3A_207 = arith.index_cast %add3A_171 : i32 to index
          %get3A_208 = arith.constant 32 : index
          %get3A_209 = tpu.vector_load %arg6[%get3A_207, %get3A_208] {strides = array<i32>} : memref<160x128xi32, #tpu.memory_space<vmem>>, vector<1x16xi32>,
          %get3A_210 = vector.shape_cast %get3A_209 : vector<1x16xi32> to vector<16xi32>
          %add3A_211 = arith.constant 1 : i32
          %add3A_212 = vector.broadcast %add3A_211 : i32 to vector<16xi32>
          %add3A_213 = arith.addi %get3A_210, %add3A_212 : vector<16xi32>
          %swap3A_214 = arith.index_cast %add3A_171 : i32 to index
          %swap3A_215 = arith.constant 32 : index
          %swap3A_216 = tpu.vector_load %arg6[%swap3A_214, %swap3A_215] {strides = array<i32>} : memref<160x128xi32, #tpu.memory_space<vmem>>, vector<1x16xi32>,
          %swap3A_217 = vector.shape_cast %swap3A_216 : vector<1x16xi32> to vector<16xi32>
          %swap3A_218 = vector.shape_cast %add3A_213 : vector<16xi32> to vector<1x16xi32>
          tpu.vector_store %arg6[%swap3A_214, %swap3A_215], %swap3A_218 {strides = array<i32>} : memref<160x128xi32, #tpu.memory_space<vmem>>, vector<1x16xi32>,
          %get3A_219 = arith.index_cast %add3A_171 : i32 to index
          %get3A_220 = arith.constant 48 : index
          %get3A_221 = tpu.vector_load %arg6[%get3A_219, %get3A_220] {strides = array<i32>} : memref<160x128xi32, #tpu.memory_space<vmem>>, vector<1x16xi32>,
          %get3A_222 = vector.shape_cast %get3A_221 : vector<1x16xi32> to vector<16xi32>
          %add3A_223 = arith.constant 1 : i32
          %add3A_224 = vector.broadcast %add3A_223 : i32 to vector<16xi32>
          %add3A_225 = arith.addi %get3A_222, %add3A_224 : vector<16xi32>
          %swap3A_226 = arith.index_cast %add3A_171 : i32 to index
          %swap3A_227 = arith.constant 48 : index
          %swap3A_228 = tpu.vector_load %arg6[%swap3A_226, %swap3A_227] {strides = array<i32>} : memref<160x128xi32, #tpu.memory_space<vmem>>, vector<1x16xi32>,
          %swap3A_229 = vector.shape_cast %swap3A_228 : vector<1x16xi32> to vector<16xi32>
          %swap3A_230 = vector.shape_cast %add3A_225 : vector<16xi32> to vector<1x16xi32>
          tpu.vector_store %arg6[%swap3A_226, %swap3A_227], %swap3A_230 {strides = array<i32>} : memref<160x128xi32, #tpu.memory_space<vmem>>, vector<1x16xi32>,
          %get3A_231 = arith.index_cast %add3A_171 : i32 to index
          %get3A_232 = arith.constant 64 : index
          %get3A_233 = tpu.vector_load %arg6[%get3A_231, %get3A_232] {strides = array<i32>} : memref<160x128xi32, #tpu.memory_space<vmem>>, vector<1x16xi32>,
          %get3A_234 = vector.shape_cast %get3A_233 : vector<1x16xi32> to vector<16xi32>
          %add3A_235 = arith.constant 1 : i32
          %add3A_236 = vector.broadcast %add3A_235 : i32 to vector<16xi32>
          %add3A_237 = arith.addi %get3A_234, %add3A_236 : vector<16xi32>
          %swap3A_238 = arith.index_cast %add3A_171 : i32 to index
          %swap3A_239 = arith.constant 64 : index
          %swap3A_240 = tpu.vector_load %arg6[%swap3A_238, %swap3A_239] {strides = array<i32>} : memref<160x128xi32, #tpu.memory_space<vmem>>, vector<1x16xi32>,
          %swap3A_241 = vector.shape_cast %swap3A_240 : vector<1x16xi32> to vector<16xi32>
          %swap3A_242 = vector.shape_cast %add3A_237 : vector<16xi32> to vector<1x16xi32>
          tpu.vector_store %arg6[%swap3A_238, %swap3A_239], %swap3A_242 {strides = array<i32>} : memref<160x128xi32, #tpu.memory_space<vmem>>, vector<1x16xi32>,
          %get3A_243 = arith.index_cast %add3A_171 : i32 to index
          %get3A_244 = arith.constant 80 : index
          %get3A_245 = tpu.vector_load %arg6[%get3A_243, %get3A_244] {strides = array<i32>} : memref<160x128xi32, #tpu.memory_space<vmem>>, vector<1x16xi32>,
          %get3A_246 = vector.shape_cast %get3A_245 : vector<1x16xi32> to vector<16xi32>
          %add3A_247 = arith.constant 1 : i32
          %add3A_248 = vector.broadcast %add3A_247 : i32 to vector<16xi32>
          %add3A_249 = arith.addi %get3A_246, %add3A_248 : vector<16xi32>
          %swap3A_250 = arith.index_cast %add3A_171 : i32 to index
          %swap3A_251 = arith.constant 80 : index
          %swap3A_252 = tpu.vector_load %arg6[%swap3A_250, %swap3A_251] {strides = array<i32>} : memref<160x128xi32, #tpu.memory_space<vmem>>, vector<1x16xi32>,
          %swap3A_253 = vector.shape_cast %swap3A_252 : vector<1x16xi32> to vector<16xi32>
          %swap3A_254 = vector.shape_cast %add3A_249 : vector<16xi32> to vector<1x16xi32>
          tpu.vector_store %arg6[%swap3A_250, %swap3A_251], %swap3A_254 {strides = array<i32>} : memref<160x128xi32, #tpu.memory_space<vmem>>, vector<1x16xi32>,
          %get3A_255 = arith.index_cast %add3A_171 : i32 to index
          %get3A_256 = arith.constant 96 : index
          %get3A_257 = tpu.vector_load %arg6[%get3A_255, %get3A_256] {strides = array<i32>} : memref<160x128xi32, #tpu.memory_space<vmem>>, vector<1x16xi32>,
          %get3A_258 = vector.shape_cast %get3A_257 : vector<1x16xi32> to vector<16xi32>
          %add3A_259 = arith.constant 1 : i32
          %add3A_260 = vector.broadcast %add3A_259 : i32 to vector<16xi32>
          %add3A_261 = arith.addi %get3A_258, %add3A_260 : vector<16xi32>
          %swap3A_262 = arith.index_cast %add3A_171 : i32 to index
          %swap3A_263 = arith.constant 96 : index
          %swap3A_264 = tpu.vector_load %arg6[%swap3A_262, %swap3A_263] {strides = array<i32>} : memref<160x128xi32, #tpu.memory_space<vmem>>, vector<1x16xi32>,
          %swap3A_265 = vector.shape_cast %swap3A_264 : vector<1x16xi32> to vector<16xi32>
          %swap3A_266 = vector.shape_cast %add3A_261 : vector<16xi32> to vector<1x16xi32>
          tpu.vector_store %arg6[%swap3A_262, %swap3A_263], %swap3A_266 {strides = array<i32>} : memref<160x128xi32, #tpu.memory_space<vmem>>, vector<1x16xi32>,
          %get3A_267 = arith.index_cast %add3A_171 : i32 to index
          %get3A_268 = arith.constant 112 : index
          %get3A_269 = tpu.vector_load %arg6[%get3A_267, %get3A_268] {strides = array<i32>} : memref<160x128xi32, #tpu.memory_space<vmem>>, vector<1x16xi32>,
          %get3A_270 = vector.shape_cast %get3A_269 : vector<1x16xi32> to vector<16xi32>
          %add3A_271 = arith.constant 1 : i32
          %add3A_272 = vector.broadcast %add3A_271 : i32 to vector<16xi32>
          %add3A_273 = arith.addi %get3A_270, %add3A_272 : vector<16xi32>
          %swap3A_274 = arith.index_cast %add3A_171 : i32 to index
          %swap3A_275 = arith.constant 112 : index
          %swap3A_276 = tpu.vector_load %arg6[%swap3A_274, %swap3A_275] {strides = array<i32>} : memref<160x128xi32, #tpu.memory_space<vmem>>, vector<1x16xi32>,
          %swap3A_277 = vector.shape_cast %swap3A_276 : vector<1x16xi32> to vector<16xi32>
          %swap3A_278 = vector.shape_cast %add3A_273 : vector<16xi32> to vector<1x16xi32>
          tpu.vector_store %arg6[%swap3A_274, %swap3A_275], %swap3A_278 {strides = array<i32>} : memref<160x128xi32, #tpu.memory_space<vmem>>, vector<1x16xi32>,
        } else {
        }
        %add3A_175 = arith.constant 4 : i32
        %add3A_176 = arith.addi %add3A_92, %add3A_175 : i32
        %add3A_177 = arith.constant 0 : i32
        %add3A_178 = arith.addi %add3A_176, %add3A_177 : i32
        %dma_start3A_179 = arith.constant 0 : i32
        %dma_start3A_180 = tpu.memref_slice %arg6[%add3A_178, %dma_start3A_179] : memref<160x128xi32, #tpu.memory_space<vmem>> -> memref<1x128xi32, #tpu.memory_space<vmem>>
        %dma_start3A_181 = tpu.memref_squeeze %dma_start3A_180 : memref<1x128xi32, #tpu.memory_space<vmem>> -> memref<128xi32, #tpu.memory_space<vmem>>
        %dma_start3A_182 = arith.constant 0 : i32
        %dma_start3A_183 = arith.constant 0 : i32
        %dma_start3A_184 = tpu.memref_slice %arg2[%dma_start3A_182, %dma_start3A_183] : memref<20000x64xf32, #tpu.memory_space<hbm>> -> memref<20000x64xf32, #tpu.memory_space<hbm>>
        tpu.enqueue_indirect_dma source(%dma_start3A_184 : memref<20000x64xf32, #tpu.memory_space<hbm>>) target(%arg8 : memref<128x64xf32, #tpu.memory_space<vmem>>) offsets(%dma_start3A_181 : memref<128xi32, #tpu.memory_space<vmem>>) semaphore(%arg14 : memref<!tpu.dma_semaphore, #tpu.memory_space<semaphore_mem>>)
      } else {
      }
      %add3A_111 = arith.constant 1 : i32
      %add3A_112 = arith.addi %add3A_92, %add3A_111 : i32
      %dma_wait3A_113 = arith.constant 0 : i32
      %dma_wait3A_114 = tpu.memref_slice %arg6[%add3A_112, %dma_wait3A_113] : memref<160x128xi32, #tpu.memory_space<vmem>> -> memref<1x128xi32, #tpu.memory_space<vmem>>
      %dma_wait3A_115 = tpu.memref_squeeze %dma_wait3A_114 : memref<1x128xi32, #tpu.memory_space<vmem>> -> memref<128xi32, #tpu.memory_space<vmem>>
      %dma_wait3A_116 = arith.constant 0 : i32
      %dma_wait3A_117 = arith.constant 0 : i32
      %dma_wait3A_118 = tpu.memref_slice %arg2[%dma_wait3A_116, %dma_wait3A_117] : memref<20000x64xf32, #tpu.memory_space<hbm>> -> memref<20000x64xf32, #tpu.memory_space<hbm>>
      tpu.wait_indirect_dma semaphore(%arg15 : memref<!tpu.dma_semaphore, #tpu.memory_space<semaphore_mem>>) src(%dma_wait3A_118 : memref<20000x64xf32, #tpu.memory_space<hbm>>) dst(%arg9 : memref<128x64xf32, #tpu.memory_space<vmem>>)
      %add3A_119 = arith.constant 1 : i32
      %add3A_120 = arith.addi %add3A_92, %add3A_119 : i32
      "tpu.region"() ({
        %run_scoped3A = tpu.sem_alloc : memref<!tpu.dma_semaphore, #tpu.memory_space<semaphore_mem>>
        %dma_start3A_168 = arith.constant 0 : i32
        %dma_start3A_169 = tpu.memref_slice %arg7[%add3A_120, %dma_start3A_168] : memref<160x128xi32, #tpu.memory_space<vmem>> -> memref<1x128xi32, #tpu.memory_space<vmem>>
        %dma_start3A_170 = tpu.memref_squeeze %dma_start3A_169 : memref<1x128xi32, #tpu.memory_space<vmem>> -> memref<128xi32, #tpu.memory_space<vmem>>
        %dma_start3A_171 = arith.constant 0 : i32
        %dma_start3A_172 = arith.constant 0 : i32
        %dma_start3A_173 = tpu.memref_slice %arg13[%dma_start3A_171, %dma_start3A_172] : memref<10240x64xf32, #tpu.memory_space<vmem_shared>> -> memref<10240x64xf32, #tpu.memory_space<vmem_shared>>
        tpu.enqueue_indirect_dma source(%arg9 : memref<128x64xf32, #tpu.memory_space<vmem>>) target(%dma_start3A_173 : memref<10240x64xf32, #tpu.memory_space<vmem_shared>>) offsets(%dma_start3A_170 : memref<128xi32, #tpu.memory_space<vmem>>) semaphore(%run_scoped3A : memref<!tpu.dma_semaphore, #tpu.memory_space<semaphore_mem>>) {add = true}
        %dma_wait3A_174 = arith.constant 0 : i32
        %dma_wait3A_175 = tpu.memref_slice %arg7[%add3A_120, %dma_wait3A_174] : memref<160x128xi32, #tpu.memory_space<vmem>> -> memref<1x128xi32, #tpu.memory_space<vmem>>
        %dma_wait3A_176 = tpu.memref_squeeze %dma_wait3A_175 : memref<1x128xi32, #tpu.memory_space<vmem>> -> memref<128xi32, #tpu.memory_space<vmem>>
        %dma_wait3A_177 = arith.constant 0 : i32
        %dma_wait3A_178 = arith.constant 0 : i32
        %dma_wait3A_179 = tpu.memref_slice %arg13[%dma_wait3A_177, %dma_wait3A_178] : memref<10240x64xf32, #tpu.memory_space<vmem_shared>> -> memref<10240x64xf32, #tpu.memory_space<vmem_shared>>
        tpu.wait_indirect_dma semaphore(%run_scoped3A : memref<!tpu.dma_semaphore, #tpu.memory_space<semaphore_mem>>) src(%arg9 : memref<128x64xf32, #tpu.memory_space<vmem>>) dst(%dma_wait3A_179 : memref<10240x64xf32, #tpu.memory_space<vmem_shared>>)
        tpu.yield
      }) : () -> ()
      %add3A_121 = arith.constant 4 : i32
      %add3A_122 = arith.addi %add3A_92, %add3A_121 : i32
      %add3A_123 = arith.constant 1 : i32
      %add3A_124 = arith.addi %add3A_122, %add3A_123 : i32
      %lt3A_125 = arith.constant 160 : i32
      %lt3A_126 = arith.cmpi slt, %add3A_124, %lt3A_125 : i32
      %convert_element_type3A_127 = arith.extui %lt3A_126 : i1 to i32
      %cond3A_128 = arith.constant 0 : i32
      %cond3A_129 = arith.cmpi ne, %convert_element_type3A_127, %cond3A_128 : i32
      scf.if %cond3A_129 {
        %add3A_168 = arith.constant 4 : i32
        %add3A_169 = arith.addi %add3A_92, %add3A_168 : i32
        %add3A_170 = arith.constant 1 : i32
        %add3A_171 = arith.addi %add3A_169, %add3A_170 : i32
        %convert_element_type3A_172 = arith.extui %eq3A_39 : i1 to i32
        %cond3A_173 = arith.constant 0 : i32
        %cond3A_174 = arith.cmpi ne, %convert_element_type3A_172, %cond3A_173 : i32
        scf.if %cond3A_174 {
          %get3A = arith.index_cast %add3A_171 : i32 to index
          %get3A_185 = arith.constant 0 : index
          %get3A_186 = tpu.vector_load %arg6[%get3A, %get3A_185] {strides = array<i32>} : memref<160x128xi32, #tpu.memory_space<vmem>>, vector<1x16xi32>,
          %get3A_187 = vector.shape_cast %get3A_186 : vector<1x16xi32> to vector<16xi32>
          %add3A_188 = arith.constant 1 : i32
          %add3A_189 = vector.broadcast %add3A_188 : i32 to vector<16xi32>
          %add3A_190 = arith.addi %get3A_187, %add3A_189 : vector<16xi32>
          %swap3A = arith.index_cast %add3A_171 : i32 to index
          %swap3A_191 = arith.constant 0 : index
          %swap3A_192 = tpu.vector_load %arg6[%swap3A, %swap3A_191] {strides = array<i32>} : memref<160x128xi32, #tpu.memory_space<vmem>>, vector<1x16xi32>,
          %swap3A_193 = vector.shape_cast %swap3A_192 : vector<1x16xi32> to vector<16xi32>
          %swap3A_194 = vector.shape_cast %add3A_190 : vector<16xi32> to vector<1x16xi32>
          tpu.vector_store %arg6[%swap3A, %swap3A_191], %swap3A_194 {strides = array<i32>} : memref<160x128xi32, #tpu.memory_space<vmem>>, vector<1x16xi32>,
          %get3A_195 = arith.index_cast %add3A_171 : i32 to index
          %get3A_196 = arith.constant 16 : index
          %get3A_197 = tpu.vector_load %arg6[%get3A_195, %get3A_196] {strides = array<i32>} : memref<160x128xi32, #tpu.memory_space<vmem>>, vector<1x16xi32>,
          %get3A_198 = vector.shape_cast %get3A_197 : vector<1x16xi32> to vector<16xi32>
          %add3A_199 = arith.constant 1 : i32
          %add3A_200 = vector.broadcast %add3A_199 : i32 to vector<16xi32>
          %add3A_201 = arith.addi %get3A_198, %add3A_200 : vector<16xi32>
          %swap3A_202 = arith.index_cast %add3A_171 : i32 to index
          %swap3A_203 = arith.constant 16 : index
          %swap3A_204 = tpu.vector_load %arg6[%swap3A_202, %swap3A_203] {strides = array<i32>} : memref<160x128xi32, #tpu.memory_space<vmem>>, vector<1x16xi32>,
          %swap3A_205 = vector.shape_cast %swap3A_204 : vector<1x16xi32> to vector<16xi32>
          %swap3A_206 = vector.shape_cast %add3A_201 : vector<16xi32> to vector<1x16xi32>
          tpu.vector_store %arg6[%swap3A_202, %swap3A_203], %swap3A_206 {strides = array<i32>} : memref<160x128xi32, #tpu.memory_space<vmem>>, vector<1x16xi32>,
          %get3A_207 = arith.index_cast %add3A_171 : i32 to index
          %get3A_208 = arith.constant 32 : index
          %get3A_209 = tpu.vector_load %arg6[%get3A_207, %get3A_208] {strides = array<i32>} : memref<160x128xi32, #tpu.memory_space<vmem>>, vector<1x16xi32>,
          %get3A_210 = vector.shape_cast %get3A_209 : vector<1x16xi32> to vector<16xi32>
          %add3A_211 = arith.constant 1 : i32
          %add3A_212 = vector.broadcast %add3A_211 : i32 to vector<16xi32>
          %add3A_213 = arith.addi %get3A_210, %add3A_212 : vector<16xi32>
          %swap3A_214 = arith.index_cast %add3A_171 : i32 to index
          %swap3A_215 = arith.constant 32 : index
          %swap3A_216 = tpu.vector_load %arg6[%swap3A_214, %swap3A_215] {strides = array<i32>} : memref<160x128xi32, #tpu.memory_space<vmem>>, vector<1x16xi32>,
          %swap3A_217 = vector.shape_cast %swap3A_216 : vector<1x16xi32> to vector<16xi32>
          %swap3A_218 = vector.shape_cast %add3A_213 : vector<16xi32> to vector<1x16xi32>
          tpu.vector_store %arg6[%swap3A_214, %swap3A_215], %swap3A_218 {strides = array<i32>} : memref<160x128xi32, #tpu.memory_space<vmem>>, vector<1x16xi32>,
          %get3A_219 = arith.index_cast %add3A_171 : i32 to index
          %get3A_220 = arith.constant 48 : index
          %get3A_221 = tpu.vector_load %arg6[%get3A_219, %get3A_220] {strides = array<i32>} : memref<160x128xi32, #tpu.memory_space<vmem>>, vector<1x16xi32>,
          %get3A_222 = vector.shape_cast %get3A_221 : vector<1x16xi32> to vector<16xi32>
          %add3A_223 = arith.constant 1 : i32
          %add3A_224 = vector.broadcast %add3A_223 : i32 to vector<16xi32>
          %add3A_225 = arith.addi %get3A_222, %add3A_224 : vector<16xi32>
          %swap3A_226 = arith.index_cast %add3A_171 : i32 to index
          %swap3A_227 = arith.constant 48 : index
          %swap3A_228 = tpu.vector_load %arg6[%swap3A_226, %swap3A_227] {strides = array<i32>} : memref<160x128xi32, #tpu.memory_space<vmem>>, vector<1x16xi32>,
          %swap3A_229 = vector.shape_cast %swap3A_228 : vector<1x16xi32> to vector<16xi32>
          %swap3A_230 = vector.shape_cast %add3A_225 : vector<16xi32> to vector<1x16xi32>
          tpu.vector_store %arg6[%swap3A_226, %swap3A_227], %swap3A_230 {strides = array<i32>} : memref<160x128xi32, #tpu.memory_space<vmem>>, vector<1x16xi32>,
          %get3A_231 = arith.index_cast %add3A_171 : i32 to index
          %get3A_232 = arith.constant 64 : index
          %get3A_233 = tpu.vector_load %arg6[%get3A_231, %get3A_232] {strides = array<i32>} : memref<160x128xi32, #tpu.memory_space<vmem>>, vector<1x16xi32>,
          %get3A_234 = vector.shape_cast %get3A_233 : vector<1x16xi32> to vector<16xi32>
          %add3A_235 = arith.constant 1 : i32
          %add3A_236 = vector.broadcast %add3A_235 : i32 to vector<16xi32>
          %add3A_237 = arith.addi %get3A_234, %add3A_236 : vector<16xi32>
          %swap3A_238 = arith.index_cast %add3A_171 : i32 to index
          %swap3A_239 = arith.constant 64 : index
          %swap3A_240 = tpu.vector_load %arg6[%swap3A_238, %swap3A_239] {strides = array<i32>} : memref<160x128xi32, #tpu.memory_space<vmem>>, vector<1x16xi32>,
          %swap3A_241 = vector.shape_cast %swap3A_240 : vector<1x16xi32> to vector<16xi32>
          %swap3A_242 = vector.shape_cast %add3A_237 : vector<16xi32> to vector<1x16xi32>
          tpu.vector_store %arg6[%swap3A_238, %swap3A_239], %swap3A_242 {strides = array<i32>} : memref<160x128xi32, #tpu.memory_space<vmem>>, vector<1x16xi32>,
          %get3A_243 = arith.index_cast %add3A_171 : i32 to index
          %get3A_244 = arith.constant 80 : index
          %get3A_245 = tpu.vector_load %arg6[%get3A_243, %get3A_244] {strides = array<i32>} : memref<160x128xi32, #tpu.memory_space<vmem>>, vector<1x16xi32>,
          %get3A_246 = vector.shape_cast %get3A_245 : vector<1x16xi32> to vector<16xi32>
          %add3A_247 = arith.constant 1 : i32
          %add3A_248 = vector.broadcast %add3A_247 : i32 to vector<16xi32>
          %add3A_249 = arith.addi %get3A_246, %add3A_248 : vector<16xi32>
          %swap3A_250 = arith.index_cast %add3A_171 : i32 to index
          %swap3A_251 = arith.constant 80 : index
          %swap3A_252 = tpu.vector_load %arg6[%swap3A_250, %swap3A_251] {strides = array<i32>} : memref<160x128xi32, #tpu.memory_space<vmem>>, vector<1x16xi32>,
          %swap3A_253 = vector.shape_cast %swap3A_252 : vector<1x16xi32> to vector<16xi32>
          %swap3A_254 = vector.shape_cast %add3A_249 : vector<16xi32> to vector<1x16xi32>
          tpu.vector_store %arg6[%swap3A_250, %swap3A_251], %swap3A_254 {strides = array<i32>} : memref<160x128xi32, #tpu.memory_space<vmem>>, vector<1x16xi32>,
          %get3A_255 = arith.index_cast %add3A_171 : i32 to index
          %get3A_256 = arith.constant 96 : index
          %get3A_257 = tpu.vector_load %arg6[%get3A_255, %get3A_256] {strides = array<i32>} : memref<160x128xi32, #tpu.memory_space<vmem>>, vector<1x16xi32>,
          %get3A_258 = vector.shape_cast %get3A_257 : vector<1x16xi32> to vector<16xi32>
          %add3A_259 = arith.constant 1 : i32
          %add3A_260 = vector.broadcast %add3A_259 : i32 to vector<16xi32>
          %add3A_261 = arith.addi %get3A_258, %add3A_260 : vector<16xi32>
          %swap3A_262 = arith.index_cast %add3A_171 : i32 to index
          %swap3A_263 = arith.constant 96 : index
          %swap3A_264 = tpu.vector_load %arg6[%swap3A_262, %swap3A_263] {strides = array<i32>} : memref<160x128xi32, #tpu.memory_space<vmem>>, vector<1x16xi32>,
          %swap3A_265 = vector.shape_cast %swap3A_264 : vector<1x16xi32> to vector<16xi32>
          %swap3A_266 = vector.shape_cast %add3A_261 : vector<16xi32> to vector<1x16xi32>
          tpu.vector_store %arg6[%swap3A_262, %swap3A_263], %swap3A_266 {strides = array<i32>} : memref<160x128xi32, #tpu.memory_space<vmem>>, vector<1x16xi32>,
          %get3A_267 = arith.index_cast %add3A_171 : i32 to index
          %get3A_268 = arith.constant 112 : index
          %get3A_269 = tpu.vector_load %arg6[%get3A_267, %get3A_268] {strides = array<i32>} : memref<160x128xi32, #tpu.memory_space<vmem>>, vector<1x16xi32>,
          %get3A_270 = vector.shape_cast %get3A_269 : vector<1x16xi32> to vector<16xi32>
          %add3A_271 = arith.constant 1 : i32
          %add3A_272 = vector.broadcast %add3A_271 : i32 to vector<16xi32>
          %add3A_273 = arith.addi %get3A_270, %add3A_272 : vector<16xi32>
          %swap3A_274 = arith.index_cast %add3A_171 : i32 to index
          %swap3A_275 = arith.constant 112 : index
          %swap3A_276 = tpu.vector_load %arg6[%swap3A_274, %swap3A_275] {strides = array<i32>} : memref<160x128xi32, #tpu.memory_space<vmem>>, vector<1x16xi32>,
          %swap3A_277 = vector.shape_cast %swap3A_276 : vector<1x16xi32> to vector<16xi32>
          %swap3A_278 = vector.shape_cast %add3A_273 : vector<16xi32> to vector<1x16xi32>
          tpu.vector_store %arg6[%swap3A_274, %swap3A_275], %swap3A_278 {strides = array<i32>} : memref<160x128xi32, #tpu.memory_space<vmem>>, vector<1x16xi32>,
        } else {
        }
        %add3A_175 = arith.constant 4 : i32
        %add3A_176 = arith.addi %add3A_92, %add3A_175 : i32
        %add3A_177 = arith.constant 1 : i32
        %add3A_178 = arith.addi %add3A_176, %add3A_177 : i32
        %dma_start3A_179 = arith.constant 0 : i32
        %dma_start3A_180 = tpu.memref_slice %arg6[%add3A_178, %dma_start3A_179] : memref<160x128xi32, #tpu.memory_space<vmem>> -> memref<1x128xi32, #tpu.memory_space<vmem>>
        %dma_start3A_181 = tpu.memref_squeeze %dma_start3A_180 : memref<1x128xi32, #tpu.memory_space<vmem>> -> memref<128xi32, #tpu.memory_space<vmem>>
        %dma_start3A_182 = arith.constant 0 : i32
        %dma_start3A_183 = arith.constant 0 : i32
        %dma_start3A_184 = tpu.memref_slice %arg2[%dma_start3A_182, %dma_start3A_183] : memref<20000x64xf32, #tpu.memory_space<hbm>> -> memref<20000x64xf32, #tpu.memory_space<hbm>>
        tpu.enqueue_indirect_dma source(%dma_start3A_184 : memref<20000x64xf32, #tpu.memory_space<hbm>>) target(%arg9 : memref<128x64xf32, #tpu.memory_space<vmem>>) offsets(%dma_start3A_181 : memref<128xi32, #tpu.memory_space<vmem>>) semaphore(%arg15 : memref<!tpu.dma_semaphore, #tpu.memory_space<semaphore_mem>>)
      } else {
      }
      %add3A_130 = arith.constant 2 : i32
      %add3A_131 = arith.addi %add3A_92, %add3A_130 : i32
      %dma_wait3A_132 = arith.constant 0 : i32
      %dma_wait3A_133 = tpu.memref_slice %arg6[%add3A_131, %dma_wait3A_132] : memref<160x128xi32, #tpu.memory_space<vmem>> -> memref<1x128xi32, #tpu.memory_space<vmem>>
      %dma_wait3A_134 = tpu.memref_squeeze %dma_wait3A_133 : memref<1x128xi32, #tpu.memory_space<vmem>> -> memref<128xi32, #tpu.memory_space<vmem>>
      %dma_wait3A_135 = arith.constant 0 : i32
      %dma_wait3A_136 = arith.constant 0 : i32
      %dma_wait3A_137 = tpu.memref_slice %arg2[%dma_wait3A_135, %dma_wait3A_136] : memref<20000x64xf32, #tpu.memory_space<hbm>> -> memref<20000x64xf32, #tpu.memory_space<hbm>>
      tpu.wait_indirect_dma semaphore(%arg16 : memref<!tpu.dma_semaphore, #tpu.memory_space<semaphore_mem>>) src(%dma_wait3A_137 : memref<20000x64xf32, #tpu.memory_space<hbm>>) dst(%arg10 : memref<128x64xf32, #tpu.memory_space<vmem>>)
      %add3A_138 = arith.constant 2 : i32
      %add3A_139 = arith.addi %add3A_92, %add3A_138 : i32
      "tpu.region"() ({
        %run_scoped3A = tpu.sem_alloc : memref<!tpu.dma_semaphore, #tpu.memory_space<semaphore_mem>>
        %dma_start3A_168 = arith.constant 0 : i32
        %dma_start3A_169 = tpu.memref_slice %arg7[%add3A_139, %dma_start3A_168] : memref<160x128xi32, #tpu.memory_space<vmem>> -> memref<1x128xi32, #tpu.memory_space<vmem>>
        %dma_start3A_170 = tpu.memref_squeeze %dma_start3A_169 : memref<1x128xi32, #tpu.memory_space<vmem>> -> memref<128xi32, #tpu.memory_space<vmem>>
        %dma_start3A_171 = arith.constant 0 : i32
        %dma_start3A_172 = arith.constant 0 : i32
        %dma_start3A_173 = tpu.memref_slice %arg13[%dma_start3A_171, %dma_start3A_172] : memref<10240x64xf32, #tpu.memory_space<vmem_shared>> -> memref<10240x64xf32, #tpu.memory_space<vmem_shared>>
        tpu.enqueue_indirect_dma source(%arg10 : memref<128x64xf32, #tpu.memory_space<vmem>>) target(%dma_start3A_173 : memref<10240x64xf32, #tpu.memory_space<vmem_shared>>) offsets(%dma_start3A_170 : memref<128xi32, #tpu.memory_space<vmem>>) semaphore(%run_scoped3A : memref<!tpu.dma_semaphore, #tpu.memory_space<semaphore_mem>>) {add = true}
        %dma_wait3A_174 = arith.constant 0 : i32
        %dma_wait3A_175 = tpu.memref_slice %arg7[%add3A_139, %dma_wait3A_174] : memref<160x128xi32, #tpu.memory_space<vmem>> -> memref<1x128xi32, #tpu.memory_space<vmem>>
        %dma_wait3A_176 = tpu.memref_squeeze %dma_wait3A_175 : memref<1x128xi32, #tpu.memory_space<vmem>> -> memref<128xi32, #tpu.memory_space<vmem>>
        %dma_wait3A_177 = arith.constant 0 : i32
        %dma_wait3A_178 = arith.constant 0 : i32
        %dma_wait3A_179 = tpu.memref_slice %arg13[%dma_wait3A_177, %dma_wait3A_178] : memref<10240x64xf32, #tpu.memory_space<vmem_shared>> -> memref<10240x64xf32, #tpu.memory_space<vmem_shared>>
        tpu.wait_indirect_dma semaphore(%run_scoped3A : memref<!tpu.dma_semaphore, #tpu.memory_space<semaphore_mem>>) src(%arg10 : memref<128x64xf32, #tpu.memory_space<vmem>>) dst(%dma_wait3A_179 : memref<10240x64xf32, #tpu.memory_space<vmem_shared>>)
        tpu.yield
      }) : () -> ()
      %add3A_140 = arith.constant 4 : i32
      %add3A_141 = arith.addi %add3A_92, %add3A_140 : i32
      %add3A_142 = arith.constant 2 : i32
      %add3A_143 = arith.addi %add3A_141, %add3A_142 : i32
      %lt3A_144 = arith.constant 160 : i32
      %lt3A_145 = arith.cmpi slt, %add3A_143, %lt3A_144 : i32
      %convert_element_type3A_146 = arith.extui %lt3A_145 : i1 to i32
      %cond3A_147 = arith.constant 0 : i32
      %cond3A_148 = arith.cmpi ne, %convert_element_type3A_146, %cond3A_147 : i32
      scf.if %cond3A_148 {
        %add3A_168 = arith.constant 4 : i32
        %add3A_169 = arith.addi %add3A_92, %add3A_168 : i32
        %add3A_170 = arith.constant 2 : i32
        %add3A_171 = arith.addi %add3A_169, %add3A_170 : i32
        %convert_element_type3A_172 = arith.extui %eq3A_39 : i1 to i32
        %cond3A_173 = arith.constant 0 : i32
        %cond3A_174 = arith.cmpi ne, %convert_element_type3A_172, %cond3A_173 : i32
        scf.if %cond3A_174 {
          %get3A = arith.index_cast %add3A_171 : i32 to index
          %get3A_185 = arith.constant 0 : index
          %get3A_186 = tpu.vector_load %arg6[%get3A, %get3A_185] {strides = array<i32>} : memref<160x128xi32, #tpu.memory_space<vmem>>, vector<1x16xi32>,
          %get3A_187 = vector.shape_cast %get3A_186 : vector<1x16xi32> to vector<16xi32>
          %add3A_188 = arith.constant 1 : i32
          %add3A_189 = vector.broadcast %add3A_188 : i32 to vector<16xi32>
          %add3A_190 = arith.addi %get3A_187, %add3A_189 : vector<16xi32>
          %swap3A = arith.index_cast %add3A_171 : i32 to index
          %swap3A_191 = arith.constant 0 : index
          %swap3A_192 = tpu.vector_load %arg6[%swap3A, %swap3A_191] {strides = array<i32>} : memref<160x128xi32, #tpu.memory_space<vmem>>, vector<1x16xi32>,
          %swap3A_193 = vector.shape_cast %swap3A_192 : vector<1x16xi32> to vector<16xi32>
          %swap3A_194 = vector.shape_cast %add3A_190 : vector<16xi32> to vector<1x16xi32>
          tpu.vector_store %arg6[%swap3A, %swap3A_191], %swap3A_194 {strides = array<i32>} : memref<160x128xi32, #tpu.memory_space<vmem>>, vector<1x16xi32>,
          %get3A_195 = arith.index_cast %add3A_171 : i32 to index
          %get3A_196 = arith.constant 16 : index
          %get3A_197 = tpu.vector_load %arg6[%get3A_195, %get3A_196] {strides = array<i32>} : memref<160x128xi32, #tpu.memory_space<vmem>>, vector<1x16xi32>,
          %get3A_198 = vector.shape_cast %get3A_197 : vector<1x16xi32> to vector<16xi32>
          %add3A_199 = arith.constant 1 : i32
          %add3A_200 = vector.broadcast %add3A_199 : i32 to vector<16xi32>
          %add3A_201 = arith.addi %get3A_198, %add3A_200 : vector<16xi32>
          %swap3A_202 = arith.index_cast %add3A_171 : i32 to index
          %swap3A_203 = arith.constant 16 : index
          %swap3A_204 = tpu.vector_load %arg6[%swap3A_202, %swap3A_203] {strides = array<i32>} : memref<160x128xi32, #tpu.memory_space<vmem>>, vector<1x16xi32>,
          %swap3A_205 = vector.shape_cast %swap3A_204 : vector<1x16xi32> to vector<16xi32>
          %swap3A_206 = vector.shape_cast %add3A_201 : vector<16xi32> to vector<1x16xi32>
          tpu.vector_store %arg6[%swap3A_202, %swap3A_203], %swap3A_206 {strides = array<i32>} : memref<160x128xi32, #tpu.memory_space<vmem>>, vector<1x16xi32>,
          %get3A_207 = arith.index_cast %add3A_171 : i32 to index
          %get3A_208 = arith.constant 32 : index
          %get3A_209 = tpu.vector_load %arg6[%get3A_207, %get3A_208] {strides = array<i32>} : memref<160x128xi32, #tpu.memory_space<vmem>>, vector<1x16xi32>,
          %get3A_210 = vector.shape_cast %get3A_209 : vector<1x16xi32> to vector<16xi32>
          %add3A_211 = arith.constant 1 : i32
          %add3A_212 = vector.broadcast %add3A_211 : i32 to vector<16xi32>
          %add3A_213 = arith.addi %get3A_210, %add3A_212 : vector<16xi32>
          %swap3A_214 = arith.index_cast %add3A_171 : i32 to index
          %swap3A_215 = arith.constant 32 : index
          %swap3A_216 = tpu.vector_load %arg6[%swap3A_214, %swap3A_215] {strides = array<i32>} : memref<160x128xi32, #tpu.memory_space<vmem>>, vector<1x16xi32>,
          %swap3A_217 = vector.shape_cast %swap3A_216 : vector<1x16xi32> to vector<16xi32>
          %swap3A_218 = vector.shape_cast %add3A_213 : vector<16xi32> to vector<1x16xi32>
          tpu.vector_store %arg6[%swap3A_214, %swap3A_215], %swap3A_218 {strides = array<i32>} : memref<160x128xi32, #tpu.memory_space<vmem>>, vector<1x16xi32>,
          %get3A_219 = arith.index_cast %add3A_171 : i32 to index
          %get3A_220 = arith.constant 48 : index
          %get3A_221 = tpu.vector_load %arg6[%get3A_219, %get3A_220] {strides = array<i32>} : memref<160x128xi32, #tpu.memory_space<vmem>>, vector<1x16xi32>,
          %get3A_222 = vector.shape_cast %get3A_221 : vector<1x16xi32> to vector<16xi32>
          %add3A_223 = arith.constant 1 : i32
          %add3A_224 = vector.broadcast %add3A_223 : i32 to vector<16xi32>
          %add3A_225 = arith.addi %get3A_222, %add3A_224 : vector<16xi32>
          %swap3A_226 = arith.index_cast %add3A_171 : i32 to index
          %swap3A_227 = arith.constant 48 : index
          %swap3A_228 = tpu.vector_load %arg6[%swap3A_226, %swap3A_227] {strides = array<i32>} : memref<160x128xi32, #tpu.memory_space<vmem>>, vector<1x16xi32>,
          %swap3A_229 = vector.shape_cast %swap3A_228 : vector<1x16xi32> to vector<16xi32>
          %swap3A_230 = vector.shape_cast %add3A_225 : vector<16xi32> to vector<1x16xi32>
          tpu.vector_store %arg6[%swap3A_226, %swap3A_227], %swap3A_230 {strides = array<i32>} : memref<160x128xi32, #tpu.memory_space<vmem>>, vector<1x16xi32>,
          %get3A_231 = arith.index_cast %add3A_171 : i32 to index
          %get3A_232 = arith.constant 64 : index
          %get3A_233 = tpu.vector_load %arg6[%get3A_231, %get3A_232] {strides = array<i32>} : memref<160x128xi32, #tpu.memory_space<vmem>>, vector<1x16xi32>,
          %get3A_234 = vector.shape_cast %get3A_233 : vector<1x16xi32> to vector<16xi32>
          %add3A_235 = arith.constant 1 : i32
          %add3A_236 = vector.broadcast %add3A_235 : i32 to vector<16xi32>
          %add3A_237 = arith.addi %get3A_234, %add3A_236 : vector<16xi32>
          %swap3A_238 = arith.index_cast %add3A_171 : i32 to index
          %swap3A_239 = arith.constant 64 : index
          %swap3A_240 = tpu.vector_load %arg6[%swap3A_238, %swap3A_239] {strides = array<i32>} : memref<160x128xi32, #tpu.memory_space<vmem>>, vector<1x16xi32>,
          %swap3A_241 = vector.shape_cast %swap3A_240 : vector<1x16xi32> to vector<16xi32>
          %swap3A_242 = vector.shape_cast %add3A_237 : vector<16xi32> to vector<1x16xi32>
          tpu.vector_store %arg6[%swap3A_238, %swap3A_239], %swap3A_242 {strides = array<i32>} : memref<160x128xi32, #tpu.memory_space<vmem>>, vector<1x16xi32>,
          %get3A_243 = arith.index_cast %add3A_171 : i32 to index
          %get3A_244 = arith.constant 80 : index
          %get3A_245 = tpu.vector_load %arg6[%get3A_243, %get3A_244] {strides = array<i32>} : memref<160x128xi32, #tpu.memory_space<vmem>>, vector<1x16xi32>,
          %get3A_246 = vector.shape_cast %get3A_245 : vector<1x16xi32> to vector<16xi32>
          %add3A_247 = arith.constant 1 : i32
          %add3A_248 = vector.broadcast %add3A_247 : i32 to vector<16xi32>
          %add3A_249 = arith.addi %get3A_246, %add3A_248 : vector<16xi32>
          %swap3A_250 = arith.index_cast %add3A_171 : i32 to index
          %swap3A_251 = arith.constant 80 : index
          %swap3A_252 = tpu.vector_load %arg6[%swap3A_250, %swap3A_251] {strides = array<i32>} : memref<160x128xi32, #tpu.memory_space<vmem>>, vector<1x16xi32>,
          %swap3A_253 = vector.shape_cast %swap3A_252 : vector<1x16xi32> to vector<16xi32>
          %swap3A_254 = vector.shape_cast %add3A_249 : vector<16xi32> to vector<1x16xi32>
          tpu.vector_store %arg6[%swap3A_250, %swap3A_251], %swap3A_254 {strides = array<i32>} : memref<160x128xi32, #tpu.memory_space<vmem>>, vector<1x16xi32>,
          %get3A_255 = arith.index_cast %add3A_171 : i32 to index
          %get3A_256 = arith.constant 96 : index
          %get3A_257 = tpu.vector_load %arg6[%get3A_255, %get3A_256] {strides = array<i32>} : memref<160x128xi32, #tpu.memory_space<vmem>>, vector<1x16xi32>,
          %get3A_258 = vector.shape_cast %get3A_257 : vector<1x16xi32> to vector<16xi32>
          %add3A_259 = arith.constant 1 : i32
          %add3A_260 = vector.broadcast %add3A_259 : i32 to vector<16xi32>
          %add3A_261 = arith.addi %get3A_258, %add3A_260 : vector<16xi32>
          %swap3A_262 = arith.index_cast %add3A_171 : i32 to index
          %swap3A_263 = arith.constant 96 : index
          %swap3A_264 = tpu.vector_load %arg6[%swap3A_262, %swap3A_263] {strides = array<i32>} : memref<160x128xi32, #tpu.memory_space<vmem>>, vector<1x16xi32>,
          %swap3A_265 = vector.shape_cast %swap3A_264 : vector<1x16xi32> to vector<16xi32>
          %swap3A_266 = vector.shape_cast %add3A_261 : vector<16xi32> to vector<1x16xi32>
          tpu.vector_store %arg6[%swap3A_262, %swap3A_263], %swap3A_266 {strides = array<i32>} : memref<160x128xi32, #tpu.memory_space<vmem>>, vector<1x16xi32>,
          %get3A_267 = arith.index_cast %add3A_171 : i32 to index
          %get3A_268 = arith.constant 112 : index
          %get3A_269 = tpu.vector_load %arg6[%get3A_267, %get3A_268] {strides = array<i32>} : memref<160x128xi32, #tpu.memory_space<vmem>>, vector<1x16xi32>,
          %get3A_270 = vector.shape_cast %get3A_269 : vector<1x16xi32> to vector<16xi32>
          %add3A_271 = arith.constant 1 : i32
          %add3A_272 = vector.broadcast %add3A_271 : i32 to vector<16xi32>
          %add3A_273 = arith.addi %get3A_270, %add3A_272 : vector<16xi32>
          %swap3A_274 = arith.index_cast %add3A_171 : i32 to index
          %swap3A_275 = arith.constant 112 : index
          %swap3A_276 = tpu.vector_load %arg6[%swap3A_274, %swap3A_275] {strides = array<i32>} : memref<160x128xi32, #tpu.memory_space<vmem>>, vector<1x16xi32>,
          %swap3A_277 = vector.shape_cast %swap3A_276 : vector<1x16xi32> to vector<16xi32>
          %swap3A_278 = vector.shape_cast %add3A_273 : vector<16xi32> to vector<1x16xi32>
          tpu.vector_store %arg6[%swap3A_274, %swap3A_275], %swap3A_278 {strides = array<i32>} : memref<160x128xi32, #tpu.memory_space<vmem>>, vector<1x16xi32>,
        } else {
        }
        %add3A_175 = arith.constant 4 : i32
        %add3A_176 = arith.addi %add3A_92, %add3A_175 : i32
        %add3A_177 = arith.constant 2 : i32
        %add3A_178 = arith.addi %add3A_176, %add3A_177 : i32
        %dma_start3A_179 = arith.constant 0 : i32
        %dma_start3A_180 = tpu.memref_slice %arg6[%add3A_178, %dma_start3A_179] : memref<160x128xi32, #tpu.memory_space<vmem>> -> memref<1x128xi32, #tpu.memory_space<vmem>>
        %dma_start3A_181 = tpu.memref_squeeze %dma_start3A_180 : memref<1x128xi32, #tpu.memory_space<vmem>> -> memref<128xi32, #tpu.memory_space<vmem>>
        %dma_start3A_182 = arith.constant 0 : i32
        %dma_start3A_183 = arith.constant 0 : i32
        %dma_start3A_184 = tpu.memref_slice %arg2[%dma_start3A_182, %dma_start3A_183] : memref<20000x64xf32, #tpu.memory_space<hbm>> -> memref<20000x64xf32, #tpu.memory_space<hbm>>
        tpu.enqueue_indirect_dma source(%dma_start3A_184 : memref<20000x64xf32, #tpu.memory_space<hbm>>) target(%arg10 : memref<128x64xf32, #tpu.memory_space<vmem>>) offsets(%dma_start3A_181 : memref<128xi32, #tpu.memory_space<vmem>>) semaphore(%arg16 : memref<!tpu.dma_semaphore, #tpu.memory_space<semaphore_mem>>)
      } else {
      }
      %add3A_149 = arith.constant 3 : i32
      %add3A_150 = arith.addi %add3A_92, %add3A_149 : i32
      %dma_wait3A_151 = arith.constant 0 : i32
      %dma_wait3A_152 = tpu.memref_slice %arg6[%add3A_150, %dma_wait3A_151] : memref<160x128xi32, #tpu.memory_space<vmem>> -> memref<1x128xi32, #tpu.memory_space<vmem>>
      %dma_wait3A_153 = tpu.memref_squeeze %dma_wait3A_152 : memref<1x128xi32, #tpu.memory_space<vmem>> -> memref<128xi32, #tpu.memory_space<vmem>>
      %dma_wait3A_154 = arith.constant 0 : i32
      %dma_wait3A_155 = arith.constant 0 : i32
      %dma_wait3A_156 = tpu.memref_slice %arg2[%dma_wait3A_154, %dma_wait3A_155] : memref<20000x64xf32, #tpu.memory_space<hbm>> -> memref<20000x64xf32, #tpu.memory_space<hbm>>
      tpu.wait_indirect_dma semaphore(%arg17 : memref<!tpu.dma_semaphore, #tpu.memory_space<semaphore_mem>>) src(%dma_wait3A_156 : memref<20000x64xf32, #tpu.memory_space<hbm>>) dst(%arg11 : memref<128x64xf32, #tpu.memory_space<vmem>>)
      %add3A_157 = arith.constant 3 : i32
      %add3A_158 = arith.addi %add3A_92, %add3A_157 : i32
      "tpu.region"() ({
        %run_scoped3A = tpu.sem_alloc : memref<!tpu.dma_semaphore, #tpu.memory_space<semaphore_mem>>
        %dma_start3A_168 = arith.constant 0 : i32
        %dma_start3A_169 = tpu.memref_slice %arg7[%add3A_158, %dma_start3A_168] : memref<160x128xi32, #tpu.memory_space<vmem>> -> memref<1x128xi32, #tpu.memory_space<vmem>>
        %dma_start3A_170 = tpu.memref_squeeze %dma_start3A_169 : memref<1x128xi32, #tpu.memory_space<vmem>> -> memref<128xi32, #tpu.memory_space<vmem>>
        %dma_start3A_171 = arith.constant 0 : i32
        %dma_start3A_172 = arith.constant 0 : i32
        %dma_start3A_173 = tpu.memref_slice %arg13[%dma_start3A_171, %dma_start3A_172] : memref<10240x64xf32, #tpu.memory_space<vmem_shared>> -> memref<10240x64xf32, #tpu.memory_space<vmem_shared>>
        tpu.enqueue_indirect_dma source(%arg11 : memref<128x64xf32, #tpu.memory_space<vmem>>) target(%dma_start3A_173 : memref<10240x64xf32, #tpu.memory_space<vmem_shared>>) offsets(%dma_start3A_170 : memref<128xi32, #tpu.memory_space<vmem>>) semaphore(%run_scoped3A : memref<!tpu.dma_semaphore, #tpu.memory_space<semaphore_mem>>) {add = true}
        %dma_wait3A_174 = arith.constant 0 : i32
        %dma_wait3A_175 = tpu.memref_slice %arg7[%add3A_158, %dma_wait3A_174] : memref<160x128xi32, #tpu.memory_space<vmem>> -> memref<1x128xi32, #tpu.memory_space<vmem>>
        %dma_wait3A_176 = tpu.memref_squeeze %dma_wait3A_175 : memref<1x128xi32, #tpu.memory_space<vmem>> -> memref<128xi32, #tpu.memory_space<vmem>>
        %dma_wait3A_177 = arith.constant 0 : i32
        %dma_wait3A_178 = arith.constant 0 : i32
        %dma_wait3A_179 = tpu.memref_slice %arg13[%dma_wait3A_177, %dma_wait3A_178] : memref<10240x64xf32, #tpu.memory_space<vmem_shared>> -> memref<10240x64xf32, #tpu.memory_space<vmem_shared>>
        tpu.wait_indirect_dma semaphore(%run_scoped3A : memref<!tpu.dma_semaphore, #tpu.memory_space<semaphore_mem>>) src(%arg11 : memref<128x64xf32, #tpu.memory_space<vmem>>) dst(%dma_wait3A_179 : memref<10240x64xf32, #tpu.memory_space<vmem_shared>>)
        tpu.yield
      }) : () -> ()
      %add3A_159 = arith.constant 4 : i32
      %add3A_160 = arith.addi %add3A_92, %add3A_159 : i32
      %add3A_161 = arith.constant 3 : i32
      %add3A_162 = arith.addi %add3A_160, %add3A_161 : i32
      %lt3A_163 = arith.constant 160 : i32
      %lt3A_164 = arith.cmpi slt, %add3A_162, %lt3A_163 : i32
      %convert_element_type3A_165 = arith.extui %lt3A_164 : i1 to i32
      %cond3A_166 = arith.constant 0 : i32
      %cond3A_167 = arith.cmpi ne, %convert_element_type3A_165, %cond3A_166 : i32
      scf.if %cond3A_167 {
        %add3A_168 = arith.constant 4 : i32
        %add3A_169 = arith.addi %add3A_92, %add3A_168 : i32
        %add3A_170 = arith.constant 3 : i32
        %add3A_171 = arith.addi %add3A_169, %add3A_170 : i32
        %convert_element_type3A_172 = arith.extui %eq3A_39 : i1 to i32
        %cond3A_173 = arith.constant 0 : i32
        %cond3A_174 = arith.cmpi ne, %convert_element_type3A_172, %cond3A_173 : i32
        scf.if %cond3A_174 {
          %get3A = arith.index_cast %add3A_171 : i32 to index
          %get3A_185 = arith.constant 0 : index
          %get3A_186 = tpu.vector_load %arg6[%get3A, %get3A_185] {strides = array<i32>} : memref<160x128xi32, #tpu.memory_space<vmem>>, vector<1x16xi32>,
          %get3A_187 = vector.shape_cast %get3A_186 : vector<1x16xi32> to vector<16xi32>
          %add3A_188 = arith.constant 1 : i32
          %add3A_189 = vector.broadcast %add3A_188 : i32 to vector<16xi32>
          %add3A_190 = arith.addi %get3A_187, %add3A_189 : vector<16xi32>
          %swap3A = arith.index_cast %add3A_171 : i32 to index
          %swap3A_191 = arith.constant 0 : index
          %swap3A_192 = tpu.vector_load %arg6[%swap3A, %swap3A_191] {strides = array<i32>} : memref<160x128xi32, #tpu.memory_space<vmem>>, vector<1x16xi32>,
          %swap3A_193 = vector.shape_cast %swap3A_192 : vector<1x16xi32> to vector<16xi32>
          %swap3A_194 = vector.shape_cast %add3A_190 : vector<16xi32> to vector<1x16xi32>
          tpu.vector_store %arg6[%swap3A, %swap3A_191], %swap3A_194 {strides = array<i32>} : memref<160x128xi32, #tpu.memory_space<vmem>>, vector<1x16xi32>,
          %get3A_195 = arith.index_cast %add3A_171 : i32 to index
          %get3A_196 = arith.constant 16 : index
          %get3A_197 = tpu.vector_load %arg6[%get3A_195, %get3A_196] {strides = array<i32>} : memref<160x128xi32, #tpu.memory_space<vmem>>, vector<1x16xi32>,
          %get3A_198 = vector.shape_cast %get3A_197 : vector<1x16xi32> to vector<16xi32>
          %add3A_199 = arith.constant 1 : i32
          %add3A_200 = vector.broadcast %add3A_199 : i32 to vector<16xi32>
          %add3A_201 = arith.addi %get3A_198, %add3A_200 : vector<16xi32>
          %swap3A_202 = arith.index_cast %add3A_171 : i32 to index
          %swap3A_203 = arith.constant 16 : index
          %swap3A_204 = tpu.vector_load %arg6[%swap3A_202, %swap3A_203] {strides = array<i32>} : memref<160x128xi32, #tpu.memory_space<vmem>>, vector<1x16xi32>,
          %swap3A_205 = vector.shape_cast %swap3A_204 : vector<1x16xi32> to vector<16xi32>
          %swap3A_206 = vector.shape_cast %add3A_201 : vector<16xi32> to vector<1x16xi32>
          tpu.vector_store %arg6[%swap3A_202, %swap3A_203], %swap3A_206 {strides = array<i32>} : memref<160x128xi32, #tpu.memory_space<vmem>>, vector<1x16xi32>,
          %get3A_207 = arith.index_cast %add3A_171 : i32 to index
          %get3A_208 = arith.constant 32 : index
          %get3A_209 = tpu.vector_load %arg6[%get3A_207, %get3A_208] {strides = array<i32>} : memref<160x128xi32, #tpu.memory_space<vmem>>, vector<1x16xi32>,
          %get3A_210 = vector.shape_cast %get3A_209 : vector<1x16xi32> to vector<16xi32>
          %add3A_211 = arith.constant 1 : i32
          %add3A_212 = vector.broadcast %add3A_211 : i32 to vector<16xi32>
          %add3A_213 = arith.addi %get3A_210, %add3A_212 : vector<16xi32>
          %swap3A_214 = arith.index_cast %add3A_171 : i32 to index
          %swap3A_215 = arith.constant 32 : index
          %swap3A_216 = tpu.vector_load %arg6[%swap3A_214, %swap3A_215] {strides = array<i32>} : memref<160x128xi32, #tpu.memory_space<vmem>>, vector<1x16xi32>,
          %swap3A_217 = vector.shape_cast %swap3A_216 : vector<1x16xi32> to vector<16xi32>
          %swap3A_218 = vector.shape_cast %add3A_213 : vector<16xi32> to vector<1x16xi32>
          tpu.vector_store %arg6[%swap3A_214, %swap3A_215], %swap3A_218 {strides = array<i32>} : memref<160x128xi32, #tpu.memory_space<vmem>>, vector<1x16xi32>,
          %get3A_219 = arith.index_cast %add3A_171 : i32 to index
          %get3A_220 = arith.constant 48 : index
          %get3A_221 = tpu.vector_load %arg6[%get3A_219, %get3A_220] {strides = array<i32>} : memref<160x128xi32, #tpu.memory_space<vmem>>, vector<1x16xi32>,
          %get3A_222 = vector.shape_cast %get3A_221 : vector<1x16xi32> to vector<16xi32>
          %add3A_223 = arith.constant 1 : i32
          %add3A_224 = vector.broadcast %add3A_223 : i32 to vector<16xi32>
          %add3A_225 = arith.addi %get3A_222, %add3A_224 : vector<16xi32>
          %swap3A_226 = arith.index_cast %add3A_171 : i32 to index
          %swap3A_227 = arith.constant 48 : index
          %swap3A_228 = tpu.vector_load %arg6[%swap3A_226, %swap3A_227] {strides = array<i32>} : memref<160x128xi32, #tpu.memory_space<vmem>>, vector<1x16xi32>,
          %swap3A_229 = vector.shape_cast %swap3A_228 : vector<1x16xi32> to vector<16xi32>
          %swap3A_230 = vector.shape_cast %add3A_225 : vector<16xi32> to vector<1x16xi32>
          tpu.vector_store %arg6[%swap3A_226, %swap3A_227], %swap3A_230 {strides = array<i32>} : memref<160x128xi32, #tpu.memory_space<vmem>>, vector<1x16xi32>,
          %get3A_231 = arith.index_cast %add3A_171 : i32 to index
          %get3A_232 = arith.constant 64 : index
          %get3A_233 = tpu.vector_load %arg6[%get3A_231, %get3A_232] {strides = array<i32>} : memref<160x128xi32, #tpu.memory_space<vmem>>, vector<1x16xi32>,
          %get3A_234 = vector.shape_cast %get3A_233 : vector<1x16xi32> to vector<16xi32>
          %add3A_235 = arith.constant 1 : i32
          %add3A_236 = vector.broadcast %add3A_235 : i32 to vector<16xi32>
          %add3A_237 = arith.addi %get3A_234, %add3A_236 : vector<16xi32>
          %swap3A_238 = arith.index_cast %add3A_171 : i32 to index
          %swap3A_239 = arith.constant 64 : index
          %swap3A_240 = tpu.vector_load %arg6[%swap3A_238, %swap3A_239] {strides = array<i32>} : memref<160x128xi32, #tpu.memory_space<vmem>>, vector<1x16xi32>,
          %swap3A_241 = vector.shape_cast %swap3A_240 : vector<1x16xi32> to vector<16xi32>
          %swap3A_242 = vector.shape_cast %add3A_237 : vector<16xi32> to vector<1x16xi32>
          tpu.vector_store %arg6[%swap3A_238, %swap3A_239], %swap3A_242 {strides = array<i32>} : memref<160x128xi32, #tpu.memory_space<vmem>>, vector<1x16xi32>,
          %get3A_243 = arith.index_cast %add3A_171 : i32 to index
          %get3A_244 = arith.constant 80 : index
          %get3A_245 = tpu.vector_load %arg6[%get3A_243, %get3A_244] {strides = array<i32>} : memref<160x128xi32, #tpu.memory_space<vmem>>, vector<1x16xi32>,
          %get3A_246 = vector.shape_cast %get3A_245 : vector<1x16xi32> to vector<16xi32>
          %add3A_247 = arith.constant 1 : i32
          %add3A_248 = vector.broadcast %add3A_247 : i32 to vector<16xi32>
          %add3A_249 = arith.addi %get3A_246, %add3A_248 : vector<16xi32>
          %swap3A_250 = arith.index_cast %add3A_171 : i32 to index
          %swap3A_251 = arith.constant 80 : index
          %swap3A_252 = tpu.vector_load %arg6[%swap3A_250, %swap3A_251] {strides = array<i32>} : memref<160x128xi32, #tpu.memory_space<vmem>>, vector<1x16xi32>,
          %swap3A_253 = vector.shape_cast %swap3A_252 : vector<1x16xi32> to vector<16xi32>
          %swap3A_254 = vector.shape_cast %add3A_249 : vector<16xi32> to vector<1x16xi32>
          tpu.vector_store %arg6[%swap3A_250, %swap3A_251], %swap3A_254 {strides = array<i32>} : memref<160x128xi32, #tpu.memory_space<vmem>>, vector<1x16xi32>,
          %get3A_255 = arith.index_cast %add3A_171 : i32 to index
          %get3A_256 = arith.constant 96 : index
          %get3A_257 = tpu.vector_load %arg6[%get3A_255, %get3A_256] {strides = array<i32>} : memref<160x128xi32, #tpu.memory_space<vmem>>, vector<1x16xi32>,
          %get3A_258 = vector.shape_cast %get3A_257 : vector<1x16xi32> to vector<16xi32>
          %add3A_259 = arith.constant 1 : i32
          %add3A_260 = vector.broadcast %add3A_259 : i32 to vector<16xi32>
          %add3A_261 = arith.addi %get3A_258, %add3A_260 : vector<16xi32>
          %swap3A_262 = arith.index_cast %add3A_171 : i32 to index
          %swap3A_263 = arith.constant 96 : index
          %swap3A_264 = tpu.vector_load %arg6[%swap3A_262, %swap3A_263] {strides = array<i32>} : memref<160x128xi32, #tpu.memory_space<vmem>>, vector<1x16xi32>,
          %swap3A_265 = vector.shape_cast %swap3A_264 : vector<1x16xi32> to vector<16xi32>
          %swap3A_266 = vector.shape_cast %add3A_261 : vector<16xi32> to vector<1x16xi32>
          tpu.vector_store %arg6[%swap3A_262, %swap3A_263], %swap3A_266 {strides = array<i32>} : memref<160x128xi32, #tpu.memory_space<vmem>>, vector<1x16xi32>,
          %get3A_267 = arith.index_cast %add3A_171 : i32 to index
          %get3A_268 = arith.constant 112 : index
          %get3A_269 = tpu.vector_load %arg6[%get3A_267, %get3A_268] {strides = array<i32>} : memref<160x128xi32, #tpu.memory_space<vmem>>, vector<1x16xi32>,
          %get3A_270 = vector.shape_cast %get3A_269 : vector<1x16xi32> to vector<16xi32>
          %add3A_271 = arith.constant 1 : i32
          %add3A_272 = vector.broadcast %add3A_271 : i32 to vector<16xi32>
          %add3A_273 = arith.addi %get3A_270, %add3A_272 : vector<16xi32>
          %swap3A_274 = arith.index_cast %add3A_171 : i32 to index
          %swap3A_275 = arith.constant 112 : index
          %swap3A_276 = tpu.vector_load %arg6[%swap3A_274, %swap3A_275] {strides = array<i32>} : memref<160x128xi32, #tpu.memory_space<vmem>>, vector<1x16xi32>,
          %swap3A_277 = vector.shape_cast %swap3A_276 : vector<1x16xi32> to vector<16xi32>
          %swap3A_278 = vector.shape_cast %add3A_273 : vector<16xi32> to vector<1x16xi32>
          tpu.vector_store %arg6[%swap3A_274, %swap3A_275], %swap3A_278 {strides = array<i32>} : memref<160x128xi32, #tpu.memory_space<vmem>>, vector<1x16xi32>,
        } else {
        }
        %add3A_175 = arith.constant 4 : i32
        %add3A_176 = arith.addi %add3A_92, %add3A_175 : i32
        %add3A_177 = arith.constant 3 : i32
        %add3A_178 = arith.addi %add3A_176, %add3A_177 : i32
        %dma_start3A_179 = arith.constant 0 : i32
        %dma_start3A_180 = tpu.memref_slice %arg6[%add3A_178, %dma_start3A_179] : memref<160x128xi32, #tpu.memory_space<vmem>> -> memref<1x128xi32, #tpu.memory_space<vmem>>
        %dma_start3A_181 = tpu.memref_squeeze %dma_start3A_180 : memref<1x128xi32, #tpu.memory_space<vmem>> -> memref<128xi32, #tpu.memory_space<vmem>>
        %dma_start3A_182 = arith.constant 0 : i32
        %dma_start3A_183 = arith.constant 0 : i32
        %dma_start3A_184 = tpu.memref_slice %arg2[%dma_start3A_182, %dma_start3A_183] : memref<20000x64xf32, #tpu.memory_space<hbm>> -> memref<20000x64xf32, #tpu.memory_space<hbm>>
        tpu.enqueue_indirect_dma source(%dma_start3A_184 : memref<20000x64xf32, #tpu.memory_space<hbm>>) target(%arg11 : memref<128x64xf32, #tpu.memory_space<vmem>>) offsets(%dma_start3A_181 : memref<128xi32, #tpu.memory_space<vmem>>) semaphore(%arg17 : memref<!tpu.dma_semaphore, #tpu.memory_space<semaphore_mem>>)
      } else {
      }
    }
    %scan3A_82 = arith.constant 40 : i32
    %barrier3A_83 = arith.constant 0 : index
    tpu.barrier barrier_id(%barrier3A_83)
    %mul3A = arith.constant 640 : i32
    %mul3A_84 = arith.muli %arg1, %mul3A : i32
    %mul3A_85 = arith.constant 640 : i32
    %mul3A_86 = arith.muli %arg1, %mul3A_85 : i32
    %mul3A_87 = arith.constant 64 : i32
    %mul3A_88 = arith.muli %arg0, %mul3A_87 : i32
    "tpu.region"() ({
      %run_scoped3A = tpu.sem_alloc : memref<!tpu.dma_semaphore, #tpu.memory_space<semaphore_mem>>
      %dma_start3A_89 = tpu.memref_slice %arg5[%mul3A_86, %mul3A_88] : memref<10240x128xf32, #tpu.memory_space<hbm>> -> memref<640x64xf32, #tpu.memory_space<hbm>>
      %dma_start3A_90 = arith.constant 0 : i32
      %dma_start3A_91 = tpu.memref_slice %arg13[%mul3A_84, %dma_start3A_90] : memref<10240x64xf32, #tpu.memory_space<vmem_shared>> -> memref<640x64xf32, #tpu.memory_space<vmem_shared>>
      tpu.enqueue_dma source(%dma_start3A_91 : memref<640x64xf32, #tpu.memory_space<vmem_shared>>) target(%dma_start3A_89 : memref<640x64xf32, #tpu.memory_space<hbm>>) target_semaphore(%run_scoped3A : memref<!tpu.dma_semaphore, #tpu.memory_space<semaphore_mem>>)
      %dma_wait3A_92 = tpu.memref_slice %arg5[%mul3A_86, %mul3A_88] : memref<10240x128xf32, #tpu.memory_space<hbm>> -> memref<640x64xf32, #tpu.memory_space<hbm>>
      %dma_wait3A_93 = arith.constant 0 : i32
      %dma_wait3A_94 = tpu.memref_slice %arg13[%mul3A_84, %dma_wait3A_93] : memref<10240x64xf32, #tpu.memory_space<vmem_shared>> -> memref<640x64xf32, #tpu.memory_space<vmem_shared>>
      tpu.wait_dma2 semaphore(%run_scoped3A : memref<!tpu.dma_semaphore, #tpu.memory_space<semaphore_mem>>) src(%dma_wait3A_94 : memref<640x64xf32, #tpu.memory_space<vmem_shared>>) dst(%dma_wait3A_92 : memref<640x64xf32, #tpu.memory_space<hbm>>)
      tpu.yield
    }) : () -> ()
    return
  }
}

#map = affine_map<(d0, d1) -> (0, 0)>
#map1 = affine_map<(d0, d1) -> (0, 0, 0)>
module attributes {stable_mosaic.version = 14 : i64} {
  func.func @_sc_layer2(%arg0: i32, %arg1: i32, %arg2: memref<20000x64xf32, #tpu.memory_space<hbm>>, %arg3: memref<16x160x128xi32, #tpu.memory_space<hbm>>, %arg4: memref<16x160x128xi32, #tpu.memory_space<hbm>>, %arg5: memref<10240x128xf32, #tpu.memory_space<hbm>>, %arg6: memref<80x128xi32, #tpu.memory_space<vmem>>, %arg7: memref<80x128xi32, #tpu.memory_space<vmem>>, %arg8: memref<128x64xf32, #tpu.memory_space<vmem>>, %arg9: memref<128x64xf32, #tpu.memory_space<vmem>>, %arg10: memref<128x64xf32, #tpu.memory_space<vmem>>, %arg11: memref<128x64xf32, #tpu.memory_space<vmem>>, %arg12: memref<128x64xf32, #tpu.memory_space<vmem>>, %arg13: memref<10240x64xf32, #tpu.memory_space<vmem_shared>>, %arg14: memref<!tpu.dma_semaphore, #tpu.memory_space<semaphore_mem>>, %arg15: memref<!tpu.dma_semaphore, #tpu.memory_space<semaphore_mem>>, %arg16: memref<!tpu.dma_semaphore, #tpu.memory_space<semaphore_mem>>, %arg17: memref<!tpu.dma_semaphore, #tpu.memory_space<semaphore_mem>>, %arg18: memref<!tpu.dma_semaphore, #tpu.memory_space<semaphore_mem>>) attributes {dimension_semantics = [#tpu.dimension_semantics<core_parallel>, #tpu.dimension_semantics<subcore_parallel>], iteration_bounds = array<i64: 2, 16>, scalar_prefetch = 0 : i64, scratch_operands = 13 : i64, tpu.core_type = #tpu.core_type<sc_vector_subcore>, window_params = [{transform_indices = #map}, {transform_indices = #map1}, {transform_indices = #map1}, {transform_indices = #map}]} {
    %mul3A = arith.constant 16 : i32
    %mul3A_0 = arith.muli %arg0, %mul3A : i32
    %add3A = arith.addi %mul3A_0, %arg1 : i32
    %jit3A = arith.constant 2 : i32
    %div3A = arith.divsi %add3A, %jit3A : i32
    %sign3A = arith.constant 0 : i32
    %sign3A_1 = arith.cmpi sgt, %add3A, %sign3A : i32
    %sign3A_2 = arith.extui %sign3A_1 : i1 to i32
    %sign3A_3 = arith.constant 0 : i32
    %sign3A_4 = arith.cmpi slt, %add3A, %sign3A_3 : i32
    %sign3A_5 = arith.extui %sign3A_4 : i1 to i32
    %sign3A_6 = arith.subi %sign3A_2, %sign3A_5 : i32
    %sign3A_7 = arith.constant 0 : i32
    %sign3A_8 = arith.cmpi sgt, %jit3A, %sign3A_7 : i32
    %sign3A_9 = arith.extui %sign3A_8 : i1 to i32
    %sign3A_10 = arith.constant 0 : i32
    %sign3A_11 = arith.cmpi slt, %jit3A, %sign3A_10 : i32
    %sign3A_12 = arith.extui %sign3A_11 : i1 to i32
    %sign3A_13 = arith.subi %sign3A_9, %sign3A_12 : i32
    %ne3A = arith.cmpi ne, %sign3A_6, %sign3A_13 : i32
    %rem3A = arith.remsi %add3A, %jit3A : i32
    %ne3A_14 = arith.constant 0 : i32
    %ne3A_15 = arith.cmpi ne, %rem3A, %ne3A_14 : i32
    %and3A = arith.andi %ne3A, %ne3A_15 : i1
    %sub3A = arith.constant 1 : i32
    %sub3A_16 = arith.subi %div3A, %sub3A : i32
    %select_n3A = arith.select %and3A, %sub3A_16, %div3A : i32
    %jit3A_17 = arith.constant 2 : i32
    %eq3A = arith.constant 0 : i32
    %eq3A_18 = arith.cmpi eq, %jit3A_17, %eq3A : i32
    %jit3A_19 = arith.constant 1 : i32
    %select_n3A_20 = arith.select %eq3A_18, %jit3A_19, %jit3A_17 : i32
    %rem3A_21 = arith.remsi %add3A, %select_n3A_20 : i32
    %ne3A_22 = arith.constant 0 : i32
    %ne3A_23 = arith.cmpi ne, %rem3A_21, %ne3A_22 : i32
    %lt3A = arith.constant 0 : i32
    %lt3A_24 = arith.cmpi slt, %rem3A_21, %lt3A : i32
    %lt3A_25 = arith.constant 0 : i32
    %lt3A_26 = arith.cmpi slt, %select_n3A_20, %lt3A_25 : i32
    %ne3A_27 = arith.xori %lt3A_24, %lt3A_26 : i1
    %and3A_28 = arith.andi %ne3A_27, %ne3A_23 : i1
    %add3A_29 = arith.addi %rem3A_21, %select_n3A_20 : i32
    %select_n3A_30 = arith.select %and3A_28, %add3A_29, %rem3A_21 : i32
    %mul3A_31 = arith.constant 80 : i32
    %mul3A_32 = arith.muli %select_n3A_30, %mul3A_31 : i32
    %dma_start3A = arith.constant 0 : i32
    %dma_start3A_33 = tpu.memref_slice %arg3[%select_n3A, %mul3A_32, %dma_start3A] : memref<16x160x128xi32, #tpu.memory_space<hbm>> -> memref<1x80x128xi32, #tpu.memory_space<hbm>>
    %dma_start3A_34 = tpu.memref_squeeze %dma_start3A_33 : memref<1x80x128xi32, #tpu.memory_space<hbm>> -> memref<80x128xi32, #tpu.memory_space<hbm>>
    %dma_start3A_35 = arith.constant 0 : i32
    %dma_start3A_36 = tpu.memref_slice %arg3[%select_n3A, %mul3A_32, %dma_start3A_35] : memref<16x160x128xi32, #tpu.memory_space<hbm>> -> memref<1x80x128xi32, #tpu.memory_space<hbm>>
    %dma_start3A_37 = tpu.memref_squeeze %dma_start3A_36 : memref<1x80x128xi32, #tpu.memory_space<hbm>> -> memref<80x128xi32, #tpu.memory_space<hbm>>
    tpu.enqueue_dma source(%dma_start3A_37 : memref<80x128xi32, #tpu.memory_space<hbm>>) target(%arg6 : memref<80x128xi32, #tpu.memory_space<vmem>>) target_semaphore(%arg18 : memref<!tpu.dma_semaphore, #tpu.memory_space<semaphore_mem>>)
    %jit3A_38 = arith.constant 2 : i32
    %div3A_39 = arith.divsi %add3A, %jit3A_38 : i32
    %sign3A_40 = arith.constant 0 : i32
    %sign3A_41 = arith.cmpi sgt, %add3A, %sign3A_40 : i32
    %sign3A_42 = arith.extui %sign3A_41 : i1 to i32
    %sign3A_43 = arith.constant 0 : i32
    %sign3A_44 = arith.cmpi slt, %add3A, %sign3A_43 : i32
    %sign3A_45 = arith.extui %sign3A_44 : i1 to i32
    %sign3A_46 = arith.subi %sign3A_42, %sign3A_45 : i32
    %sign3A_47 = arith.constant 0 : i32
    %sign3A_48 = arith.cmpi sgt, %jit3A_38, %sign3A_47 : i32
    %sign3A_49 = arith.extui %sign3A_48 : i1 to i32
    %sign3A_50 = arith.constant 0 : i32
    %sign3A_51 = arith.cmpi slt, %jit3A_38, %sign3A_50 : i32
    %sign3A_52 = arith.extui %sign3A_51 : i1 to i32
    %sign3A_53 = arith.subi %sign3A_49, %sign3A_52 : i32
    %ne3A_54 = arith.cmpi ne, %sign3A_46, %sign3A_53 : i32
    %rem3A_55 = arith.remsi %add3A, %jit3A_38 : i32
    %ne3A_56 = arith.constant 0 : i32
    %ne3A_57 = arith.cmpi ne, %rem3A_55, %ne3A_56 : i32
    %and3A_58 = arith.andi %ne3A_54, %ne3A_57 : i1
    %sub3A_59 = arith.constant 1 : i32
    %sub3A_60 = arith.subi %div3A_39, %sub3A_59 : i32
    %select_n3A_61 = arith.select %and3A_58, %sub3A_60, %div3A_39 : i32
    %jit3A_62 = arith.constant 2 : i32
    %eq3A_63 = arith.constant 0 : i32
    %eq3A_64 = arith.cmpi eq, %jit3A_62, %eq3A_63 : i32
    %jit3A_65 = arith.constant 1 : i32
    %select_n3A_66 = arith.select %eq3A_64, %jit3A_65, %jit3A_62 : i32
    %rem3A_67 = arith.remsi %add3A, %select_n3A_66 : i32
    %ne3A_68 = arith.constant 0 : i32
    %ne3A_69 = arith.cmpi ne, %rem3A_67, %ne3A_68 : i32
    %lt3A_70 = arith.constant 0 : i32
    %lt3A_71 = arith.cmpi slt, %rem3A_67, %lt3A_70 : i32
    %lt3A_72 = arith.constant 0 : i32
    %lt3A_73 = arith.cmpi slt, %select_n3A_66, %lt3A_72 : i32
    %ne3A_74 = arith.xori %lt3A_71, %lt3A_73 : i1
    %and3A_75 = arith.andi %ne3A_74, %ne3A_69 : i1
    %add3A_76 = arith.addi %rem3A_67, %select_n3A_66 : i32
    %select_n3A_77 = arith.select %and3A_75, %add3A_76, %rem3A_67 : i32
    %mul3A_78 = arith.constant 80 : i32
    %mul3A_79 = arith.muli %select_n3A_77, %mul3A_78 : i32
    %dma_start3A_80 = arith.constant 0 : i32
    %dma_start3A_81 = tpu.memref_slice %arg4[%select_n3A_61, %mul3A_79, %dma_start3A_80] : memref<16x160x128xi32, #tpu.memory_space<hbm>> -> memref<1x80x128xi32, #tpu.memory_space<hbm>>
    %dma_start3A_82 = tpu.memref_squeeze %dma_start3A_81 : memref<1x80x128xi32, #tpu.memory_space<hbm>> -> memref<80x128xi32, #tpu.memory_space<hbm>>
    %dma_start3A_83 = arith.constant 0 : i32
    %dma_start3A_84 = tpu.memref_slice %arg4[%select_n3A_61, %mul3A_79, %dma_start3A_83] : memref<16x160x128xi32, #tpu.memory_space<hbm>> -> memref<1x80x128xi32, #tpu.memory_space<hbm>>
    %dma_start3A_85 = tpu.memref_squeeze %dma_start3A_84 : memref<1x80x128xi32, #tpu.memory_space<hbm>> -> memref<80x128xi32, #tpu.memory_space<hbm>>
    tpu.enqueue_dma source(%dma_start3A_85 : memref<80x128xi32, #tpu.memory_space<hbm>>) target(%arg7 : memref<80x128xi32, #tpu.memory_space<vmem>>) target_semaphore(%arg18 : memref<!tpu.dma_semaphore, #tpu.memory_space<semaphore_mem>>)
    %scan3A = arith.constant 0 : i32
    %scan3A_86 = arith.constant 128 : i32
    %scan3A_87 = arith.addi %scan3A, %scan3A_86 : i32
    %scan3A_88 = arith.constant 1 : i32
    scf.for %scan3A_230 = %scan3A to %scan3A_87 step %scan3A_88  : i32 {
      %mul3A_231 = arith.constant 1 : i32
      %mul3A_232 = arith.muli %scan3A_230, %mul3A_231 : i32
      %add3A_233 = arith.constant 0 : i32
      %add3A_234 = arith.addi %add3A_233, %mul3A_232 : i32
      %scan3A_235 = arith.constant 0 : i32
      %scan3A_236 = arith.constant 4 : i32
      %scan3A_237 = arith.addi %scan3A_235, %scan3A_236 : i32
      %scan3A_238 = arith.constant 1 : i32
      scf.for %scan3A_240 = %scan3A_235 to %scan3A_237 step %scan3A_238  : i32 {
        %mul3A_241 = arith.constant 1 : i32
        %mul3A_242 = arith.muli %scan3A_240, %mul3A_241 : i32
        %add3A_243 = arith.constant 0 : i32
        %add3A_244 = arith.addi %add3A_243, %mul3A_242 : i32
        %broadcast_in_dim3A = arith.constant 0.000000e+00 : f32
        %broadcast_in_dim3A_245 = vector.broadcast %broadcast_in_dim3A : f32 to vector<16xf32>
        %mul3A_246 = arith.constant 16 : i32
        %mul3A_247 = arith.muli %add3A_244, %mul3A_246 : i32
        %swap3A = arith.index_cast %add3A_234 : i32 to index
        %swap3A_248 = arith.index_cast %mul3A_247 : i32 to index
        %swap3A_249 = tpu.vector_load %arg12[%swap3A, %swap3A_248] {strides = array<i32>} : memref<128x64xf32, #tpu.memory_space<vmem>>, vector<1x16xf32>,
        %swap3A_250 = vector.shape_cast %swap3A_249 : vector<1x16xf32> to vector<16xf32>
        %swap3A_251 = vector.shape_cast %broadcast_in_dim3A_245 : vector<16xf32> to vector<1x16xf32>
        tpu.vector_store %arg12[%swap3A, %swap3A_248], %swap3A_251 {strides = array<i32>} : memref<128x64xf32, #tpu.memory_space<vmem>>, vector<1x16xf32>,
      }
      %scan3A_239 = arith.constant 4 : i32
    }
    %scan3A_89 = arith.constant 128 : i32
    %scan3A_90 = arith.constant 0 : i32
    %scan3A_91 = arith.constant 5 : i32
    %scan3A_92 = arith.addi %scan3A_90, %scan3A_91 : i32
    %scan3A_93 = arith.constant 1 : i32
    scf.for %scan3A_230 = %scan3A_90 to %scan3A_92 step %scan3A_93  : i32 {
      %mul3A_231 = arith.constant 1 : i32
      %mul3A_232 = arith.muli %scan3A_230, %mul3A_231 : i32
      %add3A_233 = arith.constant 0 : i32
      %add3A_234 = arith.addi %add3A_233, %mul3A_232 : i32
      %mul3A_235 = arith.constant 640 : i32
      %mul3A_236 = arith.muli %arg1, %mul3A_235 : i32
      %mul3A_237 = arith.constant 128 : i32
      %mul3A_238 = arith.muli %add3A_234, %mul3A_237 : i32
      %add3A_239 = arith.addi %mul3A_236, %mul3A_238 : i32
      "tpu.region"() ({
        %run_scoped3A = tpu.sem_alloc : memref<!tpu.dma_semaphore, #tpu.memory_space<semaphore_mem>>
        %dma_start3A_240 = arith.constant 0 : i32
        %dma_start3A_241 = tpu.memref_slice %arg13[%add3A_239, %dma_start3A_240] : memref<10240x64xf32, #tpu.memory_space<vmem_shared>> -> memref<128x64xf32, #tpu.memory_space<vmem_shared>>
        %dma_start3A_242 = arith.constant 0 : i32
        %dma_start3A_243 = tpu.memref_slice %arg13[%add3A_239, %dma_start3A_242] : memref<10240x64xf32, #tpu.memory_space<vmem_shared>> -> memref<128x64xf32, #tpu.memory_space<vmem_shared>>
        tpu.enqueue_dma source(%arg12 : memref<128x64xf32, #tpu.memory_space<vmem>>) target(%dma_start3A_243 : memref<128x64xf32, #tpu.memory_space<vmem_shared>>) target_semaphore(%run_scoped3A : memref<!tpu.dma_semaphore, #tpu.memory_space<semaphore_mem>>)
        %dma_wait3A_244 = arith.constant 0 : i32
        %dma_wait3A_245 = tpu.memref_slice %arg13[%add3A_239, %dma_wait3A_244] : memref<10240x64xf32, #tpu.memory_space<vmem_shared>> -> memref<128x64xf32, #tpu.memory_space<vmem_shared>>
        %dma_wait3A_246 = arith.constant 0 : i32
        %dma_wait3A_247 = tpu.memref_slice %arg13[%add3A_239, %dma_wait3A_246] : memref<10240x64xf32, #tpu.memory_space<vmem_shared>> -> memref<128x64xf32, #tpu.memory_space<vmem_shared>>
        tpu.wait_dma2 semaphore(%run_scoped3A : memref<!tpu.dma_semaphore, #tpu.memory_space<semaphore_mem>>) src(%arg12 : memref<128x64xf32, #tpu.memory_space<vmem>>) dst(%dma_wait3A_247 : memref<128x64xf32, #tpu.memory_space<vmem_shared>>)
        tpu.yield
      }) : () -> ()
    }
    %scan3A_94 = arith.constant 5 : i32
    %jit3A_95 = arith.constant 2 : i32
    %div3A_96 = arith.divsi %add3A, %jit3A_95 : i32
    %sign3A_97 = arith.constant 0 : i32
    %sign3A_98 = arith.cmpi sgt, %add3A, %sign3A_97 : i32
    %sign3A_99 = arith.extui %sign3A_98 : i1 to i32
    %sign3A_100 = arith.constant 0 : i32
    %sign3A_101 = arith.cmpi slt, %add3A, %sign3A_100 : i32
    %sign3A_102 = arith.extui %sign3A_101 : i1 to i32
    %sign3A_103 = arith.subi %sign3A_99, %sign3A_102 : i32
    %sign3A_104 = arith.constant 0 : i32
    %sign3A_105 = arith.cmpi sgt, %jit3A_95, %sign3A_104 : i32
    %sign3A_106 = arith.extui %sign3A_105 : i1 to i32
    %sign3A_107 = arith.constant 0 : i32
    %sign3A_108 = arith.cmpi slt, %jit3A_95, %sign3A_107 : i32
    %sign3A_109 = arith.extui %sign3A_108 : i1 to i32
    %sign3A_110 = arith.subi %sign3A_106, %sign3A_109 : i32
    %ne3A_111 = arith.cmpi ne, %sign3A_103, %sign3A_110 : i32
    %rem3A_112 = arith.remsi %add3A, %jit3A_95 : i32
    %ne3A_113 = arith.constant 0 : i32
    %ne3A_114 = arith.cmpi ne, %rem3A_112, %ne3A_113 : i32
    %and3A_115 = arith.andi %ne3A_111, %ne3A_114 : i1
    %sub3A_116 = arith.constant 1 : i32
    %sub3A_117 = arith.subi %div3A_96, %sub3A_116 : i32
    %select_n3A_118 = arith.select %and3A_115, %sub3A_117, %div3A_96 : i32
    %jit3A_119 = arith.constant 2 : i32
    %eq3A_120 = arith.constant 0 : i32
    %eq3A_121 = arith.cmpi eq, %jit3A_119, %eq3A_120 : i32
    %jit3A_122 = arith.constant 1 : i32
    %select_n3A_123 = arith.select %eq3A_121, %jit3A_122, %jit3A_119 : i32
    %rem3A_124 = arith.remsi %add3A, %select_n3A_123 : i32
    %ne3A_125 = arith.constant 0 : i32
    %ne3A_126 = arith.cmpi ne, %rem3A_124, %ne3A_125 : i32
    %lt3A_127 = arith.constant 0 : i32
    %lt3A_128 = arith.cmpi slt, %rem3A_124, %lt3A_127 : i32
    %lt3A_129 = arith.constant 0 : i32
    %lt3A_130 = arith.cmpi slt, %select_n3A_123, %lt3A_129 : i32
    %ne3A_131 = arith.xori %lt3A_128, %lt3A_130 : i1
    %and3A_132 = arith.andi %ne3A_131, %ne3A_126 : i1
    %add3A_133 = arith.addi %rem3A_124, %select_n3A_123 : i32
    %select_n3A_134 = arith.select %and3A_132, %add3A_133, %rem3A_124 : i32
    %mul3A_135 = arith.constant 80 : i32
    %mul3A_136 = arith.muli %select_n3A_134, %mul3A_135 : i32
    %dma_wait3A = arith.constant 0 : i32
    %dma_wait3A_137 = tpu.memref_slice %arg3[%select_n3A_118, %mul3A_136, %dma_wait3A] : memref<16x160x128xi32, #tpu.memory_space<hbm>> -> memref<1x80x128xi32, #tpu.memory_space<hbm>>
    %dma_wait3A_138 = tpu.memref_squeeze %dma_wait3A_137 : memref<1x80x128xi32, #tpu.memory_space<hbm>> -> memref<80x128xi32, #tpu.memory_space<hbm>>
    %dma_wait3A_139 = arith.constant 0 : i32
    %dma_wait3A_140 = tpu.memref_slice %arg3[%select_n3A_118, %mul3A_136, %dma_wait3A_139] : memref<16x160x128xi32, #tpu.memory_space<hbm>> -> memref<1x80x128xi32, #tpu.memory_space<hbm>>
    %dma_wait3A_141 = tpu.memref_squeeze %dma_wait3A_140 : memref<1x80x128xi32, #tpu.memory_space<hbm>> -> memref<80x128xi32, #tpu.memory_space<hbm>>
    tpu.wait_dma2 semaphore(%arg18 : memref<!tpu.dma_semaphore, #tpu.memory_space<semaphore_mem>>) src(%dma_wait3A_141 : memref<80x128xi32, #tpu.memory_space<hbm>>) dst(%arg6 : memref<80x128xi32, #tpu.memory_space<vmem>>)
    %jit3A_142 = arith.constant 2 : i32
    %div3A_143 = arith.divsi %add3A, %jit3A_142 : i32
    %sign3A_144 = arith.constant 0 : i32
    %sign3A_145 = arith.cmpi sgt, %add3A, %sign3A_144 : i32
    %sign3A_146 = arith.extui %sign3A_145 : i1 to i32
    %sign3A_147 = arith.constant 0 : i32
    %sign3A_148 = arith.cmpi slt, %add3A, %sign3A_147 : i32
    %sign3A_149 = arith.extui %sign3A_148 : i1 to i32
    %sign3A_150 = arith.subi %sign3A_146, %sign3A_149 : i32
    %sign3A_151 = arith.constant 0 : i32
    %sign3A_152 = arith.cmpi sgt, %jit3A_142, %sign3A_151 : i32
    %sign3A_153 = arith.extui %sign3A_152 : i1 to i32
    %sign3A_154 = arith.constant 0 : i32
    %sign3A_155 = arith.cmpi slt, %jit3A_142, %sign3A_154 : i32
    %sign3A_156 = arith.extui %sign3A_155 : i1 to i32
    %sign3A_157 = arith.subi %sign3A_153, %sign3A_156 : i32
    %ne3A_158 = arith.cmpi ne, %sign3A_150, %sign3A_157 : i32
    %rem3A_159 = arith.remsi %add3A, %jit3A_142 : i32
    %ne3A_160 = arith.constant 0 : i32
    %ne3A_161 = arith.cmpi ne, %rem3A_159, %ne3A_160 : i32
    %and3A_162 = arith.andi %ne3A_158, %ne3A_161 : i1
    %sub3A_163 = arith.constant 1 : i32
    %sub3A_164 = arith.subi %div3A_143, %sub3A_163 : i32
    %select_n3A_165 = arith.select %and3A_162, %sub3A_164, %div3A_143 : i32
    %jit3A_166 = arith.constant 2 : i32
    %eq3A_167 = arith.constant 0 : i32
    %eq3A_168 = arith.cmpi eq, %jit3A_166, %eq3A_167 : i32
    %jit3A_169 = arith.constant 1 : i32
    %select_n3A_170 = arith.select %eq3A_168, %jit3A_169, %jit3A_166 : i32
    %rem3A_171 = arith.remsi %add3A, %select_n3A_170 : i32
    %ne3A_172 = arith.constant 0 : i32
    %ne3A_173 = arith.cmpi ne, %rem3A_171, %ne3A_172 : i32
    %lt3A_174 = arith.constant 0 : i32
    %lt3A_175 = arith.cmpi slt, %rem3A_171, %lt3A_174 : i32
    %lt3A_176 = arith.constant 0 : i32
    %lt3A_177 = arith.cmpi slt, %select_n3A_170, %lt3A_176 : i32
    %ne3A_178 = arith.xori %lt3A_175, %lt3A_177 : i1
    %and3A_179 = arith.andi %ne3A_178, %ne3A_173 : i1
    %add3A_180 = arith.addi %rem3A_171, %select_n3A_170 : i32
    %select_n3A_181 = arith.select %and3A_179, %add3A_180, %rem3A_171 : i32
    %mul3A_182 = arith.constant 80 : i32
    %mul3A_183 = arith.muli %select_n3A_181, %mul3A_182 : i32
    %dma_wait3A_184 = arith.constant 0 : i32
    %dma_wait3A_185 = tpu.memref_slice %arg4[%select_n3A_165, %mul3A_183, %dma_wait3A_184] : memref<16x160x128xi32, #tpu.memory_space<hbm>> -> memref<1x80x128xi32, #tpu.memory_space<hbm>>
    %dma_wait3A_186 = tpu.memref_squeeze %dma_wait3A_185 : memref<1x80x128xi32, #tpu.memory_space<hbm>> -> memref<80x128xi32, #tpu.memory_space<hbm>>
    %dma_wait3A_187 = arith.constant 0 : i32
    %dma_wait3A_188 = tpu.memref_slice %arg4[%select_n3A_165, %mul3A_183, %dma_wait3A_187] : memref<16x160x128xi32, #tpu.memory_space<hbm>> -> memref<1x80x128xi32, #tpu.memory_space<hbm>>
    %dma_wait3A_189 = tpu.memref_squeeze %dma_wait3A_188 : memref<1x80x128xi32, #tpu.memory_space<hbm>> -> memref<80x128xi32, #tpu.memory_space<hbm>>
    tpu.wait_dma2 semaphore(%arg18 : memref<!tpu.dma_semaphore, #tpu.memory_space<semaphore_mem>>) src(%dma_wait3A_189 : memref<80x128xi32, #tpu.memory_space<hbm>>) dst(%arg7 : memref<80x128xi32, #tpu.memory_space<vmem>>)
    %barrier3A = arith.constant 0 : index
    tpu.barrier barrier_id(%barrier3A)
    %dma_start3A_190 = arith.constant 0 : i32
    %dma_start3A_191 = arith.constant 0 : i32
    %dma_start3A_192 = tpu.memref_slice %arg6[%dma_start3A_190, %dma_start3A_191] : memref<80x128xi32, #tpu.memory_space<vmem>> -> memref<1x128xi32, #tpu.memory_space<vmem>>
    %dma_start3A_193 = tpu.memref_squeeze %dma_start3A_192 : memref<1x128xi32, #tpu.memory_space<vmem>> -> memref<128xi32, #tpu.memory_space<vmem>>
    %dma_start3A_194 = arith.constant 0 : i32
    %dma_start3A_195 = arith.constant 0 : i32
    %dma_start3A_196 = tpu.memref_slice %arg2[%dma_start3A_194, %dma_start3A_195] : memref<20000x64xf32, #tpu.memory_space<hbm>> -> memref<20000x64xf32, #tpu.memory_space<hbm>>
    tpu.enqueue_indirect_dma source(%dma_start3A_196 : memref<20000x64xf32, #tpu.memory_space<hbm>>) target(%arg8 : memref<128x64xf32, #tpu.memory_space<vmem>>) offsets(%dma_start3A_193 : memref<128xi32, #tpu.memory_space<vmem>>) semaphore(%arg14 : memref<!tpu.dma_semaphore, #tpu.memory_space<semaphore_mem>>)
    %dma_start3A_197 = arith.constant 1 : i32
    %dma_start3A_198 = arith.constant 0 : i32
    %dma_start3A_199 = tpu.memref_slice %arg6[%dma_start3A_197, %dma_start3A_198] : memref<80x128xi32, #tpu.memory_space<vmem>> -> memref<1x128xi32, #tpu.memory_space<vmem>>
    %dma_start3A_200 = tpu.memref_squeeze %dma_start3A_199 : memref<1x128xi32, #tpu.memory_space<vmem>> -> memref<128xi32, #tpu.memory_space<vmem>>
    %dma_start3A_201 = arith.constant 0 : i32
    %dma_start3A_202 = arith.constant 0 : i32
    %dma_start3A_203 = tpu.memref_slice %arg2[%dma_start3A_201, %dma_start3A_202] : memref<20000x64xf32, #tpu.memory_space<hbm>> -> memref<20000x64xf32, #tpu.memory_space<hbm>>
    tpu.enqueue_indirect_dma source(%dma_start3A_203 : memref<20000x64xf32, #tpu.memory_space<hbm>>) target(%arg9 : memref<128x64xf32, #tpu.memory_space<vmem>>) offsets(%dma_start3A_200 : memref<128xi32, #tpu.memory_space<vmem>>) semaphore(%arg15 : memref<!tpu.dma_semaphore, #tpu.memory_space<semaphore_mem>>)
    %dma_start3A_204 = arith.constant 2 : i32
    %dma_start3A_205 = arith.constant 0 : i32
    %dma_start3A_206 = tpu.memref_slice %arg6[%dma_start3A_204, %dma_start3A_205] : memref<80x128xi32, #tpu.memory_space<vmem>> -> memref<1x128xi32, #tpu.memory_space<vmem>>
    %dma_start3A_207 = tpu.memref_squeeze %dma_start3A_206 : memref<1x128xi32, #tpu.memory_space<vmem>> -> memref<128xi32, #tpu.memory_space<vmem>>
    %dma_start3A_208 = arith.constant 0 : i32
    %dma_start3A_209 = arith.constant 0 : i32
    %dma_start3A_210 = tpu.memref_slice %arg2[%dma_start3A_208, %dma_start3A_209] : memref<20000x64xf32, #tpu.memory_space<hbm>> -> memref<20000x64xf32, #tpu.memory_space<hbm>>
    tpu.enqueue_indirect_dma source(%dma_start3A_210 : memref<20000x64xf32, #tpu.memory_space<hbm>>) target(%arg10 : memref<128x64xf32, #tpu.memory_space<vmem>>) offsets(%dma_start3A_207 : memref<128xi32, #tpu.memory_space<vmem>>) semaphore(%arg16 : memref<!tpu.dma_semaphore, #tpu.memory_space<semaphore_mem>>)
    %dma_start3A_211 = arith.constant 3 : i32
    %dma_start3A_212 = arith.constant 0 : i32
    %dma_start3A_213 = tpu.memref_slice %arg6[%dma_start3A_211, %dma_start3A_212] : memref<80x128xi32, #tpu.memory_space<vmem>> -> memref<1x128xi32, #tpu.memory_space<vmem>>
    %dma_start3A_214 = tpu.memref_squeeze %dma_start3A_213 : memref<1x128xi32, #tpu.memory_space<vmem>> -> memref<128xi32, #tpu.memory_space<vmem>>
    %dma_start3A_215 = arith.constant 0 : i32
    %dma_start3A_216 = arith.constant 0 : i32
    %dma_start3A_217 = tpu.memref_slice %arg2[%dma_start3A_215, %dma_start3A_216] : memref<20000x64xf32, #tpu.memory_space<hbm>> -> memref<20000x64xf32, #tpu.memory_space<hbm>>
    tpu.enqueue_indirect_dma source(%dma_start3A_217 : memref<20000x64xf32, #tpu.memory_space<hbm>>) target(%arg11 : memref<128x64xf32, #tpu.memory_space<vmem>>) offsets(%dma_start3A_214 : memref<128xi32, #tpu.memory_space<vmem>>) semaphore(%arg17 : memref<!tpu.dma_semaphore, #tpu.memory_space<semaphore_mem>>)
    %scan3A_218 = arith.constant 0 : i32
    %scan3A_219 = arith.constant 20 : i32
    %scan3A_220 = arith.addi %scan3A_218, %scan3A_219 : i32
    %scan3A_221 = arith.constant 1 : i32
    scf.for %scan3A_230 = %scan3A_218 to %scan3A_220 step %scan3A_221  : i32 {
      %mul3A_231 = arith.constant 4 : i32
      %mul3A_232 = arith.muli %scan3A_230, %mul3A_231 : i32
      %add3A_233 = arith.constant 0 : i32
      %add3A_234 = arith.addi %add3A_233, %mul3A_232 : i32
      %add3A_235 = arith.constant 0 : i32
      %add3A_236 = arith.addi %add3A_234, %add3A_235 : i32
      %dma_wait3A_237 = arith.constant 0 : i32
      %dma_wait3A_238 = tpu.memref_slice %arg6[%add3A_236, %dma_wait3A_237] : memref<80x128xi32, #tpu.memory_space<vmem>> -> memref<1x128xi32, #tpu.memory_space<vmem>>
      %dma_wait3A_239 = tpu.memref_squeeze %dma_wait3A_238 : memref<1x128xi32, #tpu.memory_space<vmem>> -> memref<128xi32, #tpu.memory_space<vmem>>
      %dma_wait3A_240 = arith.constant 0 : i32
      %dma_wait3A_241 = arith.constant 0 : i32
      %dma_wait3A_242 = tpu.memref_slice %arg2[%dma_wait3A_240, %dma_wait3A_241] : memref<20000x64xf32, #tpu.memory_space<hbm>> -> memref<20000x64xf32, #tpu.memory_space<hbm>>
      tpu.wait_indirect_dma semaphore(%arg14 : memref<!tpu.dma_semaphore, #tpu.memory_space<semaphore_mem>>) src(%dma_wait3A_242 : memref<20000x64xf32, #tpu.memory_space<hbm>>) dst(%arg8 : memref<128x64xf32, #tpu.memory_space<vmem>>)
      %add3A_243 = arith.constant 0 : i32
      %add3A_244 = arith.addi %add3A_234, %add3A_243 : i32
      "tpu.region"() ({
        %run_scoped3A = tpu.sem_alloc : memref<!tpu.dma_semaphore, #tpu.memory_space<semaphore_mem>>
        %dma_start3A_309 = arith.constant 0 : i32
        %dma_start3A_310 = tpu.memref_slice %arg7[%add3A_244, %dma_start3A_309] : memref<80x128xi32, #tpu.memory_space<vmem>> -> memref<1x128xi32, #tpu.memory_space<vmem>>
        %dma_start3A_311 = tpu.memref_squeeze %dma_start3A_310 : memref<1x128xi32, #tpu.memory_space<vmem>> -> memref<128xi32, #tpu.memory_space<vmem>>
        %dma_start3A_312 = arith.constant 0 : i32
        %dma_start3A_313 = arith.constant 0 : i32
        %dma_start3A_314 = tpu.memref_slice %arg13[%dma_start3A_312, %dma_start3A_313] : memref<10240x64xf32, #tpu.memory_space<vmem_shared>> -> memref<10240x64xf32, #tpu.memory_space<vmem_shared>>
        tpu.enqueue_indirect_dma source(%arg8 : memref<128x64xf32, #tpu.memory_space<vmem>>) target(%dma_start3A_314 : memref<10240x64xf32, #tpu.memory_space<vmem_shared>>) offsets(%dma_start3A_311 : memref<128xi32, #tpu.memory_space<vmem>>) semaphore(%run_scoped3A : memref<!tpu.dma_semaphore, #tpu.memory_space<semaphore_mem>>) {add = true}
        %dma_wait3A_315 = arith.constant 0 : i32
        %dma_wait3A_316 = tpu.memref_slice %arg7[%add3A_244, %dma_wait3A_315] : memref<80x128xi32, #tpu.memory_space<vmem>> -> memref<1x128xi32, #tpu.memory_space<vmem>>
        %dma_wait3A_317 = tpu.memref_squeeze %dma_wait3A_316 : memref<1x128xi32, #tpu.memory_space<vmem>> -> memref<128xi32, #tpu.memory_space<vmem>>
        %dma_wait3A_318 = arith.constant 0 : i32
        %dma_wait3A_319 = arith.constant 0 : i32
        %dma_wait3A_320 = tpu.memref_slice %arg13[%dma_wait3A_318, %dma_wait3A_319] : memref<10240x64xf32, #tpu.memory_space<vmem_shared>> -> memref<10240x64xf32, #tpu.memory_space<vmem_shared>>
        tpu.wait_indirect_dma semaphore(%run_scoped3A : memref<!tpu.dma_semaphore, #tpu.memory_space<semaphore_mem>>) src(%arg8 : memref<128x64xf32, #tpu.memory_space<vmem>>) dst(%dma_wait3A_320 : memref<10240x64xf32, #tpu.memory_space<vmem_shared>>)
        tpu.yield
      }) : () -> ()
      %add3A_245 = arith.constant 4 : i32
      %add3A_246 = arith.addi %add3A_234, %add3A_245 : i32
      %add3A_247 = arith.constant 0 : i32
      %add3A_248 = arith.addi %add3A_246, %add3A_247 : i32
      %lt3A_249 = arith.constant 80 : i32
      %lt3A_250 = arith.cmpi slt, %add3A_248, %lt3A_249 : i32
      %convert_element_type3A = arith.extui %lt3A_250 : i1 to i32
      %cond3A = arith.constant 0 : i32
      %cond3A_251 = arith.cmpi ne, %convert_element_type3A, %cond3A : i32
      scf.if %cond3A_251 {
        %add3A_309 = arith.constant 4 : i32
        %add3A_310 = arith.addi %add3A_234, %add3A_309 : i32
        %add3A_311 = arith.constant 0 : i32
        %add3A_312 = arith.addi %add3A_310, %add3A_311 : i32
        %add3A_313 = arith.constant 4 : i32
        %add3A_314 = arith.addi %add3A_234, %add3A_313 : i32
        %add3A_315 = arith.constant 0 : i32
        %add3A_316 = arith.addi %add3A_314, %add3A_315 : i32
        %dma_start3A_317 = arith.constant 0 : i32
        %dma_start3A_318 = tpu.memref_slice %arg6[%add3A_316, %dma_start3A_317] : memref<80x128xi32, #tpu.memory_space<vmem>> -> memref<1x128xi32, #tpu.memory_space<vmem>>
        %dma_start3A_319 = tpu.memref_squeeze %dma_start3A_318 : memref<1x128xi32, #tpu.memory_space<vmem>> -> memref<128xi32, #tpu.memory_space<vmem>>
        %dma_start3A_320 = arith.constant 0 : i32
        %dma_start3A_321 = arith.constant 0 : i32
        %dma_start3A_322 = tpu.memref_slice %arg2[%dma_start3A_320, %dma_start3A_321] : memref<20000x64xf32, #tpu.memory_space<hbm>> -> memref<20000x64xf32, #tpu.memory_space<hbm>>
        tpu.enqueue_indirect_dma source(%dma_start3A_322 : memref<20000x64xf32, #tpu.memory_space<hbm>>) target(%arg8 : memref<128x64xf32, #tpu.memory_space<vmem>>) offsets(%dma_start3A_319 : memref<128xi32, #tpu.memory_space<vmem>>) semaphore(%arg14 : memref<!tpu.dma_semaphore, #tpu.memory_space<semaphore_mem>>)
      } else {
      }
      %add3A_252 = arith.constant 1 : i32
      %add3A_253 = arith.addi %add3A_234, %add3A_252 : i32
      %dma_wait3A_254 = arith.constant 0 : i32
      %dma_wait3A_255 = tpu.memref_slice %arg6[%add3A_253, %dma_wait3A_254] : memref<80x128xi32, #tpu.memory_space<vmem>> -> memref<1x128xi32, #tpu.memory_space<vmem>>
      %dma_wait3A_256 = tpu.memref_squeeze %dma_wait3A_255 : memref<1x128xi32, #tpu.memory_space<vmem>> -> memref<128xi32, #tpu.memory_space<vmem>>
      %dma_wait3A_257 = arith.constant 0 : i32
      %dma_wait3A_258 = arith.constant 0 : i32
      %dma_wait3A_259 = tpu.memref_slice %arg2[%dma_wait3A_257, %dma_wait3A_258] : memref<20000x64xf32, #tpu.memory_space<hbm>> -> memref<20000x64xf32, #tpu.memory_space<hbm>>
      tpu.wait_indirect_dma semaphore(%arg15 : memref<!tpu.dma_semaphore, #tpu.memory_space<semaphore_mem>>) src(%dma_wait3A_259 : memref<20000x64xf32, #tpu.memory_space<hbm>>) dst(%arg9 : memref<128x64xf32, #tpu.memory_space<vmem>>)
      %add3A_260 = arith.constant 1 : i32
      %add3A_261 = arith.addi %add3A_234, %add3A_260 : i32
      "tpu.region"() ({
        %run_scoped3A = tpu.sem_alloc : memref<!tpu.dma_semaphore, #tpu.memory_space<semaphore_mem>>
        %dma_start3A_309 = arith.constant 0 : i32
        %dma_start3A_310 = tpu.memref_slice %arg7[%add3A_261, %dma_start3A_309] : memref<80x128xi32, #tpu.memory_space<vmem>> -> memref<1x128xi32, #tpu.memory_space<vmem>>
        %dma_start3A_311 = tpu.memref_squeeze %dma_start3A_310 : memref<1x128xi32, #tpu.memory_space<vmem>> -> memref<128xi32, #tpu.memory_space<vmem>>
        %dma_start3A_312 = arith.constant 0 : i32
        %dma_start3A_313 = arith.constant 0 : i32
        %dma_start3A_314 = tpu.memref_slice %arg13[%dma_start3A_312, %dma_start3A_313] : memref<10240x64xf32, #tpu.memory_space<vmem_shared>> -> memref<10240x64xf32, #tpu.memory_space<vmem_shared>>
        tpu.enqueue_indirect_dma source(%arg9 : memref<128x64xf32, #tpu.memory_space<vmem>>) target(%dma_start3A_314 : memref<10240x64xf32, #tpu.memory_space<vmem_shared>>) offsets(%dma_start3A_311 : memref<128xi32, #tpu.memory_space<vmem>>) semaphore(%run_scoped3A : memref<!tpu.dma_semaphore, #tpu.memory_space<semaphore_mem>>) {add = true}
        %dma_wait3A_315 = arith.constant 0 : i32
        %dma_wait3A_316 = tpu.memref_slice %arg7[%add3A_261, %dma_wait3A_315] : memref<80x128xi32, #tpu.memory_space<vmem>> -> memref<1x128xi32, #tpu.memory_space<vmem>>
        %dma_wait3A_317 = tpu.memref_squeeze %dma_wait3A_316 : memref<1x128xi32, #tpu.memory_space<vmem>> -> memref<128xi32, #tpu.memory_space<vmem>>
        %dma_wait3A_318 = arith.constant 0 : i32
        %dma_wait3A_319 = arith.constant 0 : i32
        %dma_wait3A_320 = tpu.memref_slice %arg13[%dma_wait3A_318, %dma_wait3A_319] : memref<10240x64xf32, #tpu.memory_space<vmem_shared>> -> memref<10240x64xf32, #tpu.memory_space<vmem_shared>>
        tpu.wait_indirect_dma semaphore(%run_scoped3A : memref<!tpu.dma_semaphore, #tpu.memory_space<semaphore_mem>>) src(%arg9 : memref<128x64xf32, #tpu.memory_space<vmem>>) dst(%dma_wait3A_320 : memref<10240x64xf32, #tpu.memory_space<vmem_shared>>)
        tpu.yield
      }) : () -> ()
      %add3A_262 = arith.constant 4 : i32
      %add3A_263 = arith.addi %add3A_234, %add3A_262 : i32
      %add3A_264 = arith.constant 1 : i32
      %add3A_265 = arith.addi %add3A_263, %add3A_264 : i32
      %lt3A_266 = arith.constant 80 : i32
      %lt3A_267 = arith.cmpi slt, %add3A_265, %lt3A_266 : i32
      %convert_element_type3A_268 = arith.extui %lt3A_267 : i1 to i32
      %cond3A_269 = arith.constant 0 : i32
      %cond3A_270 = arith.cmpi ne, %convert_element_type3A_268, %cond3A_269 : i32
      scf.if %cond3A_270 {
        %add3A_309 = arith.constant 4 : i32
        %add3A_310 = arith.addi %add3A_234, %add3A_309 : i32
        %add3A_311 = arith.constant 1 : i32
        %add3A_312 = arith.addi %add3A_310, %add3A_311 : i32
        %add3A_313 = arith.constant 4 : i32
        %add3A_314 = arith.addi %add3A_234, %add3A_313 : i32
        %add3A_315 = arith.constant 1 : i32
        %add3A_316 = arith.addi %add3A_314, %add3A_315 : i32
        %dma_start3A_317 = arith.constant 0 : i32
        %dma_start3A_318 = tpu.memref_slice %arg6[%add3A_316, %dma_start3A_317] : memref<80x128xi32, #tpu.memory_space<vmem>> -> memref<1x128xi32, #tpu.memory_space<vmem>>
        %dma_start3A_319 = tpu.memref_squeeze %dma_start3A_318 : memref<1x128xi32, #tpu.memory_space<vmem>> -> memref<128xi32, #tpu.memory_space<vmem>>
        %dma_start3A_320 = arith.constant 0 : i32
        %dma_start3A_321 = arith.constant 0 : i32
        %dma_start3A_322 = tpu.memref_slice %arg2[%dma_start3A_320, %dma_start3A_321] : memref<20000x64xf32, #tpu.memory_space<hbm>> -> memref<20000x64xf32, #tpu.memory_space<hbm>>
        tpu.enqueue_indirect_dma source(%dma_start3A_322 : memref<20000x64xf32, #tpu.memory_space<hbm>>) target(%arg9 : memref<128x64xf32, #tpu.memory_space<vmem>>) offsets(%dma_start3A_319 : memref<128xi32, #tpu.memory_space<vmem>>) semaphore(%arg15 : memref<!tpu.dma_semaphore, #tpu.memory_space<semaphore_mem>>)
      } else {
      }
      %add3A_271 = arith.constant 2 : i32
      %add3A_272 = arith.addi %add3A_234, %add3A_271 : i32
      %dma_wait3A_273 = arith.constant 0 : i32
      %dma_wait3A_274 = tpu.memref_slice %arg6[%add3A_272, %dma_wait3A_273] : memref<80x128xi32, #tpu.memory_space<vmem>> -> memref<1x128xi32, #tpu.memory_space<vmem>>
      %dma_wait3A_275 = tpu.memref_squeeze %dma_wait3A_274 : memref<1x128xi32, #tpu.memory_space<vmem>> -> memref<128xi32, #tpu.memory_space<vmem>>
      %dma_wait3A_276 = arith.constant 0 : i32
      %dma_wait3A_277 = arith.constant 0 : i32
      %dma_wait3A_278 = tpu.memref_slice %arg2[%dma_wait3A_276, %dma_wait3A_277] : memref<20000x64xf32, #tpu.memory_space<hbm>> -> memref<20000x64xf32, #tpu.memory_space<hbm>>
      tpu.wait_indirect_dma semaphore(%arg16 : memref<!tpu.dma_semaphore, #tpu.memory_space<semaphore_mem>>) src(%dma_wait3A_278 : memref<20000x64xf32, #tpu.memory_space<hbm>>) dst(%arg10 : memref<128x64xf32, #tpu.memory_space<vmem>>)
      %add3A_279 = arith.constant 2 : i32
      %add3A_280 = arith.addi %add3A_234, %add3A_279 : i32
      "tpu.region"() ({
        %run_scoped3A = tpu.sem_alloc : memref<!tpu.dma_semaphore, #tpu.memory_space<semaphore_mem>>
        %dma_start3A_309 = arith.constant 0 : i32
        %dma_start3A_310 = tpu.memref_slice %arg7[%add3A_280, %dma_start3A_309] : memref<80x128xi32, #tpu.memory_space<vmem>> -> memref<1x128xi32, #tpu.memory_space<vmem>>
        %dma_start3A_311 = tpu.memref_squeeze %dma_start3A_310 : memref<1x128xi32, #tpu.memory_space<vmem>> -> memref<128xi32, #tpu.memory_space<vmem>>
        %dma_start3A_312 = arith.constant 0 : i32
        %dma_start3A_313 = arith.constant 0 : i32
        %dma_start3A_314 = tpu.memref_slice %arg13[%dma_start3A_312, %dma_start3A_313] : memref<10240x64xf32, #tpu.memory_space<vmem_shared>> -> memref<10240x64xf32, #tpu.memory_space<vmem_shared>>
        tpu.enqueue_indirect_dma source(%arg10 : memref<128x64xf32, #tpu.memory_space<vmem>>) target(%dma_start3A_314 : memref<10240x64xf32, #tpu.memory_space<vmem_shared>>) offsets(%dma_start3A_311 : memref<128xi32, #tpu.memory_space<vmem>>) semaphore(%run_scoped3A : memref<!tpu.dma_semaphore, #tpu.memory_space<semaphore_mem>>) {add = true}
        %dma_wait3A_315 = arith.constant 0 : i32
        %dma_wait3A_316 = tpu.memref_slice %arg7[%add3A_280, %dma_wait3A_315] : memref<80x128xi32, #tpu.memory_space<vmem>> -> memref<1x128xi32, #tpu.memory_space<vmem>>
        %dma_wait3A_317 = tpu.memref_squeeze %dma_wait3A_316 : memref<1x128xi32, #tpu.memory_space<vmem>> -> memref<128xi32, #tpu.memory_space<vmem>>
        %dma_wait3A_318 = arith.constant 0 : i32
        %dma_wait3A_319 = arith.constant 0 : i32
        %dma_wait3A_320 = tpu.memref_slice %arg13[%dma_wait3A_318, %dma_wait3A_319] : memref<10240x64xf32, #tpu.memory_space<vmem_shared>> -> memref<10240x64xf32, #tpu.memory_space<vmem_shared>>
        tpu.wait_indirect_dma semaphore(%run_scoped3A : memref<!tpu.dma_semaphore, #tpu.memory_space<semaphore_mem>>) src(%arg10 : memref<128x64xf32, #tpu.memory_space<vmem>>) dst(%dma_wait3A_320 : memref<10240x64xf32, #tpu.memory_space<vmem_shared>>)
        tpu.yield
      }) : () -> ()
      %add3A_281 = arith.constant 4 : i32
      %add3A_282 = arith.addi %add3A_234, %add3A_281 : i32
      %add3A_283 = arith.constant 2 : i32
      %add3A_284 = arith.addi %add3A_282, %add3A_283 : i32
      %lt3A_285 = arith.constant 80 : i32
      %lt3A_286 = arith.cmpi slt, %add3A_284, %lt3A_285 : i32
      %convert_element_type3A_287 = arith.extui %lt3A_286 : i1 to i32
      %cond3A_288 = arith.constant 0 : i32
      %cond3A_289 = arith.cmpi ne, %convert_element_type3A_287, %cond3A_288 : i32
      scf.if %cond3A_289 {
        %add3A_309 = arith.constant 4 : i32
        %add3A_310 = arith.addi %add3A_234, %add3A_309 : i32
        %add3A_311 = arith.constant 2 : i32
        %add3A_312 = arith.addi %add3A_310, %add3A_311 : i32
        %add3A_313 = arith.constant 4 : i32
        %add3A_314 = arith.addi %add3A_234, %add3A_313 : i32
        %add3A_315 = arith.constant 2 : i32
        %add3A_316 = arith.addi %add3A_314, %add3A_315 : i32
        %dma_start3A_317 = arith.constant 0 : i32
        %dma_start3A_318 = tpu.memref_slice %arg6[%add3A_316, %dma_start3A_317] : memref<80x128xi32, #tpu.memory_space<vmem>> -> memref<1x128xi32, #tpu.memory_space<vmem>>
        %dma_start3A_319 = tpu.memref_squeeze %dma_start3A_318 : memref<1x128xi32, #tpu.memory_space<vmem>> -> memref<128xi32, #tpu.memory_space<vmem>>
        %dma_start3A_320 = arith.constant 0 : i32
        %dma_start3A_321 = arith.constant 0 : i32
        %dma_start3A_322 = tpu.memref_slice %arg2[%dma_start3A_320, %dma_start3A_321] : memref<20000x64xf32, #tpu.memory_space<hbm>> -> memref<20000x64xf32, #tpu.memory_space<hbm>>
        tpu.enqueue_indirect_dma source(%dma_start3A_322 : memref<20000x64xf32, #tpu.memory_space<hbm>>) target(%arg10 : memref<128x64xf32, #tpu.memory_space<vmem>>) offsets(%dma_start3A_319 : memref<128xi32, #tpu.memory_space<vmem>>) semaphore(%arg16 : memref<!tpu.dma_semaphore, #tpu.memory_space<semaphore_mem>>)
      } else {
      }
      %add3A_290 = arith.constant 3 : i32
      %add3A_291 = arith.addi %add3A_234, %add3A_290 : i32
      %dma_wait3A_292 = arith.constant 0 : i32
      %dma_wait3A_293 = tpu.memref_slice %arg6[%add3A_291, %dma_wait3A_292] : memref<80x128xi32, #tpu.memory_space<vmem>> -> memref<1x128xi32, #tpu.memory_space<vmem>>
      %dma_wait3A_294 = tpu.memref_squeeze %dma_wait3A_293 : memref<1x128xi32, #tpu.memory_space<vmem>> -> memref<128xi32, #tpu.memory_space<vmem>>
      %dma_wait3A_295 = arith.constant 0 : i32
      %dma_wait3A_296 = arith.constant 0 : i32
      %dma_wait3A_297 = tpu.memref_slice %arg2[%dma_wait3A_295, %dma_wait3A_296] : memref<20000x64xf32, #tpu.memory_space<hbm>> -> memref<20000x64xf32, #tpu.memory_space<hbm>>
      tpu.wait_indirect_dma semaphore(%arg17 : memref<!tpu.dma_semaphore, #tpu.memory_space<semaphore_mem>>) src(%dma_wait3A_297 : memref<20000x64xf32, #tpu.memory_space<hbm>>) dst(%arg11 : memref<128x64xf32, #tpu.memory_space<vmem>>)
      %add3A_298 = arith.constant 3 : i32
      %add3A_299 = arith.addi %add3A_234, %add3A_298 : i32
      "tpu.region"() ({
        %run_scoped3A = tpu.sem_alloc : memref<!tpu.dma_semaphore, #tpu.memory_space<semaphore_mem>>
        %dma_start3A_309 = arith.constant 0 : i32
        %dma_start3A_310 = tpu.memref_slice %arg7[%add3A_299, %dma_start3A_309] : memref<80x128xi32, #tpu.memory_space<vmem>> -> memref<1x128xi32, #tpu.memory_space<vmem>>
        %dma_start3A_311 = tpu.memref_squeeze %dma_start3A_310 : memref<1x128xi32, #tpu.memory_space<vmem>> -> memref<128xi32, #tpu.memory_space<vmem>>
        %dma_start3A_312 = arith.constant 0 : i32
        %dma_start3A_313 = arith.constant 0 : i32
        %dma_start3A_314 = tpu.memref_slice %arg13[%dma_start3A_312, %dma_start3A_313] : memref<10240x64xf32, #tpu.memory_space<vmem_shared>> -> memref<10240x64xf32, #tpu.memory_space<vmem_shared>>
        tpu.enqueue_indirect_dma source(%arg11 : memref<128x64xf32, #tpu.memory_space<vmem>>) target(%dma_start3A_314 : memref<10240x64xf32, #tpu.memory_space<vmem_shared>>) offsets(%dma_start3A_311 : memref<128xi32, #tpu.memory_space<vmem>>) semaphore(%run_scoped3A : memref<!tpu.dma_semaphore, #tpu.memory_space<semaphore_mem>>) {add = true}
        %dma_wait3A_315 = arith.constant 0 : i32
        %dma_wait3A_316 = tpu.memref_slice %arg7[%add3A_299, %dma_wait3A_315] : memref<80x128xi32, #tpu.memory_space<vmem>> -> memref<1x128xi32, #tpu.memory_space<vmem>>
        %dma_wait3A_317 = tpu.memref_squeeze %dma_wait3A_316 : memref<1x128xi32, #tpu.memory_space<vmem>> -> memref<128xi32, #tpu.memory_space<vmem>>
        %dma_wait3A_318 = arith.constant 0 : i32
        %dma_wait3A_319 = arith.constant 0 : i32
        %dma_wait3A_320 = tpu.memref_slice %arg13[%dma_wait3A_318, %dma_wait3A_319] : memref<10240x64xf32, #tpu.memory_space<vmem_shared>> -> memref<10240x64xf32, #tpu.memory_space<vmem_shared>>
        tpu.wait_indirect_dma semaphore(%run_scoped3A : memref<!tpu.dma_semaphore, #tpu.memory_space<semaphore_mem>>) src(%arg11 : memref<128x64xf32, #tpu.memory_space<vmem>>) dst(%dma_wait3A_320 : memref<10240x64xf32, #tpu.memory_space<vmem_shared>>)
        tpu.yield
      }) : () -> ()
      %add3A_300 = arith.constant 4 : i32
      %add3A_301 = arith.addi %add3A_234, %add3A_300 : i32
      %add3A_302 = arith.constant 3 : i32
      %add3A_303 = arith.addi %add3A_301, %add3A_302 : i32
      %lt3A_304 = arith.constant 80 : i32
      %lt3A_305 = arith.cmpi slt, %add3A_303, %lt3A_304 : i32
      %convert_element_type3A_306 = arith.extui %lt3A_305 : i1 to i32
      %cond3A_307 = arith.constant 0 : i32
      %cond3A_308 = arith.cmpi ne, %convert_element_type3A_306, %cond3A_307 : i32
      scf.if %cond3A_308 {
        %add3A_309 = arith.constant 4 : i32
        %add3A_310 = arith.addi %add3A_234, %add3A_309 : i32
        %add3A_311 = arith.constant 3 : i32
        %add3A_312 = arith.addi %add3A_310, %add3A_311 : i32
        %add3A_313 = arith.constant 4 : i32
        %add3A_314 = arith.addi %add3A_234, %add3A_313 : i32
        %add3A_315 = arith.constant 3 : i32
        %add3A_316 = arith.addi %add3A_314, %add3A_315 : i32
        %dma_start3A_317 = arith.constant 0 : i32
        %dma_start3A_318 = tpu.memref_slice %arg6[%add3A_316, %dma_start3A_317] : memref<80x128xi32, #tpu.memory_space<vmem>> -> memref<1x128xi32, #tpu.memory_space<vmem>>
        %dma_start3A_319 = tpu.memref_squeeze %dma_start3A_318 : memref<1x128xi32, #tpu.memory_space<vmem>> -> memref<128xi32, #tpu.memory_space<vmem>>
        %dma_start3A_320 = arith.constant 0 : i32
        %dma_start3A_321 = arith.constant 0 : i32
        %dma_start3A_322 = tpu.memref_slice %arg2[%dma_start3A_320, %dma_start3A_321] : memref<20000x64xf32, #tpu.memory_space<hbm>> -> memref<20000x64xf32, #tpu.memory_space<hbm>>
        tpu.enqueue_indirect_dma source(%dma_start3A_322 : memref<20000x64xf32, #tpu.memory_space<hbm>>) target(%arg11 : memref<128x64xf32, #tpu.memory_space<vmem>>) offsets(%dma_start3A_319 : memref<128xi32, #tpu.memory_space<vmem>>) semaphore(%arg17 : memref<!tpu.dma_semaphore, #tpu.memory_space<semaphore_mem>>)
      } else {
      }
    }
    %scan3A_222 = arith.constant 20 : i32
    %barrier3A_223 = arith.constant 0 : index
    tpu.barrier barrier_id(%barrier3A_223)
    %mul3A_224 = arith.constant 640 : i32
    %mul3A_225 = arith.muli %arg1, %mul3A_224 : i32
    %mul3A_226 = arith.constant 640 : i32
    %mul3A_227 = arith.muli %arg1, %mul3A_226 : i32
    %mul3A_228 = arith.constant 64 : i32
    %mul3A_229 = arith.muli %arg0, %mul3A_228 : i32
    "tpu.region"() ({
      %run_scoped3A = tpu.sem_alloc : memref<!tpu.dma_semaphore, #tpu.memory_space<semaphore_mem>>
      %dma_start3A_230 = tpu.memref_slice %arg5[%mul3A_227, %mul3A_229] : memref<10240x128xf32, #tpu.memory_space<hbm>> -> memref<640x64xf32, #tpu.memory_space<hbm>>
      %dma_start3A_231 = arith.constant 0 : i32
      %dma_start3A_232 = tpu.memref_slice %arg13[%mul3A_225, %dma_start3A_231] : memref<10240x64xf32, #tpu.memory_space<vmem_shared>> -> memref<640x64xf32, #tpu.memory_space<vmem_shared>>
      tpu.enqueue_dma source(%dma_start3A_232 : memref<640x64xf32, #tpu.memory_space<vmem_shared>>) target(%dma_start3A_230 : memref<640x64xf32, #tpu.memory_space<hbm>>) target_semaphore(%run_scoped3A : memref<!tpu.dma_semaphore, #tpu.memory_space<semaphore_mem>>)
      %dma_wait3A_233 = tpu.memref_slice %arg5[%mul3A_227, %mul3A_229] : memref<10240x128xf32, #tpu.memory_space<hbm>> -> memref<640x64xf32, #tpu.memory_space<hbm>>
      %dma_wait3A_234 = arith.constant 0 : i32
      %dma_wait3A_235 = tpu.memref_slice %arg13[%mul3A_225, %dma_wait3A_234] : memref<10240x64xf32, #tpu.memory_space<vmem_shared>> -> memref<640x64xf32, #tpu.memory_space<vmem_shared>>
      tpu.wait_dma2 semaphore(%run_scoped3A : memref<!tpu.dma_semaphore, #tpu.memory_space<semaphore_mem>>) src(%dma_wait3A_235 : memref<640x64xf32, #tpu.memory_space<vmem_shared>>) dst(%dma_wait3A_233 : memref<640x64xf32, #tpu.memory_space<hbm>>)
      tpu.yield
    }) : () -> ()
    return
  }
}

module attributes {stable_mosaic.version = 14 : i64} {
  func.func @_dense1(%arg0: i32, %arg1: memref<2000x128xf32, #tpu.memory_space<vmem>>, %arg2: memref<2000x1xf32, #tpu.memory_space<vmem>>, %arg3: memref<128x128xf32, #tpu.memory_space<vmem>>, %arg4: memref<1x128xf32, #tpu.memory_space<vmem>>, %arg5: memref<256x64xf32, #tpu.memory_space<vmem>>, %arg6: memref<2000x128xf32, #tpu.memory_space<vmem>>) attributes {dimension_semantics = [#tpu.dimension_semantics<arbitrary>], iteration_bounds = array<i64: 5>, scalar_prefetch = 0 : i64, scratch_operands = 0 : i64, tpu.core_type = #tpu.core_type<tc>, window_params = [{transform_indices = @transform_0, window_bounds = array<i64: 2000, 128>}, {transform_indices = @transform_1, window_bounds = array<i64: 2000, 1>}, {pipeline_mode = #tpu.pipeline_mode<synchronous>, transform_indices = @transform_2, window_bounds = array<i64: 128, 128>}, {pipeline_mode = #tpu.pipeline_mode<synchronous>, transform_indices = @transform_3, window_bounds = array<i64: 1, 128>}, {pipeline_mode = #tpu.pipeline_mode<synchronous>, transform_indices = @transform_4, window_bounds = array<i64: 256, 64>}, {transform_indices = @transform_5, window_bounds = array<i64: 2000, 128>}]} {
    %get3A = arith.constant 0 : index
    %get3A_0 = arith.constant 0 : index
    %get3A_1 = vector.load %arg1[%get3A, %get3A_0] : memref<2000x128xf32, #tpu.memory_space<vmem>>, vector<2000x128xf32>
    %get3A_2 = arith.constant 0 : index
    %get3A_3 = arith.constant 0 : index
    %get3A_4 = vector.load %arg2[%get3A_2, %get3A_3] : memref<2000x1xf32, #tpu.memory_space<vmem>>, vector<2000x1xf32>
    %mul3A = vector.broadcast %get3A_4 : vector<2000x1xf32> to vector<2000x128xf32>
    %mul3A_5 = arith.mulf %get3A_1, %mul3A : vector<2000x128xf32>
    %get3A_6 = arith.constant 0 : index
    %get3A_7 = arith.constant 0 : index
    %get3A_8 = vector.load %arg3[%get3A_6, %get3A_7] : memref<128x128xf32, #tpu.memory_space<vmem>>, vector<128x128xf32>
    %dot_general3A = arith.constant dense<0.000000e+00> : vector<2000x128xf32>
    %dot_general3A_9 = tpu.matmul %mul3A_5, %get3A_8, %dot_general3A {dimension_numbers = #tpu.dot_dimension_numbers<[1], [0], [0], [1], [0, 0, 1, 1], [], []>, transpose_lhs_hint = false} : vector<2000x128xf32>, vector<128x128xf32>, vector<2000x128xf32> -> vector<2000x128xf32>
    %get3A_10 = arith.constant 0 : index
    %get3A_11 = arith.constant 0 : index
    %get3A_12 = vector.load %arg4[%get3A_10, %get3A_11] : memref<1x128xf32, #tpu.memory_space<vmem>>, vector<1x128xf32>
    %add3A = vector.broadcast %get3A_12 : vector<1x128xf32> to vector<2000x128xf32>
    %add3A_13 = arith.addf %dot_general3A_9, %add3A : vector<2000x128xf32>
    %max3A = arith.constant 0.000000e+00 : f32
    %max3A_14 = vector.broadcast %max3A : f32 to vector<2000x128xf32>
    %max3A_15 = arith.maximumf %add3A_13, %max3A_14 : vector<2000x128xf32>
    %get3A_16 = arith.constant 0 : index
    %get3A_17 = arith.constant 0 : index
    %get3A_18 = vector.load %arg5[%get3A_16, %get3A_17] : memref<256x64xf32, #tpu.memory_space<vmem>>, vector<128x64xf32>
    %dot_general3A_19 = arith.constant dense<0.000000e+00> : vector<2000x64xf32>
    %dot_general3A_20 = tpu.matmul %add3A_13, %get3A_18, %dot_general3A_19 {dimension_numbers = #tpu.dot_dimension_numbers<[1], [0], [0], [1], [0, 0, 1, 1], [], []>, transpose_lhs_hint = false} : vector<2000x128xf32>, vector<128x64xf32>, vector<2000x64xf32> -> vector<2000x64xf32>
    %get3A_21 = arith.constant 128 : index
    %get3A_22 = arith.constant 0 : index
    %get3A_23 = vector.load %arg5[%get3A_21, %get3A_22] : memref<256x64xf32, #tpu.memory_space<vmem>>, vector<128x64xf32>
    %dot_general3A_24 = arith.constant dense<0.000000e+00> : vector<2000x64xf32>
    %dot_general3A_25 = tpu.matmul %max3A_15, %get3A_23, %dot_general3A_24 {dimension_numbers = #tpu.dot_dimension_numbers<[1], [0], [0], [1], [0, 0, 1, 1], [], []>, transpose_lhs_hint = false} : vector<2000x128xf32>, vector<128x64xf32>, vector<2000x64xf32> -> vector<2000x64xf32>
    %add3A_26 = arith.addf %dot_general3A_20, %dot_general3A_25 : vector<2000x64xf32>
    %swap3A = arith.constant 0 : index
    %swap3A_27 = arith.constant 0 : index
    %swap3A_28 = vector.load %arg6[%swap3A, %swap3A_27] : memref<2000x128xf32, #tpu.memory_space<vmem>>, vector<2000x64xf32>
    tpu.vector_store %arg6[%swap3A, %swap3A_27], %add3A_26 {strides = array<i32>} : memref<2000x128xf32, #tpu.memory_space<vmem>>, vector<2000x64xf32>,
    %swap3A_29 = arith.constant 0 : index
    %swap3A_30 = arith.constant 64 : index
    %swap3A_31 = vector.load %arg6[%swap3A_29, %swap3A_30] : memref<2000x128xf32, #tpu.memory_space<vmem>>, vector<2000x64xf32>
    tpu.vector_store %arg6[%swap3A_29, %swap3A_30], %add3A_26 {strides = array<i32>} : memref<2000x128xf32, #tpu.memory_space<vmem>>, vector<2000x64xf32>,
    return
  }
  func.func @transform_0(%arg0: i32) -> (i32, i32) {
    %c0_i32 = arith.constant 0 : i32
    %c0_i32_0 = arith.constant 0 : i32
    return %arg0, %c0_i32 : i32, i32
  }
  func.func @transform_1(%arg0: i32) -> (i32, i32) {
    %c0_i32 = arith.constant 0 : i32
    %c0_i32_0 = arith.constant 0 : i32
    return %arg0, %c0_i32 : i32, i32
  }
  func.func @transform_2(%arg0: i32) -> (i32, i32) {
    %c0_i32 = arith.constant 0 : i32
    %c0_i32_0 = arith.constant 0 : i32
    %c0_i32_1 = arith.constant 0 : i32
    return %c0_i32, %c0_i32_0 : i32, i32
  }
  func.func @transform_3(%arg0: i32) -> (i32, i32) {
    %c0_i32 = arith.constant 0 : i32
    %c0_i32_0 = arith.constant 0 : i32
    %c0_i32_1 = arith.constant 0 : i32
    return %c0_i32, %c0_i32_0 : i32, i32
  }
  func.func @transform_4(%arg0: i32) -> (i32, i32) {
    %c0_i32 = arith.constant 0 : i32
    %c0_i32_0 = arith.constant 0 : i32
    %c0_i32_1 = arith.constant 0 : i32
    return %c0_i32, %c0_i32_0 : i32, i32
  }
  func.func @transform_5(%arg0: i32) -> (i32, i32) {
    %c0_i32 = arith.constant 0 : i32
    %c0_i32_0 = arith.constant 0 : i32
    return %arg0, %c0_i32 : i32, i32
  }
}

module attributes {stable_mosaic.version = 14 : i64} {
  func.func @_dense2(%arg0: i32, %arg1: memref<2000x128xf32, #tpu.memory_space<vmem>>, %arg2: memref<2000x1xf32, #tpu.memory_space<vmem>>, %arg3: memref<1x64xf32, #tpu.memory_space<vmem>>, %arg4: memref<2000x64xf32, #tpu.memory_space<vmem>>) attributes {dimension_semantics = [#tpu.dimension_semantics<arbitrary>], iteration_bounds = array<i64: 5>, scalar_prefetch = 0 : i64, scratch_operands = 0 : i64, tpu.core_type = #tpu.core_type<tc>, window_params = [{transform_indices = @transform_0, window_bounds = array<i64: 2000, 128>}, {transform_indices = @transform_1, window_bounds = array<i64: 2000, 1>}, {pipeline_mode = #tpu.pipeline_mode<synchronous>, transform_indices = @transform_2, window_bounds = array<i64: 1, 64>}, {transform_indices = @transform_3, window_bounds = array<i64: 2000, 64>}]} {
    %get3A = arith.constant 0 : index
    %get3A_0 = arith.constant 0 : index
    %get3A_1 = vector.load %arg1[%get3A, %get3A_0] : memref<2000x128xf32, #tpu.memory_space<vmem>>, vector<2000x64xf32>
    %get3A_2 = arith.constant 0 : index
    %get3A_3 = arith.constant 64 : index
    %get3A_4 = vector.load %arg1[%get3A_2, %get3A_3] : memref<2000x128xf32, #tpu.memory_space<vmem>>, vector<2000x64xf32>
    %add3A = arith.addf %get3A_1, %get3A_4 : vector<2000x64xf32>
    %get3A_5 = arith.constant 0 : index
    %get3A_6 = arith.constant 0 : index
    %get3A_7 = vector.load %arg2[%get3A_5, %get3A_6] : memref<2000x1xf32, #tpu.memory_space<vmem>>, vector<2000x1xf32>
    %mul3A = vector.broadcast %get3A_7 : vector<2000x1xf32> to vector<2000x64xf32>
    %mul3A_8 = arith.mulf %add3A, %mul3A : vector<2000x64xf32>
    %get3A_9 = arith.constant 0 : index
    %get3A_10 = arith.constant 0 : index
    %get3A_11 = vector.load %arg3[%get3A_9, %get3A_10] : memref<1x64xf32, #tpu.memory_space<vmem>>, vector<1x64xf32>
    %add3A_12 = vector.broadcast %get3A_11 : vector<1x64xf32> to vector<2000x64xf32>
    %add3A_13 = arith.addf %mul3A_8, %add3A_12 : vector<2000x64xf32>
    %swap3A = arith.constant 0 : index
    %swap3A_14 = arith.constant 0 : index
    %swap3A_15 = vector.load %arg4[%swap3A, %swap3A_14] : memref<2000x64xf32, #tpu.memory_space<vmem>>, vector<2000x64xf32>
    tpu.vector_store %arg4[%swap3A, %swap3A_14], %add3A_13 {strides = array<i32>} : memref<2000x64xf32, #tpu.memory_space<vmem>>, vector<2000x64xf32>,
    return
  }
  func.func @transform_0(%arg0: i32) -> (i32, i32) {
    %c0_i32 = arith.constant 0 : i32
    %c0_i32_0 = arith.constant 0 : i32
    return %arg0, %c0_i32 : i32, i32
  }
  func.func @transform_1(%arg0: i32) -> (i32, i32) {
    %c0_i32 = arith.constant 0 : i32
    %c0_i32_0 = arith.constant 0 : i32
    return %arg0, %c0_i32 : i32, i32
  }
  func.func @transform_2(%arg0: i32) -> (i32, i32) {
    %c0_i32 = arith.constant 0 : i32
    %c0_i32_0 = arith.constant 0 : i32
    %c0_i32_1 = arith.constant 0 : i32
    return %c0_i32, %c0_i32_0 : i32, i32
  }
  func.func @transform_3(%arg0: i32) -> (i32, i32) {
    %c0_i32 = arith.constant 0 : i32
    %c0_i32_0 = arith.constant 0 : i32
    return %arg0, %c0_i32 : i32, i32
  }
}

</mosaic_0001>

<sc_bundles>
// kernel: kernel.6.cloned.1.call-start
scs
__scs_entry_jumppad:
0x0: {  	(pc) =	sbr.rel $0x88, $3  }
0x1: {  	(tag) =	ssettag $0x0;
	lr =	simm.s32 $0x1  }
0x2: {  	[smem:$0x3F9A] =	sst lr;
	_ =	strace $0xD0000000  }
0x3: {  	_ = 	snop  }
0x4: {  	_ = 	snop  }
0x5: {  	_ = 	snop  }
0x6: {  	_ = 	snop  }
0x7: {  	_ = 	snop  }
__scs_overlays_trampoline_lowered:
0x8: {  	[smem:$0x3FA9] =	sst s0  }
0x9: {  	[smem:$0x3FAA] =	sst s1  }
0xa: {  	[smem:$0x3FAB] =	sst s2  }
0xb: {  	[smem:$0x3FAC] =	sst s3  }
0xc: {  	[smem:$0x3FAD] =	sst s4  }
0xd: {  	[smem:$0x3FAE] =	sst s5  }
0xe: {  	[smem:$0x3FAF] =	sst s6  }
0xf: {  	[smem:$0x3FB0] =	sst s7  }
0x10: {  	[smem:$0x3FB1] =	sst s8  }
0x11: {  	[smem:$0x3FB2] =	sst s9;
	s0 =	simm.s32 @!p0 $0x0  }
0x12: {  	s1 =	sld [smem:$0x3F98];
	s0 =	simm.s32 @p0 $0x1  }
0x13: {  	[smem:$0x3FB3] =	sst s0;
	s0 =	simm.s32 @!p1 $0x0  }
0x14: {  	s2 =	sld [smem:$0x3F97];
	s0 =	simm.s32 @p1 $0x1  }
0x15: {  	[smem:$0x3FB4] =	sst s0;
	s0 =	simm.s32 @!p2 $0x0  }
0x16: {  	s3 =	sld [smem:$0x3FDB];
	s0 =	simm.s32 @p2 $0x1  }
0x17: {  	s4 =	simm.s32 $0x1BF5;
	[smem:$0x3FB6] =	sst s0  }
0x18: {  	s0 =	sld [smem:$0x3F99];
	_ =	swait.ge [sflag:s4], $0x0  }
0x19: {  	s7 =	sld [smem:$0x3F9A]  }
0x1a: {  	s8 =	sadd.s32 $0xFFFFE003, lr  }
0x1b: {  	s9 =	sadd.s32 $0xFFFFFEF7, lr;
	s5 =	simm.s32 $0xFFFFFFFF;
	p2 =	slt.u32 s8, $0xFFFFF086  }
0x1c: {  	p1 =	slt.u32 s9, $0xF7A;
	s5 =	simm.s32 @!p2 $0x0  }
0x1d: {  	s5 =	simm.s32 @p1 $0x1;
	p0 =	seq.s32 s7, s2  }
0x1e: {  	s7 =	smul.u32 @!p0 $0xF7A, s2;
	p2 =	seq.s32 @!p0 s5, $0x0  }
0x1f: {  	s9 =	smul.u32 $0xF7A, s1;
	s8 =	simm.s32 @!p0 $0x1BF5;
	p2 =	por !p2, p0  }
0x20: {  	[sflag:s8] =	ssyncset.s32 @!p0 $0xFFFFF086;
	s6 =	sadd.s32 @!p0 s3, s7;
	s7 =	simm.s32 @!p0 $0x108  }
0x21: {  	s3 =	sadd.s32 s3, s9;
	s6 =	sadd.s32 @!p0 $0x88, s6;
	s7 =	simm.s32 @p2 $0x1082  }
0x22: {  	[simem:s7], [sflag:s8] =	dma.local @!p0 [hbm:s6], $0xF7A  }
0x23: {  	s9 =	sor.u32 $0xD0000000, s2;
	s6 =	simm.s32 $0x108;
	_ =	swait.ge @!p0 [sflag:s8], $0x0  }
0x24: {  	s3 =	sadd.s32 $0x88, s3;
	s6 =	simm.s32 @!p1 $0x1082;
	[sflag:s4] =	ssyncset.s32 $0xFFFFF086  }
0x25: {  	[simem:s6], [sflag:s4] =	dma.local [hbm:s3], $0xF7A  }
0x26: {  	[smem:$0x3F9A] =	sst s1;
	(tag) =	ssettag s2;
	_ =	strace s9  }
0x27: {  	s1 =	sld [smem:$0x3FAA]  }
0x28: {  	s2 =	sld [smem:$0x3FAB]  }
0x29: {  	s4 =	sld [smem:$0x3FAD]  }
0x2a: {  	p0 =	seq.s32 s5, $0x0;
	s5 =	sld [smem:$0x3FAE]  }
0x2b: {  	s6 =	sld [smem:$0x3FAF]  }
0x2c: {  	s7 =	sld [smem:$0x3FB0]  }
0x2d: {  	s3 =	simm.s32 $0x108;
	s8 =	sld [smem:$0x3FB1]  }
0x2e: {  	s3 =	simm.s32 @!p0 $0x1082;
	s9 =	sld [smem:$0x3FB2]  }
0x2f: {  	lr =	sadd.s32 s0, s3;
	s0 =	sld [smem:$0x3FA9]  }
0x30: {  	s3 =	sld [smem:$0x3FAC]  }
0x31: {  	[smem:$0x3FB5] =	sst s10  }
0x32: {  	s10 =	sld [smem:$0x3FB3];
	_ =	sdelay $0x3  }
0x33: {  	p0 =	seq.s32 s10, $0x1;
	s10 =	sld [smem:$0x3FB5];
	_ =	sdelay $0x3  }
0x34: {  	[smem:$0x3FB5] =	sst s10  }
0x35: {  	s10 =	sld [smem:$0x3FB4];
	_ =	sdelay $0x3  }
0x36: {  	p1 =	seq.s32 s10, $0x1;
	s10 =	sld [smem:$0x3FB5];
	_ =	sdelay $0x3  }
0x37: {  	[smem:$0x3FB5] =	sst s10  }
0x38: {  	s10 =	sld [smem:$0x3FB6]  }
0x39: {  	_ = 	snop;
	(pc) =	sbr.ind lr, $3  }
0x3a: {  	_ = 	snop  }
0x3b: {  	_ = 	snop  }
0x3c: {  	p2 =	seq.s32 s10, $0x1;
	s10 =	sld [smem:$0x3FB5]  }
0x3d: {  	_ =	shalt  }
0x3e: {  	_ =	shalt  }
0x3f: {  	_ =	shalt  }
0x40: {  	_ =	shalt  }
0x41: {  	_ =	shalt  }
0x42: {  	_ =	shalt  }
0x43: {  	_ =	shalt  }
0x44: {  	_ =	shalt  }
0x45: {  	_ =	shalt  }
0x46: {  	_ =	shalt  }
0x47: {  	_ =	shalt  }
0x48: {  	_ =	shalt  }
0x49: {  	_ =	shalt  }
0x4a: {  	_ =	shalt  }
0x4b: {  	_ =	shalt  }
0x4c: {  	_ =	shalt  }
0x4d: {  	_ =	shalt  }
0x4e: {  	_ =	shalt  }
0x4f: {  	_ =	shalt  }
0x50: {  	_ =	shalt  }
0x51: {  	_ =	shalt  }
0x52: {  	_ =	shalt  }
0x53: {  	_ =	shalt  }
0x54: {  	_ =	shalt  }
0x55: {  	_ =	shalt  }
0x56: {  	_ =	shalt  }
0x57: {  	_ =	shalt  }
0x58: {  	_ =	shalt  }
0x59: {  	_ =	shalt  }
0x5a: {  	_ =	shalt  }
0x5b: {  	_ =	shalt  }
0x5c: {  	_ =	shalt  }
0x5d: {  	_ =	shalt  }
0x5e: {  	_ =	shalt  }
0x5f: {  	_ =	shalt  }
0x60: {  	_ =	shalt  }
0x61: {  	_ =	shalt  }
0x62: {  	_ =	shalt  }
0x63: {  	_ =	shalt  }
0x64: {  	_ =	shalt  }
0x65: {  	_ =	shalt  }
0x66: {  	_ =	shalt  }
0x67: {  	_ =	shalt  }
0x68: {  	_ =	shalt  }
0x69: {  	_ =	shalt  }
0x6a: {  	_ =	shalt  }
0x6b: {  	_ =	shalt  }
0x6c: {  	_ =	shalt  }
0x6d: {  	_ =	shalt  }
0x6e: {  	_ =	shalt  }
0x6f: {  	_ =	shalt  }
0x70: {  	_ =	shalt  }
0x71: {  	_ =	shalt  }
0x72: {  	_ =	shalt  }
0x73: {  	_ =	shalt  }
0x74: {  	_ =	shalt  }
0x75: {  	_ =	shalt  }
0x76: {  	_ =	shalt  }
0x77: {  	_ =	shalt  }
0x78: {  	_ =	shalt  }
0x79: {  	_ =	shalt  }
0x7a: {  	_ =	shalt  }
0x7b: {  	_ =	shalt  }
0x7c: {  	_ =	shalt  }
0x7d: {  	_ =	shalt  }
0x7e: {  	_ =	shalt  }
0x7f: {  	_ =	shalt  }
0x80: {  	_ =	shalt  }
0x81: {  	_ =	shalt  }
0x82: {  	_ =	shalt  }
0x83: {  	_ =	shalt  }
0x84: {  	_ =	shalt  }
0x85: {  	_ =	shalt  }
0x86: {  	_ =	shalt  }
0x87: {  	_ =	shalt  }
.Lfunc_end0:
.L_simem_size_0:
called_computation_lowered:
.L_overlay_start_0:
0x88: {  	s2 =	sld [smem:$0x3FD9]  }
0x89: {  	s3 =	sld [smem:$0x3FFE];
	_ =	sdelay $0x1  }
0x8a: {  	s1 =	srdreg.scid  }
0x8b: {  	s0 =	sand.u32 $0x1, s1  }
0x8c: {  	s17 =	sshll.u32 s0, $0xA;
	s2 =	sadd.s32 s3, s2  }
0x8d: {  	s2 =	sadd.s32 s2, s17  }
0x8e: {  	[smem:$0x3FC1] =	sst s2  }
0x8f: {  	_ = 	snop  }
0x90: {  	s2 =	sld [smem:$0x3FC9]  }
0x91: {  	s18 =	sld [smem:$0x3FD0];
	(tm) =	ssettm $0x1  }
0x92: {  	s4 =	sld [smem:$0x3FFB];
	_ =	sdelay $0x3  }
0x93: {  	_ =	strace s4  }
0x94: {  	s4 =	sld [smem:$0x3FFC];
	_ =	sdelay $0x3  }
0x95: {  	_ =	strace s4  }
0x96: {  	s4 =	sld [smem:$0x3FFD];
	_ =	sdelay $0x3  }
0x97: {  	_ =	strace s4  }
0x98: {  	_ =	strace $0x8FFFFFFF  }
0x99: {  	s19 =	sld [smem:$0x3FDB];
	_ =	sdelay $0x1  }
0x9a: {  	s5 =	simm.s32 $_scs_section_size  }
0x9b: {  	s6 =	simm.s32 $_size__tile_overlayer_lowered;
	s7 =	simm.s32 $_tile_overlayer_lowered  }
0x9c: {  	s22 =	simm.s32 $0x1BFF;
	s21 =	sshll.u32 s7, $0x1;
	s4 =	sadd.s32 s5, s19  }
0x9d: {  	s8 =	simm.s32 $0x0;
	s20 =	sshll.u32 s6, $0x1;
	s6 =	sadd.s32 s21, s4  }
0x9e: {  	[timem:s8], [sflag:s22] =	dma.local [hbm:s6], s20  }
0x9f: {  	_ =	swait.ge [sflag:s22], s20  }
0xa0: {  	s5 =	ssub.s32 $0x0, s20;
	[sflag:s22] =	ssyncset.done $0x0  }
0xa1: {  	[sflag:s22] =	ssyncadd.s32 s5;
	_ =	sdelay $0x1  }
0xa2: {  	s23 =	simm.s32 $0x1B8B  }
0xa3: {  	_ =	swait.ge [sflag:s23], $0x1  }
0xa4: {  	[sflag:s23] =	ssyncset.done $0x0  }
0xa5: {  	s25 =	simm.s32 $0x1B8E;
	s24 =	sld [smem:$0x3FFE];
	[sflag:s23] =	ssyncadd.s32 $0xFFFFFFFF  }
0xa6: {  	s26 =	simm.s32 $execute0_lowered;
	[smem:$0x3FD2] =	sst s25  }
0xa7: {  	s6 =	sshll.u32 s26, $0x1;
	_ =	strace $0x80000046;
	[dreg:$0x1] =	wrdreg $0xFFFFFFFF  }
0xa8: {  	s28 =	simm.s32 $_size_execute0_lowered;
	s4 =	sadd.s32 s4, s6;
	[dreg:$0x0] =	wrdreg $0x0  }
0xa9: {  	s6 =	sshll.u32 s28, $0x1;
	[dreg:$0x2] =	wrdreg s4  }
0xaa: {  	[dreg:$0x3] =	wrdreg s6  }
0xab: {  	[dreg:$0x4] =	wrdreg $0xC0  }
0xac: {  	_ =	task [dreg:s8], $0x5FFFF  }
0xad: {  	[dreg:$0x1] =	wrdreg $0xFFFFFFFF  }
0xae: {  	[dreg:$0x0] =	wrdreg $0x60  }
0xaf: {  	[dreg:$0x2] =	wrdreg s2  }
0xb0: {  	[dreg:$0x3] =	wrdreg s18  }
0xb1: {  	[dreg:$0x4] =	wrdreg s24  }
0xb2: {  	[dreg:$0x5] =	wrdreg $0x140000  }
0xb3: {  	[dreg:$0x6] =	wrdreg $0x9  }
0xb4: {  	_ =	task.clear_ibuf [dreg:s8], $0x7FFFF;
	_ =	strace $0x90000046  }
0xb5: {  	s29 =	simm.s32 $0x9;
	_ =	strace $0x80000048  }
0xb6: {  	_ =	swait.ge [sflag:s29], $0x1  }
0xb7: {  	[sflag:s29] =	ssyncadd.s32 $0xFFFFFFFF  }
0xb8: {  	_ =	strace $0x90000048  }
0xb9: {  	_ =	sfence  }
0xba: {  	s30 =	sld [smem:$0x0];
	_ =	sdelay $0x2  }
0xbb: {  	s31 =	sshll.u32 s1, $0xD;
	s1 =	sshrl.u32 s1, $0x2  }
0xbc: {  	s3 =	sand.u32 $0x4000, s31;
	s1 =	sadd.s32 s1, s30  }
0xbd: {  	s0 =	sor.u32 s3, s0;
	s1 =	sshll.u32 s1, $0x11  }
0xbe: {  	s0 =	sor.u32 s1, s0  }
0xbf: {  	s0 =	sadd.s32 $0x8F2B, s0  }
0xc0: {  	[sflag:s0] =	ssyncadd.remote.s32 $0x1  }
0xc1: {  	_ =	sfence.sel $0xFFFF  }
0xc2: {  	[dreg:$0x0] =	wrdreg $0xFFFFFFFF;
	(pc) =	sbr.abs _section_cstart, $3  }
0xc3: {  	[dreg:$0x1] =	wrdreg $0xFFFFFFFF  }
0xc4: {  	_ =	task.clear_ibuf [dreg:s8], $0x2FFFF;
	_ =	strace $0x9FFFFFFF  }
0xc5: {  	(tm) =	ssettm $0x7FFFFFFF  }
tec
execute0_lowered:
.L_overlay_start_1:
0x0: {  	(tag) =	ssettag $0x1  }
0x1: {  	s1 =	rddreg [dreg:$0x0]  }
0x2: {  	s0 =	rddreg [dreg:$0x1]  }
0x3: {  	s2 =	rddreg [dreg:$0x2]  }
0x4: {  	s3 =	rddreg [dreg:$0x3];
	s8 =	stileid.u32  }
0x5: {  	s5 =	srdreg.scid;
	s4 =	simm.s32 $0x0;
	s15 =	simm.s32 $0x12000  }
0x6: {  	s16 =	simm.s32 $0x6;
	s17 =	simm.s32 $0x5;
	s18 =	simm.s32 $0x80  }
0x7: {  	s19 =	simm.s32 $0xA000;
	s20 =	simm.s32 $0xC000;
	s22 =	simm.s32 $0xE000  }
0x8: {  	s28 =	simm.s32 $0x3;
	s29 =	simm.s32 $0x4;
	s24 =	smul.u32 $0x14000, s8  }
0x9: {  	s31 =	simm.s32 $0x8;
	s14 =	sand.u32 $0x1, s5;
	s7 =	smul.u32 $0xA00, s8  }
0xa: {  	[smem:$0x7FF] =	sst s4;
	s8 =	smul.u32 $0x28000, s8;
	s6 =	sshll.u32 s14, $0x6  }
0xb: {  	_ =	strace $0x80000047;
	s25 =	ssub.s32 $0x2, s14;
	p0 =	seq.s32 s14, $0x0  }
0xc: {  	s5 =	sor.u32 s6, s24;
	s9 =	sadd.s32 s7, s2;
	s26 =	sshrl.u32 s25, $0x1  }
0xd: {  	s30 =	sshrl.u32 s8, $0x2;
	s24 =	simm.s32 $0x10000;
	s5 =	sshrl.u32 s5, $0x3  }
.Ltmp0:
0xe: {  	s10 =	ssub.s32 s25, s26;
	s6 =	sadd.s32 $0x1200, s9;
	(pc) =	sbr.rel .LBB2_1-.Ltmp0, $4  }
0xf: {  	s25 =	simm.s32 $0x1;
	s26 =	simm.s32 $0x2;
	s2 =	sadd.s32 s5, s2  }
0x10: {  	s5 =	sadd.s32 s0, s7;
	s7 =	sadd.s32 s30, s3;
	s9 =	smax.u32 s10, $0x1  }
0x11: {  	s0 =	simm.s32 $0x0;
	s8 =	sadd.s32 $0xB200, s2;
	s10 =	sadd.s32 $0x2000, s7  }
0x12: {  	v0 =	vimm.f32 $0.0e+00;
	s11 =	sadd.s32 $0x4000, s7;
	s12 =	sadd.s32 $0x6000, s7;
	s13 =	sadd.s32 $0x8000, s7  }
.LBB2_12:
0x13: {  	_ =	swait.ge [sflag:s29], $0x2000  }
0x14: {  	[sflag:s29] =	ssyncset.done $0x0  }
0x15: {  	[sflag:s29] =	ssyncadd.s32 $0xFFFFE000  }
0x16: {  	[spmem:s3] =	stream.indirect.scatter.add.f32 [tilespmem:s24], [sflag:$0x6], $0x40, s2, s18, $0xb8;
	[tilespmem:$0x1E000] =	vst v63  }
0x17: {  	s30 =	stileid.u32;
	s14 =	sshrl.u32 s7, $0x3;
	_ =	swait.ge [sflag:s16], $0x2000  }
0x18: {  	s21 =	simm.s32 $0x10;
	s0 =	sadd.s32 $0x1, s0;
	[sflag:s16] =	ssyncset.done $0x0  }
0x19: {  	p1 =	sne.s32 s0, s9;
	s2 =	sshll.u32 s30, $0x6;
	[sflag:s16] =	ssyncadd.s32 $0xFFFFE000  }
.Ltmp1:
0x1a: {  	s2 =	sor.u32 $0x1C06, s2;
	[bflag:$0x0] =	sbarrier.arrive $0xFFFF;
	(pc) =	sbr.rel @!p1 .LBB2_13-.Ltmp1, $4  }
0x1b: {  	[hbm:s8@s21], [sflag:s2] =	dma.strided [spmem:s14@s31], $0x1400, s25, $0x8   }
0x1c: {  	_ =	swait.ge [sflag:s16], $0x1400  }
0x1d: {  	[sflag:s16] =	ssyncset.done $0x0  }
0x1e: {  	[sflag:s16] =	ssyncadd.s32 $0xFFFFEC00  }
.LBB2_1:
0x1f: {  	[tilespmem:s4], [sflag:$0x5] =	stream.linear.gather [hbm4b:s5+s4], $0x5000, $0x38;
	[tilespmem:$0x1E000] =	vst v63  }
0x20: {  	s2 =	simm.s32 $0x5000  }
0x21: {  	[tilespmem:s2], [sflag:$0x5] =	stream.linear.gather [hbm4b:s6+s4], $0x5000, $0x38;
	[tilespmem:$0x1E000] =	vst v63  }
0x22: {  	s14 =	simm.s32 $0x100;
	s2 =	simm.s32 $0x0  }
.LBB2_2:
0x23: {  	p1 =	sne.s32 s14, $0x7F00;
	[tilespmem:s2+$0x12030] =	vst v0;
	s21 =	smov.u32 s14;
	s14 =	sadd.s32 $0x100, s14  }
.Ltmp2:
0x24: {  	[tilespmem:s2+$0x12020] =	vst v0;
	(pc) =	sbr.rel @p1 .LBB2_2-.Ltmp2, $3  }
0x25: {  	[tilespmem:s2+$0x12000] =	vst v0  }
0x26: {  	[tilespmem:s2+$0x12010] =	vst v0;
	_ =	sdelay $0x1  }
0x27: {  	s2 =	sshra.s32 s21, $0x2  }
0x28: {  	[tilespmem:s2+$0x12030] =	vst v0  }
0x29: {  	[tilespmem:s2+$0x12020] =	vst v0  }
0x2a: {  	[tilespmem:s2+$0x12000] =	vst v0  }
0x2b: {  	[tilespmem:s2+$0x12010] =	vst v0  }
0x2c: {  	[spmem:s7] =	stream.linear.scatter [tilespmem:s15], [sflag:$0x6], $0x2000, $0x38;
	[tilespmem:$0x1E000] =	vst v63  }
0x2d: {  	_ =	swait.ge [sflag:s16], $0x2000  }
0x2e: {  	[sflag:s16] =	ssyncset.done $0x0  }
0x2f: {  	[sflag:s16] =	ssyncadd.s32 $0xFFFFE000  }
0x30: {  	[spmem:s10] =	stream.linear.scatter [tilespmem:s15], [sflag:$0x6], $0x2000, $0x38;
	[tilespmem:$0x1E000] =	vst v63  }
0x31: {  	_ =	swait.ge [sflag:s16], $0x2000  }
0x32: {  	[sflag:s16] =	ssyncset.done $0x0  }
0x33: {  	[sflag:s16] =	ssyncadd.s32 $0xFFFFE000  }
0x34: {  	[spmem:s11] =	stream.linear.scatter [tilespmem:s15], [sflag:$0x6], $0x2000, $0x38;
	[tilespmem:$0x1E000] =	vst v63  }
0x35: {  	_ =	swait.ge [sflag:s16], $0x2000  }
0x36: {  	[sflag:s16] =	ssyncset.done $0x0  }
0x37: {  	[sflag:s16] =	ssyncadd.s32 $0xFFFFE000  }
0x38: {  	[spmem:s12] =	stream.linear.scatter [tilespmem:s15], [sflag:$0x6], $0x2000, $0x38;
	[tilespmem:$0x1E000] =	vst v63  }
0x39: {  	_ =	swait.ge [sflag:s16], $0x2000  }
0x3a: {  	[sflag:s16] =	ssyncset.done $0x0  }
0x3b: {  	[sflag:s16] =	ssyncadd.s32 $0xFFFFE000  }
0x3c: {  	[spmem:s13] =	stream.linear.scatter [tilespmem:s15], [sflag:$0x6], $0x2000, $0x38;
	[tilespmem:$0x1E000] =	vst v63  }
0x3d: {  	_ =	swait.ge [sflag:s16], $0x2000  }
0x3e: {  	[sflag:s16] =	ssyncset.done $0x0  }
0x3f: {  	[sflag:s16] =	ssyncadd.s32 $0xFFFFE000  }
0x40: {  	_ =	swait.ge [sflag:s17], $0x5000  }
0x41: {  	[sflag:s17] =	ssyncset.done $0x0  }
0x42: {  	[sflag:s17] =	ssyncadd.s32 $0xFFFFB000  }
.Ltmp3:
0x43: {  	_ =	swait.ge [sflag:s17], $0x5000;
	(pc) =	sbr.rel @!p0 .LBB2_4-.Ltmp3, $3  }
0x44: {  	[sflag:s17] =	ssyncset.done $0x0  }
0x45: {  	[sflag:s17] =	ssyncadd.s32 $0xFFFFB000  }
0x46: {  	[bflag:$0x0] =	sbarrier.arrive $0xFFFF;
	_ =	sdelay $0x1  }
0x47: {  	[tilespmem:s19], [sflag:$0x1] =	stream.indirect.gather [hbm4b:s1+s18], $0x40, s4, s18, $0xb8;
	[tilespmem:$0x1E000] =	vst v63  }
.Ltmp4:
0x48: {  	_ = 	snop;
	(pc) =	sbr.rel .LBB2_6-.Ltmp4, $4  }
0x49: {  	_ = 	snop  }
0x4a: {  	[tilespmem:s20], [sflag:$0x2] =	stream.indirect.gather [hbm4b:s1+s18], $0x40, s18, s18, $0xb8;
	[tilespmem:$0x1E000] =	vst v63  }
0x4b: {  	s2 =	simm.s32 $0x100  }
0x4c: {  	[tilespmem:s22], [sflag:$0x3] =	stream.indirect.gather [hbm4b:s1+s18], $0x40, s2, s18, $0xb8;
	[tilespmem:$0x1E000] =	vst v63  }
.LBB2_4:
0x4d: {  	v1 =	vld [tilespmem:$0x0]  }
0x4e: {  	v2 =	vld [tilespmem:$0x10]  }
0x4f: {  	v3 =	vld [tilespmem:$0x20]  }
0x50: {  	v4 =	vld [tilespmem:$0x30]  }
0x51: {  	v5 =	vld [tilespmem:$0x40]  }
0x52: {  	v6 =	vld [tilespmem:$0x50];
	v1 =	vadd.s32 $0x1, v1  }
0x53: {  	[tilespmem:$0x0] =	vst v1;
	v1 =	vadd.s32 $0x1, v2;
	v2 =	vld [tilespmem:$0x60]  }
0x54: {  	[tilespmem:$0x10] =	vst v1;
	v1 =	vadd.s32 $0x1, v3;
	v3 =	vld [tilespmem:$0x70]  }
0x55: {  	[tilespmem:$0x20] =	vst v1;
	v1 =	vadd.s32 $0x1, v4  }
0x56: {  	[tilespmem:$0x30] =	vst v1;
	v1 =	vadd.s32 $0x1, v5  }
0x57: {  	[tilespmem:$0x40] =	vst v1;
	v1 =	vadd.s32 $0x1, v6  }
0x58: {  	[tilespmem:$0x50] =	vst v1;
	v1 =	vadd.s32 $0x1, v2  }
0x59: {  	[tilespmem:$0x60] =	vst v1;
	v1 =	vadd.s32 $0x1, v3  }
0x5a: {  	[tilespmem:$0x70] =	vst v1  }
0x5b: {  	[tilespmem:s19], [sflag:$0x1] =	stream.indirect.gather [hbm4b:s1+s18], $0x40, s4, s18, $0xb8;
	[tilespmem:$0x1E000] =	vst v63  }
0x5c: {  	v1 =	vld [tilespmem:$0x80]  }
0x5d: {  	v2 =	vld [tilespmem:$0x90]  }
0x5e: {  	v3 =	vld [tilespmem:$0xA0]  }
0x5f: {  	v55 =	vld [tilespmem:$0xB0]  }
0x60: {  	v56 =	vld [tilespmem:$0xC0]  }
0x61: {  	v57 =	vld [tilespmem:$0xD0];
	v1 =	vadd.s32 $0x1, v1  }
0x62: {  	[tilespmem:$0x80] =	vst v1;
	v1 =	vadd.s32 $0x1, v2;
	v2 =	vld [tilespmem:$0xE0]  }
0x63: {  	[tilespmem:$0x90] =	vst v1;
	v1 =	vadd.s32 $0x1, v3;
	v3 =	vld [tilespmem:$0xF0]  }
0x64: {  	[tilespmem:$0xA0] =	vst v1;
	v1 =	vadd.s32 $0x1, v55  }
0x65: {  	[tilespmem:$0xB0] =	vst v1;
	v1 =	vadd.s32 $0x1, v56  }
0x66: {  	[tilespmem:$0xC0] =	vst v1;
	v1 =	vadd.s32 $0x1, v57  }
0x67: {  	[tilespmem:$0xD0] =	vst v1;
	v1 =	vadd.s32 $0x1, v2  }
0x68: {  	[tilespmem:$0xE0] =	vst v1;
	v1 =	vadd.s32 $0x1, v3  }
0x69: {  	[tilespmem:$0xF0] =	vst v1  }
0x6a: {  	[tilespmem:s20], [sflag:$0x2] =	stream.indirect.gather [hbm4b:s1+s18], $0x40, s18, s18, $0xb8;
	[tilespmem:$0x1E000] =	vst v63  }
0x6b: {  	v1 =	vld [tilespmem:$0x100]  }
0x6c: {  	v2 =	vld [tilespmem:$0x110]  }
0x6d: {  	v3 =	vld [tilespmem:$0x120]  }
0x6e: {  	v58 =	vld [tilespmem:$0x130]  }
0x6f: {  	v59 =	vld [tilespmem:$0x140]  }
0x70: {  	v60 =	vld [tilespmem:$0x150];
	v1 =	vadd.s32 $0x1, v1  }
0x71: {  	[tilespmem:$0x100] =	vst v1;
	v1 =	vadd.s32 $0x1, v2;
	v2 =	vld [tilespmem:$0x160]  }
0x72: {  	[tilespmem:$0x110] =	vst v1;
	v1 =	vadd.s32 $0x1, v3;
	v3 =	vld [tilespmem:$0x170]  }
0x73: {  	[tilespmem:$0x120] =	vst v1;
	v1 =	vadd.s32 $0x1, v58  }
0x74: {  	[tilespmem:$0x130] =	vst v1;
	v1 =	vadd.s32 $0x1, v59  }
0x75: {  	[tilespmem:$0x140] =	vst v1;
	v1 =	vadd.s32 $0x1, v60  }
0x76: {  	[tilespmem:$0x150] =	vst v1;
	v1 =	vadd.s32 $0x1, v2  }
0x77: {  	[tilespmem:$0x160] =	vst v1;
	v1 =	vadd.s32 $0x1, v3  }
0x78: {  	s2 =	simm.s32 $0x100;
	[tilespmem:$0x170] =	vst v1  }
0x79: {  	[tilespmem:s22], [sflag:$0x3] =	stream.indirect.gather [hbm4b:s1+s18], $0x40, s2, s18, $0xb8;
	[tilespmem:$0x1E000] =	vst v63  }
0x7a: {  	v1 =	vld [tilespmem:$0x180]  }
0x7b: {  	v2 =	vld [tilespmem:$0x190]  }
0x7c: {  	v3 =	vld [tilespmem:$0x1A0]  }
0x7d: {  	v61 =	vld [tilespmem:$0x1B0]  }
0x7e: {  	v62 =	vld [tilespmem:$0x1C0]  }
0x7f: {  	v63 =	vld [tilespmem:$0x1D0];
	v1 =	vadd.s32 $0x1, v1  }
0x80: {  	[tilespmem:$0x180] =	vst v1;
	v1 =	vadd.s32 $0x1, v2;
	v2 =	vld [tilespmem:$0x1E0]  }
0x81: {  	[tilespmem:$0x190] =	vst v1;
	v1 =	vadd.s32 $0x1, v3;
	v3 =	vld [tilespmem:$0x1F0]  }
0x82: {  	[tilespmem:$0x1A0] =	vst v1;
	v1 =	vadd.s32 $0x1, v61  }
0x83: {  	[tilespmem:$0x1B0] =	vst v1;
	v1 =	vadd.s32 $0x1, v62  }
0x84: {  	[tilespmem:$0x1C0] =	vst v1;
	v1 =	vadd.s32 $0x1, v63  }
0x85: {  	[tilespmem:$0x1D0] =	vst v1;
	v1 =	vadd.s32 $0x1, v2  }
0x86: {  	[tilespmem:$0x1E0] =	vst v1;
	v1 =	vadd.s32 $0x1, v3  }
0x87: {  	[tilespmem:$0x1F0] =	vst v1  }
.LBB2_6:
0x88: {  	s2 =	simm.s32 $0x180;
	s14 =	simm.s32 $0x0  }
0x89: {  	[tilespmem:s24], [sflag:$0x4] =	stream.indirect.gather [hbm4b:s1+s18], $0x40, s2, s18, $0xb8;
	[tilespmem:$0x1E000] =	vst v63  }
.LBB2_7:
0x8a: {  	_ =	swait.ge [sflag:s25], $0x2000  }
0x8b: {  	s21 =	sshra.s32 s14, $0x2;
	p1 =	seq.s32 s14, $0x13800;
	[sflag:s25] =	ssyncset.done $0x0  }
.Ltmp5:
0x8c: {  	s2 =	sadd.s32 $0x5000, s21;
	[sflag:s25] =	ssyncadd.s32 $0xFFFFE000;
	(pc) =	sbr.rel @!p1 .LBB2_8-.Ltmp5, $4  }
0x8d: {  	[spmem:s3] =	stream.indirect.scatter.add.f32 [tilespmem:s19], [sflag:$0x6], $0x40, s2, s18, $0xb8;
	[tilespmem:$0x1E000] =	vst v63  }
0x8e: {  	_ =	swait.ge [sflag:s16], $0x2000  }
0x8f: {  	[sflag:s16] =	ssyncset.done $0x0  }
0x90: {  	s23 =	sshra.s32 @!p0 s14, $0x2;
	s2 =	sadd.s32 $0x5080, s21;
	[sflag:s16] =	ssyncadd.s32 $0xFFFFE000  }
0x91: {  	_ =	swait.ge [sflag:s26], $0x2000  }
0x92: {  	[sflag:s26] =	ssyncset.done $0x0  }
.Ltmp6:
0x93: {  	[sflag:s26] =	ssyncadd.s32 $0xFFFFE000;
	(pc) =	sbr.rel .LBB2_10-.Ltmp6, $4  }
0x94: {  	[spmem:s3] =	stream.indirect.scatter.add.f32 [tilespmem:s20], [sflag:$0x6], $0x40, s2, s18, $0xb8;
	[tilespmem:$0x1E000] =	vst v63  }
0x95: {  	_ =	swait.ge [sflag:s16], $0x2000  }
0x96: {  	[sflag:s16] =	ssyncset.done $0x0  }
0x97: {  	[sflag:s16] =	ssyncadd.s32 $0xFFFFE000  }
.LBB2_8:
0x98: {  	v1 =	vld @!p0 [tilespmem:s23+$0x200]  }
0x99: {  	v2 =	vld @!p0 [tilespmem:s23+$0x210]  }
0x9a: {  	v3 =	vld @!p0 [tilespmem:s23+$0x220]  }
0x9b: {  	v4 =	vld @!p0 [tilespmem:s23+$0x230]  }
0x9c: {  	v5 =	vld @!p0 [tilespmem:s23+$0x240]  }
0x9d: {  	v6 =	vld @!p0 [tilespmem:s23+$0x250];
	v1 =	vadd.s32 @!p0 $0x1, v1  }
0x9e: {  	[tilespmem:s23+$0x200] =	vst @!p0 v1;
	v1 =	vadd.s32 @!p0 $0x1, v2;
	v2 =	vld @!p0 [tilespmem:s23+$0x260]  }
0x9f: {  	[tilespmem:s23+$0x210] =	vst @!p0 v1;
	v1 =	vadd.s32 @!p0 $0x1, v3;
	v3 =	vld @!p0 [tilespmem:s23+$0x270]  }
0xa0: {  	[tilespmem:s23+$0x220] =	vst @!p0 v1;
	v1 =	vadd.s32 @!p0 $0x1, v4  }
0xa1: {  	[tilespmem:s23+$0x230] =	vst @!p0 v1;
	v1 =	vadd.s32 @!p0 $0x1, v5  }
0xa2: {  	[tilespmem:s23+$0x240] =	vst @!p0 v1;
	v1 =	vadd.s32 @!p0 $0x1, v6  }
0xa3: {  	[tilespmem:s23+$0x250] =	vst @!p0 v1;
	v1 =	vadd.s32 @!p0 $0x1, v2  }
0xa4: {  	[tilespmem:s23+$0x260] =	vst @!p0 v1;
	v1 =	vadd.s32 @!p0 $0x1, v3  }
0xa5: {  	s30 =	sadd.s32 $0x200, s21;
	[tilespmem:s23+$0x270] =	vst @!p0 v1  }
0xa6: {  	[tilespmem:s19], [sflag:$0x1] =	stream.indirect.gather [hbm4b:s1+s18], $0x40, s30, s18, $0xb8;
	[tilespmem:$0x1E000] =	vst v63  }
0xa7: {  	_ =	swait.ge [sflag:s26], $0x2000  }
0xa8: {  	[sflag:s26] =	ssyncset.done $0x0  }
0xa9: {  	[sflag:s26] =	ssyncadd.s32 $0xFFFFE000  }
0xaa: {  	[spmem:s3] =	stream.indirect.scatter.add.f32 [tilespmem:s20], [sflag:$0x6], $0x40, s2, s18, $0xb8;
	[tilespmem:$0x1E000] =	vst v63  }
0xab: {  	_ =	swait.ge [sflag:s16], $0x2000  }
0xac: {  	[sflag:s16] =	ssyncset.done $0x0  }
0xad: {  	[sflag:s16] =	ssyncadd.s32 $0xFFFFE000  }
0xae: {  	v1 =	vld @!p0 [tilespmem:s23+$0x280]  }
0xaf: {  	v2 =	vld @!p0 [tilespmem:s23+$0x290]  }
0xb0: {  	v3 =	vld @!p0 [tilespmem:s23+$0x2A0]  }
0xb1: {  	v4 =	vld @!p0 [tilespmem:s23+$0x2B0]  }
0xb2: {  	v5 =	vld @!p0 [tilespmem:s23+$0x2C0]  }
0xb3: {  	v6 =	vld @!p0 [tilespmem:s23+$0x2D0];
	v1 =	vadd.s32 @!p0 $0x1, v1  }
0xb4: {  	[tilespmem:s23+$0x280] =	vst @!p0 v1;
	v1 =	vadd.s32 @!p0 $0x1, v2;
	v2 =	vld @!p0 [tilespmem:s23+$0x2E0]  }
0xb5: {  	[tilespmem:s23+$0x290] =	vst @!p0 v1;
	v1 =	vadd.s32 @!p0 $0x1, v3;
	v3 =	vld @!p0 [tilespmem:s23+$0x2F0]  }
0xb6: {  	[tilespmem:s23+$0x2A0] =	vst @!p0 v1;
	v1 =	vadd.s32 @!p0 $0x1, v4  }
0xb7: {  	[tilespmem:s23+$0x2B0] =	vst @!p0 v1;
	v1 =	vadd.s32 @!p0 $0x1, v5  }
0xb8: {  	[tilespmem:s23+$0x2C0] =	vst @!p0 v1;
	v1 =	vadd.s32 @!p0 $0x1, v6  }
0xb9: {  	[tilespmem:s23+$0x2D0] =	vst @!p0 v1;
	v1 =	vadd.s32 @!p0 $0x1, v2  }
0xba: {  	[tilespmem:s23+$0x2E0] =	vst @!p0 v1;
	v1 =	vadd.s32 @!p0 $0x1, v3  }
0xbb: {  	s30 =	sadd.s32 $0x280, s21;
	[tilespmem:s23+$0x2F0] =	vst @!p0 v1  }
0xbc: {  	[tilespmem:s20], [sflag:$0x2] =	stream.indirect.gather [hbm4b:s1+s18], $0x40, s30, s18, $0xb8;
	[tilespmem:$0x1E000] =	vst v63  }
.LBB2_10:
0xbd: {  	_ =	swait.ge [sflag:s28], $0x2000  }
0xbe: {  	[sflag:s28] =	ssyncset.done $0x0  }
.Ltmp7:
0xbf: {  	s2 =	sadd.s32 $0x5100, s21;
	[sflag:s28] =	ssyncadd.s32 $0xFFFFE000;
	(pc) =	sbr.rel @p1 .LBB2_12-.Ltmp7, $4  }
0xc0: {  	[spmem:s3] =	stream.indirect.scatter.add.f32 [tilespmem:s22], [sflag:$0x6], $0x40, s2, s18, $0xb8;
	[tilespmem:$0x1E000] =	vst v63  }
0xc1: {  	_ =	swait.ge [sflag:s16], $0x2000  }
0xc2: {  	[sflag:s16] =	ssyncset.done $0x0  }
0xc3: {  	s2 =	sadd.s32 $0x5180, s21;
	[sflag:s16] =	ssyncadd.s32 $0xFFFFE000  }
0xc4: {  	v1 =	vld @!p0 [tilespmem:s23+$0x300]  }
0xc5: {  	v2 =	vld @!p0 [tilespmem:s23+$0x310]  }
0xc6: {  	v3 =	vld @!p0 [tilespmem:s23+$0x320]  }
0xc7: {  	v4 =	vld @!p0 [tilespmem:s23+$0x330]  }
0xc8: {  	v5 =	vld @!p0 [tilespmem:s23+$0x340]  }
0xc9: {  	v6 =	vld @!p0 [tilespmem:s23+$0x350];
	v1 =	vadd.s32 @!p0 $0x1, v1  }
0xca: {  	[tilespmem:s23+$0x300] =	vst @!p0 v1;
	v1 =	vadd.s32 @!p0 $0x1, v2;
	v2 =	vld @!p0 [tilespmem:s23+$0x360]  }
0xcb: {  	[tilespmem:s23+$0x310] =	vst @!p0 v1;
	v1 =	vadd.s32 @!p0 $0x1, v3;
	v3 =	vld @!p0 [tilespmem:s23+$0x370]  }
0xcc: {  	[tilespmem:s23+$0x320] =	vst @!p0 v1;
	v1 =	vadd.s32 @!p0 $0x1, v4  }
0xcd: {  	[tilespmem:s23+$0x330] =	vst @!p0 v1;
	v1 =	vadd.s32 @!p0 $0x1, v5  }
0xce: {  	[tilespmem:s23+$0x340] =	vst @!p0 v1;
	v1 =	vadd.s32 @!p0 $0x1, v6  }
0xcf: {  	[tilespmem:s23+$0x350] =	vst @!p0 v1;
	v1 =	vadd.s32 @!p0 $0x1, v2  }
0xd0: {  	[tilespmem:s23+$0x360] =	vst @!p0 v1;
	v1 =	vadd.s32 @!p0 $0x1, v3  }
0xd1: {  	s30 =	sadd.s32 $0x300, s21;
	[tilespmem:s23+$0x370] =	vst @!p0 v1  }
0xd2: {  	[tilespmem:s22], [sflag:$0x3] =	stream.indirect.gather [hbm4b:s1+s18], $0x40, s30, s18, $0xb8;
	[tilespmem:$0x1E000] =	vst v63  }
0xd3: {  	_ =	swait.ge [sflag:s29], $0x2000  }
0xd4: {  	[sflag:s29] =	ssyncset.done $0x0  }
0xd5: {  	[sflag:s29] =	ssyncadd.s32 $0xFFFFE000  }
0xd6: {  	[spmem:s3] =	stream.indirect.scatter.add.f32 [tilespmem:s24], [sflag:$0x6], $0x40, s2, s18, $0xb8;
	[tilespmem:$0x1E000] =	vst v63  }
0xd7: {  	_ =	swait.ge [sflag:s16], $0x2000  }
0xd8: {  	[sflag:s16] =	ssyncset.done $0x0  }
0xd9: {  	[sflag:s16] =	ssyncadd.s32 $0xFFFFE000  }
0xda: {  	v1 =	vld @!p0 [tilespmem:s23+$0x380]  }
0xdb: {  	v2 =	vld @!p0 [tilespmem:s23+$0x390]  }
0xdc: {  	v3 =	vld @!p0 [tilespmem:s23+$0x3A0]  }
0xdd: {  	v4 =	vld @!p0 [tilespmem:s23+$0x3B0]  }
0xde: {  	v5 =	vld @!p0 [tilespmem:s23+$0x3C0]  }
0xdf: {  	v6 =	vld @!p0 [tilespmem:s23+$0x3D0];
	v1 =	vadd.s32 @!p0 $0x1, v1  }
0xe0: {  	[tilespmem:s23+$0x380] =	vst @!p0 v1;
	v1 =	vadd.s32 @!p0 $0x1, v2;
	v2 =	vld @!p0 [tilespmem:s23+$0x3E0]  }
0xe1: {  	[tilespmem:s23+$0x390] =	vst @!p0 v1;
	v1 =	vadd.s32 @!p0 $0x1, v3;
	v3 =	vld @!p0 [tilespmem:s23+$0x3F0]  }
0xe2: {  	[tilespmem:s23+$0x3A0] =	vst @!p0 v1;
	v1 =	vadd.s32 @!p0 $0x1, v4  }
0xe3: {  	[tilespmem:s23+$0x3B0] =	vst @!p0 v1;
	v1 =	vadd.s32 @!p0 $0x1, v5  }
.Ltmp8:
0xe4: {  	[tilespmem:s23+$0x3C0] =	vst @!p0 v1;
	v1 =	vadd.s32 @!p0 $0x1, v6;
	(pc) =	sbr.rel .LBB2_7-.Ltmp8, $4  }
0xe5: {  	[tilespmem:s23+$0x3D0] =	vst @!p0 v1;
	v1 =	vadd.s32 @!p0 $0x1, v2  }
0xe6: {  	[tilespmem:s23+$0x3E0] =	vst @!p0 v1;
	v1 =	vadd.s32 @!p0 $0x1, v3  }
0xe7: {  	s14 =	sadd.s32 $0x800, s14;
	s30 =	sadd.s32 $0x380, s21;
	[tilespmem:s23+$0x3F0] =	vst @!p0 v1  }
0xe8: {  	[tilespmem:s24], [sflag:$0x4] =	stream.indirect.gather [hbm4b:s1+s18], $0x40, s30, s18, $0xb8;
	[tilespmem:$0x1E000] =	vst v63  }
.LBB2_13:
0xe9: {  	_ =	sfence.sel $0x180000  }
0xea: {  	[bflag:$0x0] =	sbarrier.arrive $0xFFFF  }
0xeb: {  	_ =	strace $0x90000047  }
0xec: {  	s0 =	stileid.u32;
	[bflag:$0x2] =	sbarrier.arrive $0xFFFF  }
0xed: {  	p0 =	sne.s32 s0, $0x0;
	s0 =	rddreg [dreg:$0x4]  }
0xee: {  	s0 =	sadd.s32 @!p0 $0x100000, s0  }
0xef: {  	[sflag:s0] =	ssyncadd.tile.s32 @!p0 $0x1;
	_ =	shalt  }
.Lfunc_end2:
_tile_overlayer_lowered:
.L_overlay_start_2:
0xf0: {  	(tag) =	ssettag $0x2  }
0xf1: {  	s0 =	rddreg [dreg:$0x0];
	s2 =	stileid.u32  }
0xf2: {  	s1 =	rddreg [dreg:$0x1];
	p0 =	sne.s32 s2, $0x0  }
0xf3: {  	s3 =	rddreg [dreg:$0x2];
	[bflag:$0x3] =	sbarrier.arrive $0xFFFF;
	s2 =	simm.s32 @!p0 $0x1C06  }
0xf4: {  	[timem:s3], [sflag:s2] =	dma.local @!p0 [hbm:s0], s1  }
0xf5: {  	s0 =	simm.s32 @!p0 $0x6  }
0xf6: {  	_ =	swait.ge @!p0 [sflag:s0], s1  }
0xf7: {  	s1 =	ssub.s32 @!p0 $0x0, s1;
	[sflag:s0] =	ssyncset.done @!p0 $0x0  }
0xf8: {  	[sflag:s0] =	ssyncadd.s32 @!p0 s1  }
0xf9: {  	[bflag:$0x3] =	sbarrier.arrive $0xFFFF  }
0xfa: {  	_ =	shalt  }

// kernel: kernel.9.cloned.1.call-start
scs
__scs_entry_jumppad:
0x0: {  	(pc) =	sbr.rel $0x88, $3  }
0x1: {  	(tag) =	ssettag $0x0;
	lr =	simm.s32 $0x1  }
0x2: {  	[smem:$0x3F9A] =	sst lr;
	_ =	strace $0xD0000000  }
0x3: {  	_ = 	snop  }
0x4: {  	_ = 	snop  }
0x5: {  	_ = 	snop  }
0x6: {  	_ = 	snop  }
0x7: {  	_ = 	snop  }
__scs_overlays_trampoline_lowered:
0x8: {  	[smem:$0x3FA9] =	sst s0  }
0x9: {  	[smem:$0x3FAA] =	sst s1  }
0xa: {  	[smem:$0x3FAB] =	sst s2  }
0xb: {  	[smem:$0x3FAC] =	sst s3  }
0xc: {  	[smem:$0x3FAD] =	sst s4  }
0xd: {  	[smem:$0x3FAE] =	sst s5  }
0xe: {  	[smem:$0x3FAF] =	sst s6  }
0xf: {  	[smem:$0x3FB0] =	sst s7  }
0x10: {  	[smem:$0x3FB1] =	sst s8  }
0x11: {  	[smem:$0x3FB2] =	sst s9;
	s0 =	simm.s32 @!p0 $0x0  }
0x12: {  	s1 =	sld [smem:$0x3F98];
	s0 =	simm.s32 @p0 $0x1  }
0x13: {  	[smem:$0x3FB3] =	sst s0;
	s0 =	simm.s32 @!p1 $0x0  }
0x14: {  	s2 =	sld [smem:$0x3F97];
	s0 =	simm.s32 @p1 $0x1  }
0x15: {  	[smem:$0x3FB4] =	sst s0;
	s0 =	simm.s32 @!p2 $0x0  }
0x16: {  	s3 =	sld [smem:$0x3FDB];
	s0 =	simm.s32 @p2 $0x1  }
0x17: {  	s4 =	simm.s32 $0x1BF5;
	[smem:$0x3FB6] =	sst s0  }
0x18: {  	s0 =	sld [smem:$0x3F99];
	_ =	swait.ge [sflag:s4], $0x0  }
0x19: {  	s7 =	sld [smem:$0x3F9A]  }
0x1a: {  	s8 =	sadd.s32 $0xFFFFE003, lr  }
0x1b: {  	s9 =	sadd.s32 $0xFFFFFEF7, lr;
	s5 =	simm.s32 $0xFFFFFFFF;
	p2 =	slt.u32 s8, $0xFFFFF086  }
0x1c: {  	p1 =	slt.u32 s9, $0xF7A;
	s5 =	simm.s32 @!p2 $0x0  }
0x1d: {  	s5 =	simm.s32 @p1 $0x1;
	p0 =	seq.s32 s7, s2  }
0x1e: {  	s7 =	smul.u32 @!p0 $0xF7A, s2;
	p2 =	seq.s32 @!p0 s5, $0x0  }
0x1f: {  	s9 =	smul.u32 $0xF7A, s1;
	s8 =	simm.s32 @!p0 $0x1BF5;
	p2 =	por !p2, p0  }
0x20: {  	[sflag:s8] =	ssyncset.s32 @!p0 $0xFFFFF086;
	s6 =	sadd.s32 @!p0 s3, s7;
	s7 =	simm.s32 @!p0 $0x108  }
0x21: {  	s3 =	sadd.s32 s3, s9;
	s6 =	sadd.s32 @!p0 $0x88, s6;
	s7 =	simm.s32 @p2 $0x1082  }
0x22: {  	[simem:s7], [sflag:s8] =	dma.local @!p0 [hbm:s6], $0xF7A  }
0x23: {  	s9 =	sor.u32 $0xD0000000, s2;
	s6 =	simm.s32 $0x108;
	_ =	swait.ge @!p0 [sflag:s8], $0x0  }
0x24: {  	s3 =	sadd.s32 $0x88, s3;
	s6 =	simm.s32 @!p1 $0x1082;
	[sflag:s4] =	ssyncset.s32 $0xFFFFF086  }
0x25: {  	[simem:s6], [sflag:s4] =	dma.local [hbm:s3], $0xF7A  }
0x26: {  	[smem:$0x3F9A] =	sst s1;
	(tag) =	ssettag s2;
	_ =	strace s9  }
0x27: {  	s1 =	sld [smem:$0x3FAA]  }
0x28: {  	s2 =	sld [smem:$0x3FAB]  }
0x29: {  	s4 =	sld [smem:$0x3FAD]  }
0x2a: {  	p0 =	seq.s32 s5, $0x0;
	s5 =	sld [smem:$0x3FAE]  }
0x2b: {  	s6 =	sld [smem:$0x3FAF]  }
0x2c: {  	s7 =	sld [smem:$0x3FB0]  }
0x2d: {  	s3 =	simm.s32 $0x108;
	s8 =	sld [smem:$0x3FB1]  }
0x2e: {  	s3 =	simm.s32 @!p0 $0x1082;
	s9 =	sld [smem:$0x3FB2]  }
0x2f: {  	lr =	sadd.s32 s0, s3;
	s0 =	sld [smem:$0x3FA9]  }
0x30: {  	s3 =	sld [smem:$0x3FAC]  }
0x31: {  	[smem:$0x3FB5] =	sst s10  }
0x32: {  	s10 =	sld [smem:$0x3FB3];
	_ =	sdelay $0x3  }
0x33: {  	p0 =	seq.s32 s10, $0x1;
	s10 =	sld [smem:$0x3FB5];
	_ =	sdelay $0x3  }
0x34: {  	[smem:$0x3FB5] =	sst s10  }
0x35: {  	s10 =	sld [smem:$0x3FB4];
	_ =	sdelay $0x3  }
0x36: {  	p1 =	seq.s32 s10, $0x1;
	s10 =	sld [smem:$0x3FB5];
	_ =	sdelay $0x3  }
0x37: {  	[smem:$0x3FB5] =	sst s10  }
0x38: {  	s10 =	sld [smem:$0x3FB6]  }
0x39: {  	_ = 	snop;
	(pc) =	sbr.ind lr, $3  }
0x3a: {  	_ = 	snop  }
0x3b: {  	_ = 	snop  }
0x3c: {  	p2 =	seq.s32 s10, $0x1;
	s10 =	sld [smem:$0x3FB5]  }
0x3d: {  	_ =	shalt  }
0x3e: {  	_ =	shalt  }
0x3f: {  	_ =	shalt  }
0x40: {  	_ =	shalt  }
0x41: {  	_ =	shalt  }
0x42: {  	_ =	shalt  }
0x43: {  	_ =	shalt  }
0x44: {  	_ =	shalt  }
0x45: {  	_ =	shalt  }
0x46: {  	_ =	shalt  }
0x47: {  	_ =	shalt  }
0x48: {  	_ =	shalt  }
0x49: {  	_ =	shalt  }
0x4a: {  	_ =	shalt  }
0x4b: {  	_ =	shalt  }
0x4c: {  	_ =	shalt  }
0x4d: {  	_ =	shalt  }
0x4e: {  	_ =	shalt  }
0x4f: {  	_ =	shalt  }
0x50: {  	_ =	shalt  }
0x51: {  	_ =	shalt  }
0x52: {  	_ =	shalt  }
0x53: {  	_ =	shalt  }
0x54: {  	_ =	shalt  }
0x55: {  	_ =	shalt  }
0x56: {  	_ =	shalt  }
0x57: {  	_ =	shalt  }
0x58: {  	_ =	shalt  }
0x59: {  	_ =	shalt  }
0x5a: {  	_ =	shalt  }
0x5b: {  	_ =	shalt  }
0x5c: {  	_ =	shalt  }
0x5d: {  	_ =	shalt  }
0x5e: {  	_ =	shalt  }
0x5f: {  	_ =	shalt  }
0x60: {  	_ =	shalt  }
0x61: {  	_ =	shalt  }
0x62: {  	_ =	shalt  }
0x63: {  	_ =	shalt  }
0x64: {  	_ =	shalt  }
0x65: {  	_ =	shalt  }
0x66: {  	_ =	shalt  }
0x67: {  	_ =	shalt  }
0x68: {  	_ =	shalt  }
0x69: {  	_ =	shalt  }
0x6a: {  	_ =	shalt  }
0x6b: {  	_ =	shalt  }
0x6c: {  	_ =	shalt  }
0x6d: {  	_ =	shalt  }
0x6e: {  	_ =	shalt  }
0x6f: {  	_ =	shalt  }
0x70: {  	_ =	shalt  }
0x71: {  	_ =	shalt  }
0x72: {  	_ =	shalt  }
0x73: {  	_ =	shalt  }
0x74: {  	_ =	shalt  }
0x75: {  	_ =	shalt  }
0x76: {  	_ =	shalt  }
0x77: {  	_ =	shalt  }
0x78: {  	_ =	shalt  }
0x79: {  	_ =	shalt  }
0x7a: {  	_ =	shalt  }
0x7b: {  	_ =	shalt  }
0x7c: {  	_ =	shalt  }
0x7d: {  	_ =	shalt  }
0x7e: {  	_ =	shalt  }
0x7f: {  	_ =	shalt  }
0x80: {  	_ =	shalt  }
0x81: {  	_ =	shalt  }
0x82: {  	_ =	shalt  }
0x83: {  	_ =	shalt  }
0x84: {  	_ =	shalt  }
0x85: {  	_ =	shalt  }
0x86: {  	_ =	shalt  }
0x87: {  	_ =	shalt  }
.Lfunc_end0:
.L_simem_size_0:
called_computation.1_lowered:
.L_overlay_start_0:
0x88: {  	s2 =	sld [smem:$0x3FD9]  }
0x89: {  	s3 =	sld [smem:$0x3FFE];
	_ =	sdelay $0x1  }
0x8a: {  	s1 =	srdreg.scid  }
0x8b: {  	s0 =	sand.u32 $0x1, s1  }
0x8c: {  	s17 =	sshll.u32 s0, $0xA;
	s2 =	sadd.s32 s3, s2  }
0x8d: {  	s2 =	sadd.s32 s2, s17  }
0x8e: {  	[smem:$0x3FC1] =	sst s2  }
0x8f: {  	_ = 	snop  }
0x90: {  	s2 =	sld [smem:$0x3FD0];
	(tm) =	ssettm $0x1  }
0x91: {  	s18 =	sld [smem:$0x3FFB];
	_ =	sdelay $0x3  }
0x92: {  	_ =	strace s18  }
0x93: {  	s3 =	sld [smem:$0x3FFC];
	_ =	sdelay $0x3  }
0x94: {  	_ =	strace s3  }
0x95: {  	s3 =	sld [smem:$0x3FFD];
	_ =	sdelay $0x3  }
0x96: {  	_ =	strace s3  }
0x97: {  	_ =	strace $0x8FFFFFFF  }
0x98: {  	s19 =	sld [smem:$0x3FDB];
	_ =	sdelay $0x1  }
0x99: {  	s4 =	simm.s32 $_scs_section_size  }
0x9a: {  	s5 =	simm.s32 $_size__tile_overlayer_lowered;
	s6 =	simm.s32 $_tile_overlayer_lowered  }
0x9b: {  	s22 =	simm.s32 $0x1BFF;
	s21 =	sshll.u32 s6, $0x1;
	s3 =	sadd.s32 s4, s19  }
0x9c: {  	s7 =	simm.s32 $0x0;
	s20 =	sshll.u32 s5, $0x1;
	s5 =	sadd.s32 s21, s3  }
0x9d: {  	[timem:s7], [sflag:s22] =	dma.local [hbm:s5], s20  }
0x9e: {  	_ =	swait.ge [sflag:s22], s20  }
0x9f: {  	s4 =	ssub.s32 $0x0, s20;
	[sflag:s22] =	ssyncset.done $0x0  }
0xa0: {  	[sflag:s22] =	ssyncadd.s32 s4;
	_ =	sdelay $0x1  }
0xa1: {  	s23 =	simm.s32 $0x1B8B  }
0xa2: {  	_ =	swait.ge [sflag:s23], $0x1  }
0xa3: {  	[sflag:s23] =	ssyncset.done $0x0  }
0xa4: {  	s25 =	simm.s32 $0x1B8E;
	s24 =	sld [smem:$0x3FFE];
	[sflag:s23] =	ssyncadd.s32 $0xFFFFFFFF  }
0xa5: {  	s26 =	simm.s32 $execute0_lowered;
	[smem:$0x3FD2] =	sst s25  }
0xa6: {  	s5 =	sshll.u32 s26, $0x1;
	_ =	strace $0x80000049;
	[dreg:$0x1] =	wrdreg $0xFFFFFFFF  }
0xa7: {  	s28 =	simm.s32 $_size_execute0_lowered;
	s3 =	sadd.s32 s3, s5;
	[dreg:$0x0] =	wrdreg $0x0  }
0xa8: {  	s5 =	sshll.u32 s28, $0x1;
	[dreg:$0x2] =	wrdreg s3  }
0xa9: {  	[dreg:$0x3] =	wrdreg s5  }
0xaa: {  	[dreg:$0x4] =	wrdreg $0xC0  }
0xab: {  	_ =	task [dreg:s7], $0x5FFFF  }
0xac: {  	[dreg:$0x1] =	wrdreg $0xFFFFFFFF  }
0xad: {  	[dreg:$0x0] =	wrdreg $0x60  }
0xae: {  	[dreg:$0x2] =	wrdreg s24  }
0xaf: {  	[dreg:$0x3] =	wrdreg s2  }
0xb0: {  	[dreg:$0x4] =	wrdreg $0xF0000  }
0xb1: {  	[dreg:$0x5] =	wrdreg $0x9  }
0xb2: {  	_ =	task.clear_ibuf [dreg:s7], $0x6FFFF;
	_ =	strace $0x90000049  }
0xb3: {  	s29 =	simm.s32 $0x9;
	_ =	strace $0x8000004B  }
0xb4: {  	_ =	swait.ge [sflag:s29], $0x1  }
0xb5: {  	[sflag:s29] =	ssyncadd.s32 $0xFFFFFFFF  }
0xb6: {  	_ =	strace $0x9000004B  }
0xb7: {  	_ =	sfence  }
0xb8: {  	s30 =	sld [smem:$0x0];
	_ =	sdelay $0x2  }
0xb9: {  	s31 =	sshll.u32 s1, $0xD;
	s1 =	sshrl.u32 s1, $0x2  }
0xba: {  	s3 =	sand.u32 $0x4000, s31;
	s1 =	sadd.s32 s1, s30  }
0xbb: {  	s0 =	sor.u32 s3, s0;
	s1 =	sshll.u32 s1, $0x11  }
0xbc: {  	s0 =	sor.u32 s1, s0  }
0xbd: {  	s0 =	sadd.s32 $0x8F2B, s0  }
0xbe: {  	[sflag:s0] =	ssyncadd.remote.s32 $0x1  }
0xbf: {  	_ =	sfence.sel $0xFFFF  }
0xc0: {  	[dreg:$0x0] =	wrdreg $0xFFFFFFFF;
	(pc) =	sbr.abs _section_cstart, $3  }
0xc1: {  	[dreg:$0x1] =	wrdreg $0xFFFFFFFF  }
0xc2: {  	_ =	task.clear_ibuf [dreg:s7], $0x2FFFF;
	_ =	strace $0x9FFFFFFF  }
0xc3: {  	(tm) =	ssettm $0x7FFFFFFF  }
tec
execute0_lowered:
.L_overlay_start_1:
0x0: {  	(tag) =	ssettag $0x1  }
0x1: {  	s0 =	srdreg.scid;
	s1 =	rddreg [dreg:$0x0]  }
0x2: {  	s10 =	stileid.u32;
	s6 =	rddreg [dreg:$0x1];
	s5 =	simm.s32 $0x1  }
0x3: {  	s8 =	simm.s32 $0x2800;
	s16 =	simm.s32 $0xD000;
	s17 =	simm.s32 $0x6  }
0x4: {  	s18 =	simm.s32 $0x5;
	s19 =	simm.s32 $0x80;
	s20 =	simm.s32 $0x5000  }
0x5: {  	s21 =	simm.s32 $0x7000;
	s23 =	simm.s32 $0x9000;
	s25 =	simm.s32 $0xB000  }
0x6: {  	s28 =	simm.s32 $0x3;
	s29 =	simm.s32 $0x4;
	s0 =	sand.u32 $0x1, s0  }
0x7: {  	s22 =	simm.s32 $0x8;
	s24 =	simm.s32 $0x0;
	s2 =	sshll.u32 s0, $0x4  }
0x8: {  	s3 =	sand.u32 $0x1, s10;
	s9 =	smul.u32 $0x14000, s10;
	s4 =	sor.u32 s10, s2  }
0x9: {  	p0 =	seq.s32 s3, $0x1;
	s3 =	simm.s32 $0x0;
	p1 =	seq.s32 s4, $0x0  }
0xa: {  	s26 =	sshll.u32 s0, $0x6;
	s2 =	rddreg [dreg:$0x2];
	p1 =	por !p1, !p0  }
0xb: {  	s0 =	ssub.s32 $0x2, s0;
	[smem:$0x7FF] =	sst s3;
	p1 =	por !p1, !p1  }
0xc: {  	s8 =	simm.s32 @!p0 $0x0;
	s4 =	sshrl.u32 s4, $0x1;
	s5 =	simm.s32 @!p1 $0x0  }
0xd: {  	s30 =	sshrl.u32 s0, $0x1;
	s10 =	smul.u32 $0x28000, s10;
	s5 =	ssub.s32 s4, s5  }
0xe: {  	_ =	strace $0x8000004A;
	s0 =	ssub.s32 s0, s30;
	s7 =	smul.u32 $0x5000, s5  }
0xf: {  	s31 =	sshrl.u32 s10, $0x2;
	s4 =	sadd.s32 $0xB200, s1;
	s5 =	simm.s32 $0x1  }
0x10: {  	s7 =	sadd.s32 s8, s7;
	s8 =	sor.u32 s26, s9;
	s9 =	sadd.s32 s31, s2  }
0x11: {  	s26 =	simm.s32 $0x2;
	s7 =	sshrl.u32 s7, $0x3;
	s8 =	sshrl.u32 s8, $0x3  }
0x12: {  	s12 =	sadd.s32 $0x2000, s9;
	s13 =	sadd.s32 $0x4000, s9;
	s14 =	sadd.s32 $0x6000, s9  }
0x13: {  	s15 =	sadd.s32 $0x8000, s9;
	s11 =	sadd.s32 s7, s1;
	s1 =	sadd.s32 s8, s1  }
0x14: {  	s7 =	sadd.s32 s6, s7;
	s6 =	simm.s32 $0x4F80;
	s8 =	sadd.s32 $0x1200, s11  }
0x15: {  	v0 =	vimm.f32 $0.0e+00;
	s10 =	sadd.s32 $0x32400, s1;
	s11 =	smax.u32 s0, $0x1;
	s0 =	simm.s32 $0x10  }
.LBB2_1:
0x16: {  	[tilespmem:s3], [sflag:$0x5] =	stream.linear.gather [hbm4b:s7+s3], $0x2800, $0x38;
	[tilespmem:$0x19000] =	vst v63  }
0x17: {  	s1 =	simm.s32 $0x2800;
	s31 =	simm.s32 $0x100;
	s30 =	simm.s32 $0x0  }
0x18: {  	[tilespmem:s1], [sflag:$0x5] =	stream.linear.gather [hbm4b:s8+s3], $0x2800, $0x38;
	[tilespmem:$0x19000] =	vst v63  }
.LBB2_2:
0x19: {  	p0 =	sne.s32 s31, $0x7F00;
	[tilespmem:s30+$0xD030] =	vst v0;
	s1 =	smov.u32 s31;
	s31 =	sadd.s32 $0x100, s31  }
.Ltmp0:
0x1a: {  	[tilespmem:s30+$0xD020] =	vst v0;
	(pc) =	sbr.rel @p0 .LBB2_2-.Ltmp0, $3  }
0x1b: {  	[tilespmem:s30+$0xD000] =	vst v0  }
0x1c: {  	[tilespmem:s30+$0xD010] =	vst v0;
	_ =	sdelay $0x1  }
0x1d: {  	s30 =	sshra.s32 s1, $0x2  }
0x1e: {  	[tilespmem:s30+$0xD030] =	vst v0  }
0x1f: {  	[tilespmem:s30+$0xD020] =	vst v0  }
0x20: {  	[tilespmem:s30+$0xD000] =	vst v0  }
0x21: {  	[tilespmem:s30+$0xD010] =	vst v0  }
0x22: {  	[spmem:s9] =	stream.linear.scatter [tilespmem:s16], [sflag:$0x6], $0x2000, $0x38;
	[tilespmem:$0x19000] =	vst v63  }
0x23: {  	_ =	swait.ge [sflag:s17], $0x2000  }
0x24: {  	[sflag:s17] =	ssyncset.done $0x0  }
0x25: {  	[sflag:s17] =	ssyncadd.s32 $0xFFFFE000  }
0x26: {  	[spmem:s12] =	stream.linear.scatter [tilespmem:s16], [sflag:$0x6], $0x2000, $0x38;
	[tilespmem:$0x19000] =	vst v63  }
0x27: {  	_ =	swait.ge [sflag:s17], $0x2000  }
0x28: {  	[sflag:s17] =	ssyncset.done $0x0  }
0x29: {  	[sflag:s17] =	ssyncadd.s32 $0xFFFFE000  }
0x2a: {  	[spmem:s13] =	stream.linear.scatter [tilespmem:s16], [sflag:$0x6], $0x2000, $0x38;
	[tilespmem:$0x19000] =	vst v63  }
0x2b: {  	_ =	swait.ge [sflag:s17], $0x2000  }
0x2c: {  	[sflag:s17] =	ssyncset.done $0x0  }
0x2d: {  	[sflag:s17] =	ssyncadd.s32 $0xFFFFE000  }
0x2e: {  	[spmem:s14] =	stream.linear.scatter [tilespmem:s16], [sflag:$0x6], $0x2000, $0x38;
	[tilespmem:$0x19000] =	vst v63  }
0x2f: {  	_ =	swait.ge [sflag:s17], $0x2000  }
0x30: {  	[sflag:s17] =	ssyncset.done $0x0  }
0x31: {  	[sflag:s17] =	ssyncadd.s32 $0xFFFFE000  }
0x32: {  	[spmem:s15] =	stream.linear.scatter [tilespmem:s16], [sflag:$0x6], $0x2000, $0x38;
	[tilespmem:$0x19000] =	vst v63  }
0x33: {  	_ =	swait.ge [sflag:s17], $0x2000  }
0x34: {  	[sflag:s17] =	ssyncset.done $0x0  }
0x35: {  	[sflag:s17] =	ssyncadd.s32 $0xFFFFE000  }
0x36: {  	_ =	swait.ge [sflag:s18], $0x2800  }
0x37: {  	[sflag:s18] =	ssyncset.done $0x0  }
0x38: {  	[sflag:s18] =	ssyncadd.s32 $0xFFFFD800  }
0x39: {  	_ =	swait.ge [sflag:s18], $0x2800  }
0x3a: {  	[sflag:s18] =	ssyncset.done $0x0  }
0x3b: {  	[sflag:s18] =	ssyncadd.s32 $0xFFFFD800  }
0x3c: {  	s1 =	simm.s32 $0x0;
	[bflag:$0x0] =	sbarrier.arrive $0xFFFF  }
0x3d: {  	[tilespmem:s20], [sflag:$0x1] =	stream.indirect.gather [hbm4b:s4+s19], $0x40, s1, s19, $0xb8;
	[tilespmem:$0x19000] =	vst v63  }
0x3e: {  	_ = 	snop  }
0x3f: {  	[tilespmem:s21], [sflag:$0x2] =	stream.indirect.gather [hbm4b:s4+s19], $0x40, s19, s19, $0xb8;
	[tilespmem:$0x19000] =	vst v63  }
0x40: {  	s1 =	simm.s32 $0x100  }
0x41: {  	[tilespmem:s23], [sflag:$0x3] =	stream.indirect.gather [hbm4b:s4+s19], $0x40, s1, s19, $0xb8;
	[tilespmem:$0x19000] =	vst v63  }
0x42: {  	s1 =	simm.s32 $0x180  }
0x43: {  	[tilespmem:s25], [sflag:$0x4] =	stream.indirect.gather [hbm4b:s4+s19], $0x40, s1, s19, $0xb8;
	[tilespmem:$0x19000] =	vst v63  }
0x44: {  	_ =	swait.ge [sflag:s5], $0x2000  }
0x45: {  	[sflag:s5] =	ssyncset.done $0x0  }
0x46: {  	s1 =	simm.s32 $0x2800;
	[sflag:s5] =	ssyncadd.s32 $0xFFFFE000  }
0x47: {  	[spmem:s2] =	stream.indirect.scatter.add.f32 [tilespmem:s20], [sflag:$0x6], $0x40, s1, s19, $0xb8;
	[tilespmem:$0x19000] =	vst v63  }
0x48: {  	_ =	swait.ge [sflag:s17], $0x2000  }
0x49: {  	[sflag:s17] =	ssyncset.done $0x0  }
0x4a: {  	s1 =	simm.s32 $0x200;
	[sflag:s17] =	ssyncadd.s32 $0xFFFFE000  }
0x4b: {  	[tilespmem:s20], [sflag:$0x1] =	stream.indirect.gather [hbm4b:s4+s19], $0x40, s1, s19, $0xb8;
	[tilespmem:$0x19000] =	vst v63  }
0x4c: {  	_ =	swait.ge [sflag:s26], $0x2000  }
0x4d: {  	[sflag:s26] =	ssyncset.done $0x0  }
0x4e: {  	s1 =	simm.s32 $0x2880;
	[sflag:s26] =	ssyncadd.s32 $0xFFFFE000  }
0x4f: {  	[spmem:s2] =	stream.indirect.scatter.add.f32 [tilespmem:s21], [sflag:$0x6], $0x40, s1, s19, $0xb8;
	[tilespmem:$0x19000] =	vst v63  }
0x50: {  	_ =	swait.ge [sflag:s17], $0x2000  }
0x51: {  	[sflag:s17] =	ssyncset.done $0x0  }
0x52: {  	s1 =	simm.s32 $0x280;
	[sflag:s17] =	ssyncadd.s32 $0xFFFFE000  }
0x53: {  	[tilespmem:s21], [sflag:$0x2] =	stream.indirect.gather [hbm4b:s4+s19], $0x40, s1, s19, $0xb8;
	[tilespmem:$0x19000] =	vst v63  }
0x54: {  	_ =	swait.ge [sflag:s28], $0x2000  }
0x55: {  	[sflag:s28] =	ssyncset.done $0x0  }
0x56: {  	s1 =	simm.s32 $0x2900;
	[sflag:s28] =	ssyncadd.s32 $0xFFFFE000  }
0x57: {  	[spmem:s2] =	stream.indirect.scatter.add.f32 [tilespmem:s23], [sflag:$0x6], $0x40, s1, s19, $0xb8;
	[tilespmem:$0x19000] =	vst v63  }
0x58: {  	_ =	swait.ge [sflag:s17], $0x2000  }
0x59: {  	[sflag:s17] =	ssyncset.done $0x0  }
0x5a: {  	s1 =	simm.s32 $0x300;
	[sflag:s17] =	ssyncadd.s32 $0xFFFFE000  }
0x5b: {  	[tilespmem:s23], [sflag:$0x3] =	stream.indirect.gather [hbm4b:s4+s19], $0x40, s1, s19, $0xb8;
	[tilespmem:$0x19000] =	vst v63  }
0x5c: {  	_ =	swait.ge [sflag:s29], $0x2000  }
0x5d: {  	[sflag:s29] =	ssyncset.done $0x0  }
0x5e: {  	s1 =	simm.s32 $0x2980;
	[sflag:s29] =	ssyncadd.s32 $0xFFFFE000  }
0x5f: {  	[spmem:s2] =	stream.indirect.scatter.add.f32 [tilespmem:s25], [sflag:$0x6], $0x40, s1, s19, $0xb8;
	[tilespmem:$0x19000] =	vst v63  }
0x60: {  	_ =	swait.ge [sflag:s17], $0x2000  }
0x61: {  	[sflag:s17] =	ssyncset.done $0x0  }
0x62: {  	s30 =	simm.s32 $0x800;
	s31 =	simm.s32 $0x380;
	[sflag:s17] =	ssyncadd.s32 $0xFFFFE000  }
.LBB2_4:
0x63: {  	[tilespmem:s25], [sflag:$0x4] =	stream.indirect.gather [hbm4b:s4+s19], $0x40, s31, s19, $0xb8;
	[tilespmem:$0x19000] =	vst v63  }
0x64: {  	s1 =	smov.u32 s30  }
0x65: {  	p0 =	sne.s32 s30, $0x9000;
	s30 =	sadd.s32 $0x800, s30;
	_ =	swait.ge [sflag:s5], $0x2000  }
0x66: {  	s31 =	sshra.s32 s1, $0x2;
	[sflag:s5] =	ssyncset.done $0x0  }
0x67: {  	s1 =	sadd.s32 $0x2800, s31;
	[sflag:s5] =	ssyncadd.s32 $0xFFFFE000  }
0x68: {  	[spmem:s2] =	stream.indirect.scatter.add.f32 [tilespmem:s20], [sflag:$0x6], $0x40, s1, s19, $0xb8;
	[tilespmem:$0x19000] =	vst v63  }
0x69: {  	_ =	swait.ge [sflag:s17], $0x2000  }
0x6a: {  	[sflag:s17] =	ssyncset.done $0x0  }
0x6b: {  	s1 =	sadd.s32 $0x200, s31;
	[sflag:s17] =	ssyncadd.s32 $0xFFFFE000  }
0x6c: {  	[tilespmem:s20], [sflag:$0x1] =	stream.indirect.gather [hbm4b:s4+s19], $0x40, s1, s19, $0xb8;
	[tilespmem:$0x19000] =	vst v63  }
0x6d: {  	_ =	swait.ge [sflag:s26], $0x2000  }
0x6e: {  	[sflag:s26] =	ssyncset.done $0x0  }
0x6f: {  	s1 =	sadd.s32 $0x2880, s31;
	[sflag:s26] =	ssyncadd.s32 $0xFFFFE000  }
0x70: {  	[spmem:s2] =	stream.indirect.scatter.add.f32 [tilespmem:s21], [sflag:$0x6], $0x40, s1, s19, $0xb8;
	[tilespmem:$0x19000] =	vst v63  }
0x71: {  	_ =	swait.ge [sflag:s17], $0x2000  }
0x72: {  	[sflag:s17] =	ssyncset.done $0x0  }
0x73: {  	s1 =	sadd.s32 $0x280, s31;
	[sflag:s17] =	ssyncadd.s32 $0xFFFFE000  }
0x74: {  	[tilespmem:s21], [sflag:$0x2] =	stream.indirect.gather [hbm4b:s4+s19], $0x40, s1, s19, $0xb8;
	[tilespmem:$0x19000] =	vst v63  }
0x75: {  	_ =	swait.ge [sflag:s28], $0x2000  }
0x76: {  	[sflag:s28] =	ssyncset.done $0x0  }
0x77: {  	s1 =	sadd.s32 $0x2900, s31;
	[sflag:s28] =	ssyncadd.s32 $0xFFFFE000  }
0x78: {  	[spmem:s2] =	stream.indirect.scatter.add.f32 [tilespmem:s23], [sflag:$0x6], $0x40, s1, s19, $0xb8;
	[tilespmem:$0x19000] =	vst v63  }
0x79: {  	_ =	swait.ge [sflag:s17], $0x2000  }
0x7a: {  	[sflag:s17] =	ssyncset.done $0x0  }
0x7b: {  	s1 =	sadd.s32 $0x300, s31;
	[sflag:s17] =	ssyncadd.s32 $0xFFFFE000  }
0x7c: {  	[tilespmem:s23], [sflag:$0x3] =	stream.indirect.gather [hbm4b:s4+s19], $0x40, s1, s19, $0xb8;
	[tilespmem:$0x19000] =	vst v63  }
0x7d: {  	_ =	swait.ge [sflag:s29], $0x2000  }
0x7e: {  	[sflag:s29] =	ssyncset.done $0x0  }
.Ltmp1:
0x7f: {  	s1 =	sadd.s32 $0x2980, s31;
	[sflag:s29] =	ssyncadd.s32 $0xFFFFE000;
	(pc) =	sbr.rel @p0 .LBB2_4-.Ltmp1, $4  }
0x80: {  	[spmem:s2] =	stream.indirect.scatter.add.f32 [tilespmem:s25], [sflag:$0x6], $0x40, s1, s19, $0xb8;
	[tilespmem:$0x19000] =	vst v63  }
0x81: {  	_ =	swait.ge [sflag:s17], $0x2000  }
0x82: {  	[sflag:s17] =	ssyncset.done $0x0  }
0x83: {  	s31 =	sadd.s32 $0x380, s31;
	[sflag:s17] =	ssyncadd.s32 $0xFFFFE000  }
0x84: {  	[tilespmem:s25], [sflag:$0x4] =	stream.indirect.gather [hbm4b:s4+s19], $0x40, s31, s19, $0xb8;
	[tilespmem:$0x19000] =	vst v63  }
0x85: {  	_ =	swait.ge [sflag:s5], $0x2000  }
0x86: {  	[sflag:s5] =	ssyncset.done $0x0  }
0x87: {  	s1 =	simm.s32 $0x4E00;
	[sflag:s5] =	ssyncadd.s32 $0xFFFFE000  }
0x88: {  	[spmem:s2] =	stream.indirect.scatter.add.f32 [tilespmem:s20], [sflag:$0x6], $0x40, s1, s19, $0xb8;
	[tilespmem:$0x19000] =	vst v63  }
0x89: {  	_ =	swait.ge [sflag:s17], $0x2000  }
0x8a: {  	[sflag:s17] =	ssyncset.done $0x0  }
0x8b: {  	[sflag:s17] =	ssyncadd.s32 $0xFFFFE000  }
0x8c: {  	_ =	swait.ge [sflag:s26], $0x2000  }
0x8d: {  	[sflag:s26] =	ssyncset.done $0x0  }
0x8e: {  	s31 =	simm.s32 $0x4E80;
	[sflag:s26] =	ssyncadd.s32 $0xFFFFE000  }
0x8f: {  	[spmem:s2] =	stream.indirect.scatter.add.f32 [tilespmem:s21], [sflag:$0x6], $0x40, s31, s19, $0xb8;
	[tilespmem:$0x19000] =	vst v63  }
0x90: {  	_ =	swait.ge [sflag:s17], $0x2000  }
0x91: {  	[sflag:s17] =	ssyncset.done $0x0  }
0x92: {  	[sflag:s17] =	ssyncadd.s32 $0xFFFFE000  }
0x93: {  	_ =	swait.ge [sflag:s28], $0x2000  }
0x94: {  	[sflag:s28] =	ssyncset.done $0x0  }
0x95: {  	s30 =	simm.s32 $0x4F00;
	[sflag:s28] =	ssyncadd.s32 $0xFFFFE000  }
0x96: {  	[spmem:s2] =	stream.indirect.scatter.add.f32 [tilespmem:s23], [sflag:$0x6], $0x40, s30, s19, $0xb8;
	[tilespmem:$0x19000] =	vst v63  }
0x97: {  	_ =	swait.ge [sflag:s17], $0x2000  }
0x98: {  	[sflag:s17] =	ssyncset.done $0x0  }
0x99: {  	[sflag:s17] =	ssyncadd.s32 $0xFFFFE000  }
0x9a: {  	_ =	swait.ge [sflag:s29], $0x2000  }
0x9b: {  	[sflag:s29] =	ssyncset.done $0x0  }
0x9c: {  	[sflag:s29] =	ssyncadd.s32 $0xFFFFE000  }
0x9d: {  	[spmem:s2] =	stream.indirect.scatter.add.f32 [tilespmem:s25], [sflag:$0x6], $0x40, s6, s19, $0xb8;
	[tilespmem:$0x19000] =	vst v63  }
0x9e: {  	s31 =	stileid.u32;
	_ =	swait.ge [sflag:s17], $0x2000  }
0x9f: {  	s24 =	sadd.s32 $0x1, s24;
	s1 =	sshll.u32 s31, $0x6;
	[sflag:s17] =	ssyncset.done $0x0  }
0xa0: {  	p0 =	sne.s32 s24, s11;
	s1 =	sor.u32 $0x1C06, s1;
	[sflag:s17] =	ssyncadd.s32 $0xFFFFE000  }
.Ltmp2:
0xa1: {  	s30 =	sshrl.u32 s9, $0x3;
	[bflag:$0x0] =	sbarrier.arrive $0xFFFF;
	(pc) =	sbr.rel @p0 .LBB2_1-.Ltmp2, $4  }
0xa2: {  	[hbm:s10@s0], [sflag:s1] =	dma.strided [spmem:s30@s22], $0x1400, s5, $0x8   }
0xa3: {  	_ =	swait.ge [sflag:s17], $0x1400  }
0xa4: {  	[sflag:s17] =	ssyncset.done $0x0  }
0xa5: {  	[sflag:s17] =	ssyncadd.s32 $0xFFFFEC00  }
0xa6: {  	_ =	sfence.sel $0x180000  }
0xa7: {  	[bflag:$0x0] =	sbarrier.arrive $0xFFFF  }
0xa8: {  	_ =	strace $0x9000004A  }
0xa9: {  	s0 =	stileid.u32;
	[bflag:$0x2] =	sbarrier.arrive $0xFFFF  }
0xaa: {  	p0 =	sne.s32 s0, $0x0;
	s0 =	rddreg [dreg:$0x3]  }
0xab: {  	s0 =	sadd.s32 @!p0 $0x100000, s0  }
0xac: {  	[sflag:s0] =	ssyncadd.tile.s32 @!p0 $0x1;
	_ =	shalt  }
.Lfunc_end2:
_tile_overlayer_lowered:
.L_overlay_start_2:
0xad: {  	(tag) =	ssettag $0x2  }
0xae: {  	s0 =	rddreg [dreg:$0x0];
	s2 =	stileid.u32  }
0xaf: {  	s1 =	rddreg [dreg:$0x1];
	p0 =	sne.s32 s2, $0x0  }
0xb0: {  	s3 =	rddreg [dreg:$0x2];
	[bflag:$0x3] =	sbarrier.arrive $0xFFFF;
	s2 =	simm.s32 @!p0 $0x1C06  }
0xb1: {  	[timem:s3], [sflag:s2] =	dma.local @!p0 [hbm:s0], s1  }
0xb2: {  	s0 =	simm.s32 @!p0 $0x6  }
0xb3: {  	_ =	swait.ge @!p0 [sflag:s0], s1  }
0xb4: {  	s1 =	ssub.s32 @!p0 $0x0, s1;
	[sflag:s0] =	ssyncset.done @!p0 $0x0  }
0xb5: {  	[sflag:s0] =	ssyncadd.s32 @!p0 s1  }
0xb6: {  	[bflag:$0x3] =	sbarrier.arrive $0xFFFF  }
0xb7: {  	_ =	shalt  }

</sc_bundles>
